<compile_context>
chip_gen: v7x
topology: tpu7x:2x2x1
jax: 0.10.2.dev20260603
libtpu: 0.0.44.dev20260713+nightly
codegen_flags: <defaults>
</compile_context>

<pallas_src>
import functools

import jax
import jax.numpy as jnp
from jax import lax
from jax.experimental import pallas as pl
from jax.experimental.pallas import tpu as pltpu
from jax.experimental.pallas import tpu_sc as plsc

N = 10000
E = 320000
D = 128
NG = 64
ATOM_F = 9
ATOM_V = 100
BOND_F = 3
BOND_V = 5


NC = 2
NS = 16
NW = NC * NS
CH = 128
NCHUNK = E // CH
ITERS = -(-NCHUNK // NW)
ITERS_SC = -(-NCHUNK // NS)
ROWS_PER_SUB = 624
TAIL_BASE = ROWS_PER_SUB * NS
TAIL_ROWS = N - TAIL_BASE

_mesh = plsc.VectorSubcoreMesh(core_axis_name="c", subcore_axis_name="s")



@functools.partial(
    pl.kernel, mesh=_mesh,
    out_type=[jax.ShapeDtypeStruct((E, D), jnp.float32)] * 3,
    scratch_types=[
        pltpu.VMEM((CH,), jnp.int32),
        pltpu.VMEM((CH,), jnp.int32),
        pltpu.VMEM((CH, D), jnp.float32),
        pltpu.VMEM((CH, D), jnp.float32),
        pltpu.VMEM((CH, D), jnp.float32),
        pltpu.SemaphoreType.DMA,
        pltpu.SemaphoreType.DMA,
    ],
)
def _sc_gather3(k_hbm, v_hbm, q_hbm, src_hbm, dst_hbm,
                ks_out, vs_out, qd_out, sidx, didx, kb, vb, qb, sem, wsem):
    w = lax.axis_index("s") * NC + lax.axis_index("c")

    def body(i, carry):
        ch = w + i * NW

        @pl.when(ch < NCHUNK)
        def _():
            base = ch * CH
            pltpu.sync_copy(src_hbm.at[pl.ds(base, CH)], sidx)
            pltpu.sync_copy(dst_hbm.at[pl.ds(base, CH)], didx)
            ck = pltpu.async_copy(k_hbm.at[sidx], kb, sem)
            cv = pltpu.async_copy(v_hbm.at[sidx], vb, sem)
            cq = pltpu.async_copy(q_hbm.at[didx], qb, sem)
            ck.wait()
            wk = pltpu.async_copy(kb, ks_out.at[pl.ds(base, CH)], wsem)
            cv.wait()
            wv = pltpu.async_copy(vb, vs_out.at[pl.ds(base, CH)], wsem)
            cq.wait()
            wq = pltpu.async_copy(qb, qd_out.at[pl.ds(base, CH)], wsem)
            wk.wait()
            wv.wait()
            wq.wait()

        return carry

    lax.fori_loop(0, ITERS, body, 0)



@functools.partial(
    pl.kernel, mesh=_mesh,
    out_type=jax.ShapeDtypeStruct((NC, N, D), jnp.float32),
    scratch_types=[
        pltpu.VMEM((CH,), jnp.int32),
        pltpu.VMEM((CH, D), jnp.float32),
        pltpu.VMEM_SHARED((N, D), jnp.float32),
        pltpu.SemaphoreType.DMA,
    ],
)
def _sc_scatter_add(msg_hbm, exb_hbm, dst_hbm, zeros_hbm, out_hbm,
                    didx, mb, shared, sem):
    c = lax.axis_index("c")
    s = lax.axis_index("s")
    rbase = s * ROWS_PER_SUB

    pltpu.sync_copy(zeros_hbm.at[pl.ds(rbase, ROWS_PER_SUB)],
                    shared.at[pl.ds(rbase, ROWS_PER_SUB)])

    @pl.when(s == NS - 1)
    def _():
        pltpu.sync_copy(zeros_hbm.at[pl.ds(TAIL_BASE, TAIL_ROWS)],
                        shared.at[pl.ds(TAIL_BASE, TAIL_ROWS)])

    plsc.subcore_barrier()

    def body(i, carry):
        ch = s + i * NS

        @pl.when(ch < NCHUNK)
        def _():
            base = ch * CH
            pltpu.sync_copy(dst_hbm.at[pl.ds(base, CH)], didx)

            @pl.when(c == 0)
            def _():
                pltpu.sync_copy(msg_hbm.at[pl.ds(base, CH)], mb)

            @pl.when(c == 1)
            def _():
                pltpu.sync_copy(exb_hbm.at[pl.ds(base, CH)], mb)

            pltpu.sync_copy(mb, shared.at[didx], add=True)

        return carry

    lax.fori_loop(0, ITERS_SC, body, 0)
    plsc.subcore_barrier()
    pltpu.sync_copy(shared.at[pl.ds(rbase, ROWS_PER_SUB)],
                    out_hbm.at[c, pl.ds(rbase, ROWS_PER_SUB)])

    @pl.when(s == NS - 1)
    def _():
        pltpu.sync_copy(shared.at[pl.ds(TAIL_BASE, TAIL_ROWS)],
                        out_hbm.at[c, pl.ds(TAIL_BASE, TAIL_ROWS)])



NBLK = 2000
EBLK = 2000


def _atom_emb_body(x_ref, emb_ref, out_ref):
    acc = jnp.zeros((NBLK, D), jnp.float32)
    for f in range(ATOM_F):
        col = x_ref[:, f]
        iota = lax.broadcasted_iota(jnp.int32, (NBLK, ATOM_V), 1)
        oh = (col[:, None] == iota).astype(jnp.float32)
        acc = acc + jnp.dot(oh, emb_ref[f], preferred_element_type=jnp.float32)
    out_ref[...] = acc


def _atom_emb(xT, atom_emb):
    return pl.pallas_call(
        _atom_emb_body,
        grid=(N // NBLK,),
        in_specs=[
            pl.BlockSpec((NBLK, ATOM_F), lambda i: (i, 0)),
            pl.BlockSpec((ATOM_F, ATOM_V, D), lambda i: (0, 0, 0)),
        ],
        out_specs=pl.BlockSpec((NBLK, D), lambda i: (i, 0)),
        out_shape=jax.ShapeDtypeStruct((N, D), jnp.float32),
    )(xT, atom_emb)


def _bond_tables_body(bemb_ref, we_ref, out_ref):
    flat = bemb_ref[...].reshape(BOND_F * BOND_V, D)
    for l in range(3):
        out_ref[l, :, :] = jnp.dot(flat, we_ref[l], preferred_element_type=jnp.float32)


def _bond_tables(bond_emb, We3):
    return pl.pallas_call(
        _bond_tables_body,
        out_shape=jax.ShapeDtypeStruct((3, BOND_F * BOND_V, D), jnp.float32),
    )(bond_emb, We3)


def _proj_body(xh_ref, w_ref, b_ref, q_ref, k_ref, v_ref, s_ref):
    xh = xh_ref[...]
    y = jnp.dot(xh, w_ref[...], preferred_element_type=jnp.float32) + b_ref[...]
    q_ref[...] = y[:, 0 * D:1 * D]
    k_ref[...] = y[:, 1 * D:2 * D]
    v_ref[...] = y[:, 2 * D:3 * D]
    s_ref[...] = y[:, 3 * D:4 * D]


def _proj(xh, w_cat, b_cat):
    outs = [jax.ShapeDtypeStruct((N, D), jnp.float32)] * 4
    return pl.pallas_call(
        _proj_body,
        grid=(N // NBLK,),
        in_specs=[
            pl.BlockSpec((NBLK, D), lambda i: (i, 0)),
            pl.BlockSpec((D, 4 * D), lambda i: (0, 0)),
            pl.BlockSpec((1, 4 * D), lambda i: (0, 0)),
        ],
        out_specs=[pl.BlockSpec((NBLK, D), lambda i: (i, 0))] * 4,
        out_shape=outs,
    )(xh, w_cat, b_cat)


def _edge_body(attr_ref, tab_ref, ks_ref, vs_ref, qd_ref, msg_ref, exb_ref):
    oh = jnp.zeros((EBLK, BOND_F * BOND_V), jnp.float32)
    iota = lax.broadcasted_iota(jnp.int32, (EBLK, BOND_F * BOND_V), 1)
    for f in range(BOND_F):
        col = attr_ref[:, f]
        oh = oh + (col[:, None] + (f * BOND_V) == iota).astype(jnp.float32)
    e = jnp.dot(oh, tab_ref[...], preferred_element_type=jnp.float32)
    kj = ks_ref[...] + e
    vj = vs_ref[...] + e
    alpha = jnp.sum(qd_ref[...] * kj, axis=1) * (1.0 / (D ** 0.5))
    ex = jnp.exp(alpha)
    msg_ref[...] = ex[:, None] * vj
    exb_ref[...] = jnp.broadcast_to(ex[:, None], (EBLK, D))


def _edge(attrT, table_l, ks, vs, qd):
    return pl.pallas_call(
        _edge_body,
        grid=(E // EBLK,),
        in_specs=[
            pl.BlockSpec((EBLK, BOND_F), lambda i: (i, 0)),
            pl.BlockSpec((BOND_F * BOND_V, D), lambda i: (0, 0)),
            pl.BlockSpec((EBLK, D), lambda i: (i, 0)),
            pl.BlockSpec((EBLK, D), lambda i: (i, 0)),
            pl.BlockSpec((EBLK, D), lambda i: (i, 0)),
        ],
        out_specs=[pl.BlockSpec((EBLK, D), lambda i: (i, 0))] * 2,
        out_shape=[jax.ShapeDtypeStruct((E, D), jnp.float32)] * 2,
    )(attrT, table_l, ks, vs, qd)


def _combine_body(relu, a_ref, b_ref, skip_ref, out_ref):
    num = a_ref[0]
    den = b_ref[0][:, 0:1]
    out = num / (den + 1e-16) + skip_ref[...]
    if relu:
        out = jnp.maximum(out, 0.0)
    out_ref[...] = out


def _combine(parts, skip, relu):
    return pl.pallas_call(
        functools.partial(_combine_body, relu),
        grid=(N // NBLK,),
        in_specs=[
            pl.BlockSpec((1, NBLK, D), lambda i: (0, i, 0)),
            pl.BlockSpec((1, NBLK, D), lambda i: (1, i, 0)),
            pl.BlockSpec((NBLK, D), lambda i: (i, 0)),
        ],
        out_specs=pl.BlockSpec((NBLK, D), lambda i: (i, 0)),
        out_shape=jax.ShapeDtypeStruct((N, D), jnp.float32),
    )(parts, parts, skip)


def _pool_body(xh_ref, batch_ref, lw_ref, lb_ref, out_ref):
    xh = xh_ref[...]
    b = batch_ref[0, :]
    iota = lax.broadcasted_iota(jnp.int32, (N, NG), 1)
    oh = (b[:, None] == iota).astype(jnp.float32)
    sums = lax.dot_general(oh, xh, (((0,), (0,)), ((), ())),
                           preferred_element_type=jnp.float32)
    cnt = jnp.sum(oh, axis=0)
    pooled = sums / jnp.maximum(cnt, 1.0)[:, None]
    out_ref[...] = jnp.dot(pooled, lw_ref[...],
                           preferred_element_type=jnp.float32) + lb_ref[0, 0]


def _pool(xh, batch2d, lin_w, lin_b):
    return pl.pallas_call(
        _pool_body,
        out_shape=jax.ShapeDtypeStruct((NG, 1), jnp.float32),
    )(xh, batch2d, lin_w, lin_b)



@jax.jit
def _run(params, x, edge_index, edge_attr, batch):
    xT = x.astype(jnp.int32)
    attrT = edge_attr.astype(jnp.int32)
    src = edge_index[0].astype(jnp.int32)
    dst = edge_index[1].astype(jnp.int32)
    zeros = jnp.zeros((N, D), jnp.float32)

    We3 = jnp.stack([params['convs'][l]['We'] for l in range(3)])
    tables = _bond_tables(params['bond_emb'], We3)

    xh = _atom_emb(xT, params['atom_emb'])

    for l in range(3):
        p = params['convs'][l]
        w_cat = jnp.concatenate([p['Wq'], p['Wk'], p['Wv'], p['Wskip']], axis=1)
        b_cat = jnp.concatenate([p['bq'], p['bk'], p['bv'], p['bskip']])[None, :]
        q, k, v, skip = _proj(xh, w_cat, b_cat)
        ks, vs, qd = _sc_gather3(k, v, q, src, dst)
        msg, exb = _edge(attrT, tables[l], ks, vs, qd)
        parts = _sc_scatter_add(msg, exb, dst, zeros)
        xh = _combine(parts, skip, relu=(l < 2))

    return _pool(xh, batch[None, :].astype(jnp.int32),
                 params['lin_w'], params['lin_b'][None, :])


def kernel(params, x, edge_index, edge_attr, batch):
    return _run(params, x, edge_index, edge_attr, batch)

# --- scband reference (transcript-rebuilt; emitter-appended) ---
"""Pipeline reference for scband-gcn-87823491269060 (READ-ONLY COPY).

The authoritative reference and input builder live on the scoring server;
editing this copy changes nothing except your own understanding.
"""

import jax, jax.numpy as jnp
import numpy as np

N = 10000
E = 320000
D = 128
NG = 64
ATOM_F = 9
ATOM_V = 100
BOND_F = 3
BOND_V = 5


def _lin_init(k, i, o):
    lim = np.sqrt(6.0 / (i + o))
    return jax.random.uniform(k, (i, o), jnp.float32, -lim, lim)


def setup_inputs(seed: int = 0):
    key = jax.random.key(seed)
    ks = jax.random.split(key, 64)
    x = jax.random.randint(ks[0], (N, ATOM_F), 0, ATOM_V)
    edge_index = jax.random.randint(ks[1], (2, E), 0, N)
    edge_attr = jax.random.randint(ks[2], (E, BOND_F), 0, BOND_V)
    batch = jnp.sort(jax.random.randint(ks[3], (N,), 0, NG))
    params = {
        'atom_emb': jax.random.normal(ks[4], (ATOM_F, ATOM_V, D), jnp.float32) * 0.1,
        'bond_emb': jax.random.normal(ks[5], (BOND_F, BOND_V, D), jnp.float32) * 0.1,
    }
    idx = 6
    convs = []
    for l in range(3):
        p = {}
        for name in ['Wq', 'Wk', 'Wv', 'We', 'Wskip']:
            p[name] = _lin_init(ks[idx], D, D)
            idx += 1
        for name in ['bq', 'bk', 'bv', 'bskip']:
            p[name] = jnp.zeros((D,), jnp.float32)
        convs.append(p)
    params['convs'] = convs
    params['lin_w'] = _lin_init(ks[idx], D, 1)
    params['lin_b'] = jnp.zeros((1,), jnp.float32)
    return {'params': params, 'x': x, 'edge_index': edge_index, 'edge_attr': edge_attr, 'batch': batch}


def _transformer_conv(xh, src, dst, e_emb, p):
    # PyG TransformerConv, heads=1, concat=True, edge_dim=D, root_weight=True, beta=False
    q = xh @ p['Wq'] + p['bq']
    k = xh @ p['Wk'] + p['bk']
    v = xh @ p['Wv'] + p['bv']
    e = e_emb @ p['We']  # lin_edge has no bias in PyG
    kj = k[src] + e
    vj = v[src] + e
    qi = q[dst]
    alpha = jnp.sum(qi * kj, axis=-1) / jnp.sqrt(jnp.float32(D))
    # segment softmax over destination nodes
    m = jax.ops.segment_max(alpha, dst, num_segments=N)
    m = jnp.where(jnp.isfinite(m), m, 0.0)
    ex = jnp.exp(alpha - m[dst])
    den = jax.ops.segment_sum(ex, dst, num_segments=N)
    a = ex / (den[dst] + 1e-16)
    out = jax.ops.segment_sum(a[:, None] * vj, dst, num_segments=N)
    return out + xh @ p['Wskip'] + p['bskip']


def _forward(params, x, edge_index, edge_attr, batch):
    # AtomEncoder: sum of per-feature embedding lookups
    xh = jnp.zeros((N, D), jnp.float32)
    for f in range(ATOM_F):
        xh = xh + params['atom_emb'][f][x[:, f]]
    # BondEncoder
    ee = jnp.zeros((E, D), jnp.float32)
    for f in range(BOND_F):
        ee = ee + params['bond_emb'][f][edge_attr[:, f]]
    src = edge_index[0]
    dst = edge_index[1]
    xh = jax.nn.relu(_transformer_conv(xh, src, dst, ee, params['convs'][0]))
    xh = jax.nn.relu(_transformer_conv(xh, src, dst, ee, params['convs'][1]))
    xh = _transformer_conv(xh, src, dst, ee, params['convs'][2])
    # global_mean_pool over batch vector
    sums = jax.ops.segment_sum(xh, batch, num_segments=NG)
    cnt = jax.ops.segment_sum(jnp.ones((N,), jnp.float32), batch, num_segments=NG)
    pooled = sums / jnp.clip(cnt, 1.0)[:, None]
    # dropout: eval mode -> identity
    return pooled @ params['lin_w'] + params['lin_b']


def reference(params, x, edge_index, edge_attr, batch):
    return _forward(params, x, edge_index, edge_attr, batch)

if __name__ == "__main__":
    import jax
    _d = setup_inputs()
    print(jax.jit(kernel)(*tuple(_d.values())))

</pallas_src>

<mosaic_0001>
#map = affine_map<(d0, d1) -> (0, 0)>
#map1 = affine_map<(d0, d1) -> (0)>
#map2 = affine_map<(d0, d1) -> (0, 0, 0)>
module attributes {stable_mosaic.version = 14 : i64} {
  func.func @_sc_scatter_add(%arg0: i32, %arg1: i32, %arg2: memref<320000x128xf32, #tpu.memory_space<hbm>>, %arg3: memref<320000x128xf32, #tpu.memory_space<hbm>>, %arg4: memref<320000xi32, #tpu.memory_space<hbm>>, %arg5: memref<10000x128xf32, #tpu.memory_space<hbm>>, %arg6: memref<2x10000x128xf32, #tpu.memory_space<hbm>>, %arg7: memref<128xi32, #tpu.memory_space<vmem>>, %arg8: memref<128x128xf32, #tpu.memory_space<vmem>>, %arg9: memref<10000x128xf32, #tpu.memory_space<vmem_shared>>, %arg10: memref<!tpu.dma_semaphore, #tpu.memory_space<semaphore_mem>>) attributes {dimension_semantics = [#tpu.dimension_semantics<core_parallel>, #tpu.dimension_semantics<subcore_parallel>], iteration_bounds = array<i64: 2, 16>, scalar_prefetch = 0 : i64, scratch_operands = 4 : i64, tpu.core_type = #tpu.core_type<sc_vector_subcore>, window_params = [{transform_indices = #map}, {transform_indices = #map}, {transform_indices = #map1}, {transform_indices = #map}, {transform_indices = #map2}]} {
    %mul3A = arith.constant 624 : i32
    %mul3A_0 = arith.muli %arg1, %mul3A : i32
    "tpu.region"() ({
      %run_scoped3A = tpu.sem_alloc : memref<!tpu.dma_semaphore, #tpu.memory_space<semaphore_mem>>
      %dma_start3A = arith.constant 0 : i32
      %dma_start3A_14 = tpu.memref_slice %arg9[%mul3A_0, %dma_start3A] : memref<10000x128xf32, #tpu.memory_space<vmem_shared>> -> memref<624x128xf32, #tpu.memory_space<vmem_shared>>
      %dma_start3A_15 = arith.constant 0 : i32
      %dma_start3A_16 = tpu.memref_slice %arg5[%mul3A_0, %dma_start3A_15] : memref<10000x128xf32, #tpu.memory_space<hbm>> -> memref<624x128xf32, #tpu.memory_space<hbm>>
      tpu.enqueue_dma source(%dma_start3A_16 : memref<624x128xf32, #tpu.memory_space<hbm>>) target(%dma_start3A_14 : memref<624x128xf32, #tpu.memory_space<vmem_shared>>) target_semaphore(%run_scoped3A : memref<!tpu.dma_semaphore, #tpu.memory_space<semaphore_mem>>)
      %dma_wait3A = arith.constant 0 : i32
      %dma_wait3A_17 = tpu.memref_slice %arg9[%mul3A_0, %dma_wait3A] : memref<10000x128xf32, #tpu.memory_space<vmem_shared>> -> memref<624x128xf32, #tpu.memory_space<vmem_shared>>
      %dma_wait3A_18 = arith.constant 0 : i32
      %dma_wait3A_19 = tpu.memref_slice %arg5[%mul3A_0, %dma_wait3A_18] : memref<10000x128xf32, #tpu.memory_space<hbm>> -> memref<624x128xf32, #tpu.memory_space<hbm>>
      tpu.wait_dma2 semaphore(%run_scoped3A : memref<!tpu.dma_semaphore, #tpu.memory_space<semaphore_mem>>) src(%dma_wait3A_19 : memref<624x128xf32, #tpu.memory_space<hbm>>) dst(%dma_wait3A_17 : memref<624x128xf32, #tpu.memory_space<vmem_shared>>)
      tpu.yield
    }) : () -> ()
    %eq3A = arith.constant 15 : i32
    %eq3A_1 = arith.cmpi eq, %arg1, %eq3A : i32
    %convert_element_type3A = arith.extui %eq3A_1 : i1 to i32
    %cond3A = arith.constant 0 : i32
    %cond3A_2 = arith.cmpi ne, %convert_element_type3A, %cond3A : i32
    scf.if %cond3A_2 {
      "tpu.region"() ({
        %run_scoped3A = tpu.sem_alloc : memref<!tpu.dma_semaphore, #tpu.memory_space<semaphore_mem>>
        %dma_start3A = arith.constant 9984 : i32
        %dma_start3A_14 = arith.constant 0 : i32
        %dma_start3A_15 = tpu.memref_slice %arg9[%dma_start3A, %dma_start3A_14] : memref<10000x128xf32, #tpu.memory_space<vmem_shared>> -> memref<16x128xf32, #tpu.memory_space<vmem_shared>>
        %dma_start3A_16 = arith.constant 9984 : i32
        %dma_start3A_17 = arith.constant 0 : i32
        %dma_start3A_18 = tpu.memref_slice %arg5[%dma_start3A_16, %dma_start3A_17] : memref<10000x128xf32, #tpu.memory_space<hbm>> -> memref<16x128xf32, #tpu.memory_space<hbm>>
        tpu.enqueue_dma source(%dma_start3A_18 : memref<16x128xf32, #tpu.memory_space<hbm>>) target(%dma_start3A_15 : memref<16x128xf32, #tpu.memory_space<vmem_shared>>) target_semaphore(%run_scoped3A : memref<!tpu.dma_semaphore, #tpu.memory_space<semaphore_mem>>)
        %dma_wait3A = arith.constant 9984 : i32
        %dma_wait3A_19 = arith.constant 0 : i32
        %dma_wait3A_20 = tpu.memref_slice %arg9[%dma_wait3A, %dma_wait3A_19] : memref<10000x128xf32, #tpu.memory_space<vmem_shared>> -> memref<16x128xf32, #tpu.memory_space<vmem_shared>>
        %dma_wait3A_21 = arith.constant 9984 : i32
        %dma_wait3A_22 = arith.constant 0 : i32
        %dma_wait3A_23 = tpu.memref_slice %arg5[%dma_wait3A_21, %dma_wait3A_22] : memref<10000x128xf32, #tpu.memory_space<hbm>> -> memref<16x128xf32, #tpu.memory_space<hbm>>
        tpu.wait_dma2 semaphore(%run_scoped3A : memref<!tpu.dma_semaphore, #tpu.memory_space<semaphore_mem>>) src(%dma_wait3A_23 : memref<16x128xf32, #tpu.memory_space<hbm>>) dst(%dma_wait3A_20 : memref<16x128xf32, #tpu.memory_space<vmem_shared>>)
        tpu.yield
      }) : () -> ()
    } else {
    }
    %barrier3A = arith.constant 0 : index
    tpu.barrier barrier_id(%barrier3A)
    %scan3A = arith.constant 0 : i32
    %scan3A_3 = arith.constant 0 : i32
    %scan3A_4 = arith.constant 157 : i32
    %scan3A_5 = arith.addi %scan3A_3, %scan3A_4 : i32
    %scan3A_6 = arith.constant 1 : i32
    scf.for %scan3A_14 = %scan3A_3 to %scan3A_5 step %scan3A_6  : i32 {
      %mul3A_15 = arith.constant 16 : i32
      %mul3A_16 = arith.muli %scan3A_14, %mul3A_15 : i32
      %add3A = arith.addi %arg1, %mul3A_16 : i32
      %lt3A = arith.constant 2500 : i32
      %lt3A_17 = arith.cmpi slt, %add3A, %lt3A : i32
      %convert_element_type3A_18 = arith.extui %lt3A_17 : i1 to i32
      %cond3A_19 = arith.constant 0 : i32
      %cond3A_20 = arith.cmpi ne, %convert_element_type3A_18, %cond3A_19 : i32
      scf.if %cond3A_20 {
        %mul3A_21 = arith.constant 128 : i32
        %mul3A_22 = arith.muli %add3A, %mul3A_21 : i32
        "tpu.region"() ({
          %run_scoped3A = tpu.sem_alloc : memref<!tpu.dma_semaphore, #tpu.memory_space<semaphore_mem>>
          %dma_start3A = tpu.memref_slice %arg4[%mul3A_22] : memref<320000xi32, #tpu.memory_space<hbm>> -> memref<128xi32, #tpu.memory_space<hbm>>
          %dma_start3A_33 = tpu.memref_slice %arg4[%mul3A_22] : memref<320000xi32, #tpu.memory_space<hbm>> -> memref<128xi32, #tpu.memory_space<hbm>>
          tpu.enqueue_dma source(%dma_start3A_33 : memref<128xi32, #tpu.memory_space<hbm>>) target(%arg7 : memref<128xi32, #tpu.memory_space<vmem>>) target_semaphore(%run_scoped3A : memref<!tpu.dma_semaphore, #tpu.memory_space<semaphore_mem>>)
          %dma_wait3A = tpu.memref_slice %arg4[%mul3A_22] : memref<320000xi32, #tpu.memory_space<hbm>> -> memref<128xi32, #tpu.memory_space<hbm>>
          %dma_wait3A_34 = tpu.memref_slice %arg4[%mul3A_22] : memref<320000xi32, #tpu.memory_space<hbm>> -> memref<128xi32, #tpu.memory_space<hbm>>
          tpu.wait_dma2 semaphore(%run_scoped3A : memref<!tpu.dma_semaphore, #tpu.memory_space<semaphore_mem>>) src(%dma_wait3A_34 : memref<128xi32, #tpu.memory_space<hbm>>) dst(%arg7 : memref<128xi32, #tpu.memory_space<vmem>>)
          tpu.yield
        }) : () -> ()
        %eq3A_23 = arith.constant 0 : i32
        %eq3A_24 = arith.cmpi eq, %arg0, %eq3A_23 : i32
        %convert_element_type3A_25 = arith.extui %eq3A_24 : i1 to i32
        %cond3A_26 = arith.constant 0 : i32
        %cond3A_27 = arith.cmpi ne, %convert_element_type3A_25, %cond3A_26 : i32
        scf.if %cond3A_27 {
          "tpu.region"() ({
            %run_scoped3A = tpu.sem_alloc : memref<!tpu.dma_semaphore, #tpu.memory_space<semaphore_mem>>
            %dma_start3A = arith.constant 0 : i32
            %dma_start3A_33 = tpu.memref_slice %arg2[%mul3A_22, %dma_start3A] : memref<320000x128xf32, #tpu.memory_space<hbm>> -> memref<128x128xf32, #tpu.memory_space<hbm>>
            %dma_start3A_34 = arith.constant 0 : i32
            %dma_start3A_35 = tpu.memref_slice %arg2[%mul3A_22, %dma_start3A_34] : memref<320000x128xf32, #tpu.memory_space<hbm>> -> memref<128x128xf32, #tpu.memory_space<hbm>>
            tpu.enqueue_dma source(%dma_start3A_35 : memref<128x128xf32, #tpu.memory_space<hbm>>) target(%arg8 : memref<128x128xf32, #tpu.memory_space<vmem>>) target_semaphore(%run_scoped3A : memref<!tpu.dma_semaphore, #tpu.memory_space<semaphore_mem>>)
            %dma_wait3A = arith.constant 0 : i32
            %dma_wait3A_36 = tpu.memref_slice %arg2[%mul3A_22, %dma_wait3A] : memref<320000x128xf32, #tpu.memory_space<hbm>> -> memref<128x128xf32, #tpu.memory_space<hbm>>
            %dma_wait3A_37 = arith.constant 0 : i32
            %dma_wait3A_38 = tpu.memref_slice %arg2[%mul3A_22, %dma_wait3A_37] : memref<320000x128xf32, #tpu.memory_space<hbm>> -> memref<128x128xf32, #tpu.memory_space<hbm>>
            tpu.wait_dma2 semaphore(%run_scoped3A : memref<!tpu.dma_semaphore, #tpu.memory_space<semaphore_mem>>) src(%dma_wait3A_38 : memref<128x128xf32, #tpu.memory_space<hbm>>) dst(%arg8 : memref<128x128xf32, #tpu.memory_space<vmem>>)
            tpu.yield
          }) : () -> ()
        } else {
        }
        %eq3A_28 = arith.constant 1 : i32
        %eq3A_29 = arith.cmpi eq, %arg0, %eq3A_28 : i32
        %convert_element_type3A_30 = arith.extui %eq3A_29 : i1 to i32
        %cond3A_31 = arith.constant 0 : i32
        %cond3A_32 = arith.cmpi ne, %convert_element_type3A_30, %cond3A_31 : i32
        scf.if %cond3A_32 {
          "tpu.region"() ({
            %run_scoped3A = tpu.sem_alloc : memref<!tpu.dma_semaphore, #tpu.memory_space<semaphore_mem>>
            %dma_start3A = arith.constant 0 : i32
            %dma_start3A_33 = tpu.memref_slice %arg3[%mul3A_22, %dma_start3A] : memref<320000x128xf32, #tpu.memory_space<hbm>> -> memref<128x128xf32, #tpu.memory_space<hbm>>
            %dma_start3A_34 = arith.constant 0 : i32
            %dma_start3A_35 = tpu.memref_slice %arg3[%mul3A_22, %dma_start3A_34] : memref<320000x128xf32, #tpu.memory_space<hbm>> -> memref<128x128xf32, #tpu.memory_space<hbm>>
            tpu.enqueue_dma source(%dma_start3A_35 : memref<128x128xf32, #tpu.memory_space<hbm>>) target(%arg8 : memref<128x128xf32, #tpu.memory_space<vmem>>) target_semaphore(%run_scoped3A : memref<!tpu.dma_semaphore, #tpu.memory_space<semaphore_mem>>)
            %dma_wait3A = arith.constant 0 : i32
            %dma_wait3A_36 = tpu.memref_slice %arg3[%mul3A_22, %dma_wait3A] : memref<320000x128xf32, #tpu.memory_space<hbm>> -> memref<128x128xf32, #tpu.memory_space<hbm>>
            %dma_wait3A_37 = arith.constant 0 : i32
            %dma_wait3A_38 = tpu.memref_slice %arg3[%mul3A_22, %dma_wait3A_37] : memref<320000x128xf32, #tpu.memory_space<hbm>> -> memref<128x128xf32, #tpu.memory_space<hbm>>
            tpu.wait_dma2 semaphore(%run_scoped3A : memref<!tpu.dma_semaphore, #tpu.memory_space<semaphore_mem>>) src(%dma_wait3A_38 : memref<128x128xf32, #tpu.memory_space<hbm>>) dst(%arg8 : memref<128x128xf32, #tpu.memory_space<vmem>>)
            tpu.yield
          }) : () -> ()
        } else {
        }
        "tpu.region"() ({
          %run_scoped3A = tpu.sem_alloc : memref<!tpu.dma_semaphore, #tpu.memory_space<semaphore_mem>>
          %dma_start3A = arith.constant 0 : i32
          %dma_start3A_33 = arith.constant 0 : i32
          %dma_start3A_34 = tpu.memref_slice %arg9[%dma_start3A, %dma_start3A_33] : memref<10000x128xf32, #tpu.memory_space<vmem_shared>> -> memref<10000x128xf32, #tpu.memory_space<vmem_shared>>
          tpu.enqueue_indirect_dma source(%arg8 : memref<128x128xf32, #tpu.memory_space<vmem>>) target(%dma_start3A_34 : memref<10000x128xf32, #tpu.memory_space<vmem_shared>>) offsets(%arg7 : memref<128xi32, #tpu.memory_space<vmem>>) semaphore(%run_scoped3A : memref<!tpu.dma_semaphore, #tpu.memory_space<semaphore_mem>>) {add = true}
          %dma_wait3A = arith.constant 0 : i32
          %dma_wait3A_35 = arith.constant 0 : i32
          %dma_wait3A_36 = tpu.memref_slice %arg9[%dma_wait3A, %dma_wait3A_35] : memref<10000x128xf32, #tpu.memory_space<vmem_shared>> -> memref<10000x128xf32, #tpu.memory_space<vmem_shared>>
          tpu.wait_indirect_dma semaphore(%run_scoped3A : memref<!tpu.dma_semaphore, #tpu.memory_space<semaphore_mem>>) src(%arg8 : memref<128x128xf32, #tpu.memory_space<vmem>>) dst(%dma_wait3A_36 : memref<10000x128xf32, #tpu.memory_space<vmem_shared>>)
          tpu.yield
        }) : () -> ()
      } else {
      }
    }
    %scan3A_7 = arith.constant 157 : i32
    %barrier3A_8 = arith.constant 0 : index
    tpu.barrier barrier_id(%barrier3A_8)
    "tpu.region"() ({
      %run_scoped3A = tpu.sem_alloc : memref<!tpu.dma_semaphore, #tpu.memory_space<semaphore_mem>>
      %dma_start3A = arith.constant 0 : i32
      %dma_start3A_14 = tpu.memref_slice %arg6[%arg0, %mul3A_0, %dma_start3A] : memref<2x10000x128xf32, #tpu.memory_space<hbm>> -> memref<1x624x128xf32, #tpu.memory_space<hbm>>
      %dma_start3A_15 = tpu.memref_squeeze %dma_start3A_14 : memref<1x624x128xf32, #tpu.memory_space<hbm>> -> memref<624x128xf32, #tpu.memory_space<hbm>>
      %dma_start3A_16 = arith.constant 0 : i32
      %dma_start3A_17 = tpu.memref_slice %arg9[%mul3A_0, %dma_start3A_16] : memref<10000x128xf32, #tpu.memory_space<vmem_shared>> -> memref<624x128xf32, #tpu.memory_space<vmem_shared>>
      tpu.enqueue_dma source(%dma_start3A_17 : memref<624x128xf32, #tpu.memory_space<vmem_shared>>) target(%dma_start3A_15 : memref<624x128xf32, #tpu.memory_space<hbm>>) target_semaphore(%run_scoped3A : memref<!tpu.dma_semaphore, #tpu.memory_space<semaphore_mem>>)
      %dma_wait3A = arith.constant 0 : i32
      %dma_wait3A_18 = tpu.memref_slice %arg6[%arg0, %mul3A_0, %dma_wait3A] : memref<2x10000x128xf32, #tpu.memory_space<hbm>> -> memref<1x624x128xf32, #tpu.memory_space<hbm>>
      %dma_wait3A_19 = tpu.memref_squeeze %dma_wait3A_18 : memref<1x624x128xf32, #tpu.memory_space<hbm>> -> memref<624x128xf32, #tpu.memory_space<hbm>>
      %dma_wait3A_20 = arith.constant 0 : i32
      %dma_wait3A_21 = tpu.memref_slice %arg9[%mul3A_0, %dma_wait3A_20] : memref<10000x128xf32, #tpu.memory_space<vmem_shared>> -> memref<624x128xf32, #tpu.memory_space<vmem_shared>>
      tpu.wait_dma2 semaphore(%run_scoped3A : memref<!tpu.dma_semaphore, #tpu.memory_space<semaphore_mem>>) src(%dma_wait3A_21 : memref<624x128xf32, #tpu.memory_space<vmem_shared>>) dst(%dma_wait3A_19 : memref<624x128xf32, #tpu.memory_space<hbm>>)
      tpu.yield
    }) : () -> ()
    %eq3A_9 = arith.constant 15 : i32
    %eq3A_10 = arith.cmpi eq, %arg1, %eq3A_9 : i32
    %convert_element_type3A_11 = arith.extui %eq3A_10 : i1 to i32
    %cond3A_12 = arith.constant 0 : i32
    %cond3A_13 = arith.cmpi ne, %convert_element_type3A_11, %cond3A_12 : i32
    scf.if %cond3A_13 {
      "tpu.region"() ({
        %run_scoped3A = tpu.sem_alloc : memref<!tpu.dma_semaphore, #tpu.memory_space<semaphore_mem>>
        %dma_start3A = arith.constant 9984 : i32
        %dma_start3A_14 = arith.constant 0 : i32
        %dma_start3A_15 = tpu.memref_slice %arg6[%arg0, %dma_start3A, %dma_start3A_14] : memref<2x10000x128xf32, #tpu.memory_space<hbm>> -> memref<1x16x128xf32, #tpu.memory_space<hbm>>
        %dma_start3A_16 = tpu.memref_squeeze %dma_start3A_15 : memref<1x16x128xf32, #tpu.memory_space<hbm>> -> memref<16x128xf32, #tpu.memory_space<hbm>>
        %dma_start3A_17 = arith.constant 9984 : i32
        %dma_start3A_18 = arith.constant 0 : i32
        %dma_start3A_19 = tpu.memref_slice %arg9[%dma_start3A_17, %dma_start3A_18] : memref<10000x128xf32, #tpu.memory_space<vmem_shared>> -> memref<16x128xf32, #tpu.memory_space<vmem_shared>>
        tpu.enqueue_dma source(%dma_start3A_19 : memref<16x128xf32, #tpu.memory_space<vmem_shared>>) target(%dma_start3A_16 : memref<16x128xf32, #tpu.memory_space<hbm>>) target_semaphore(%run_scoped3A : memref<!tpu.dma_semaphore, #tpu.memory_space<semaphore_mem>>)
        %dma_wait3A = arith.constant 9984 : i32
        %dma_wait3A_20 = arith.constant 0 : i32
        %dma_wait3A_21 = tpu.memref_slice %arg6[%arg0, %dma_wait3A, %dma_wait3A_20] : memref<2x10000x128xf32, #tpu.memory_space<hbm>> -> memref<1x16x128xf32, #tpu.memory_space<hbm>>
        %dma_wait3A_22 = tpu.memref_squeeze %dma_wait3A_21 : memref<1x16x128xf32, #tpu.memory_space<hbm>> -> memref<16x128xf32, #tpu.memory_space<hbm>>
        %dma_wait3A_23 = arith.constant 9984 : i32
        %dma_wait3A_24 = arith.constant 0 : i32
        %dma_wait3A_25 = tpu.memref_slice %arg9[%dma_wait3A_23, %dma_wait3A_24] : memref<10000x128xf32, #tpu.memory_space<vmem_shared>> -> memref<16x128xf32, #tpu.memory_space<vmem_shared>>
        tpu.wait_dma2 semaphore(%run_scoped3A : memref<!tpu.dma_semaphore, #tpu.memory_space<semaphore_mem>>) src(%dma_wait3A_25 : memref<16x128xf32, #tpu.memory_space<vmem_shared>>) dst(%dma_wait3A_22 : memref<16x128xf32, #tpu.memory_space<hbm>>)
        tpu.yield
      }) : () -> ()
    } else {
    }
    return
  }
}

#map = affine_map<(d0, d1) -> (0, 0)>
#map1 = affine_map<(d0, d1) -> (0)>
module attributes {stable_mosaic.version = 14 : i64} {
  func.func @_sc_gather3(%arg0: i32, %arg1: i32, %arg2: memref<10000x128xf32, #tpu.memory_space<hbm>>, %arg3: memref<10000x128xf32, #tpu.memory_space<hbm>>, %arg4: memref<10000x128xf32, #tpu.memory_space<hbm>>, %arg5: memref<320000xi32, #tpu.memory_space<hbm>>, %arg6: memref<320000xi32, #tpu.memory_space<hbm>>, %arg7: memref<320000x128xf32, #tpu.memory_space<hbm>>, %arg8: memref<320000x128xf32, #tpu.memory_space<hbm>>, %arg9: memref<320000x128xf32, #tpu.memory_space<hbm>>, %arg10: memref<128xi32, #tpu.memory_space<vmem>>, %arg11: memref<128xi32, #tpu.memory_space<vmem>>, %arg12: memref<128x128xf32, #tpu.memory_space<vmem>>, %arg13: memref<128x128xf32, #tpu.memory_space<vmem>>, %arg14: memref<128x128xf32, #tpu.memory_space<vmem>>, %arg15: memref<!tpu.dma_semaphore, #tpu.memory_space<semaphore_mem>>, %arg16: memref<!tpu.dma_semaphore, #tpu.memory_space<semaphore_mem>>) attributes {dimension_semantics = [#tpu.dimension_semantics<core_parallel>, #tpu.dimension_semantics<subcore_parallel>], iteration_bounds = array<i64: 2, 16>, scalar_prefetch = 0 : i64, scratch_operands = 7 : i64, tpu.core_type = #tpu.core_type<sc_vector_subcore>, window_params = [{transform_indices = #map}, {transform_indices = #map}, {transform_indices = #map}, {transform_indices = #map1}, {transform_indices = #map1}, {transform_indices = #map}, {transform_indices = #map}, {transform_indices = #map}]} {
    %mul3A = arith.constant 2 : i32
    %mul3A_0 = arith.muli %arg1, %mul3A : i32
    %add3A = arith.addi %mul3A_0, %arg0 : i32
    %scan3A = arith.constant 0 : i32
    %scan3A_1 = arith.constant 0 : i32
    %scan3A_2 = arith.constant 79 : i32
    %scan3A_3 = arith.addi %scan3A_1, %scan3A_2 : i32
    %scan3A_4 = arith.constant 1 : i32
    scf.for %scan3A_6 = %scan3A_1 to %scan3A_3 step %scan3A_4  : i32 {
      %mul3A_7 = arith.constant 32 : i32
      %mul3A_8 = arith.muli %scan3A_6, %mul3A_7 : i32
      %add3A_9 = arith.addi %add3A, %mul3A_8 : i32
      %lt3A = arith.constant 2500 : i32
      %lt3A_10 = arith.cmpi slt, %add3A_9, %lt3A : i32
      %convert_element_type3A = arith.extui %lt3A_10 : i1 to i32
      %cond3A = arith.constant 0 : i32
      %cond3A_11 = arith.cmpi ne, %convert_element_type3A, %cond3A : i32
      scf.if %cond3A_11 {
        %mul3A_12 = arith.constant 128 : i32
        %mul3A_13 = arith.muli %add3A_9, %mul3A_12 : i32
        "tpu.region"() ({
          %run_scoped3A = tpu.sem_alloc : memref<!tpu.dma_semaphore, #tpu.memory_space<semaphore_mem>>
          %dma_start3A_54 = tpu.memref_slice %arg5[%mul3A_13] : memref<320000xi32, #tpu.memory_space<hbm>> -> memref<128xi32, #tpu.memory_space<hbm>>
          %dma_start3A_55 = tpu.memref_slice %arg5[%mul3A_13] : memref<320000xi32, #tpu.memory_space<hbm>> -> memref<128xi32, #tpu.memory_space<hbm>>
          tpu.enqueue_dma source(%dma_start3A_55 : memref<128xi32, #tpu.memory_space<hbm>>) target(%arg10 : memref<128xi32, #tpu.memory_space<vmem>>) target_semaphore(%run_scoped3A : memref<!tpu.dma_semaphore, #tpu.memory_space<semaphore_mem>>)
          %dma_wait3A_56 = tpu.memref_slice %arg5[%mul3A_13] : memref<320000xi32, #tpu.memory_space<hbm>> -> memref<128xi32, #tpu.memory_space<hbm>>
          %dma_wait3A_57 = tpu.memref_slice %arg5[%mul3A_13] : memref<320000xi32, #tpu.memory_space<hbm>> -> memref<128xi32, #tpu.memory_space<hbm>>
          tpu.wait_dma2 semaphore(%run_scoped3A : memref<!tpu.dma_semaphore, #tpu.memory_space<semaphore_mem>>) src(%dma_wait3A_57 : memref<128xi32, #tpu.memory_space<hbm>>) dst(%arg10 : memref<128xi32, #tpu.memory_space<vmem>>)
          tpu.yield
        }) : () -> ()
        "tpu.region"() ({
          %run_scoped3A = tpu.sem_alloc : memref<!tpu.dma_semaphore, #tpu.memory_space<semaphore_mem>>
          %dma_start3A_54 = tpu.memref_slice %arg6[%mul3A_13] : memref<320000xi32, #tpu.memory_space<hbm>> -> memref<128xi32, #tpu.memory_space<hbm>>
          %dma_start3A_55 = tpu.memref_slice %arg6[%mul3A_13] : memref<320000xi32, #tpu.memory_space<hbm>> -> memref<128xi32, #tpu.memory_space<hbm>>
          tpu.enqueue_dma source(%dma_start3A_55 : memref<128xi32, #tpu.memory_space<hbm>>) target(%arg11 : memref<128xi32, #tpu.memory_space<vmem>>) target_semaphore(%run_scoped3A : memref<!tpu.dma_semaphore, #tpu.memory_space<semaphore_mem>>)
          %dma_wait3A_56 = tpu.memref_slice %arg6[%mul3A_13] : memref<320000xi32, #tpu.memory_space<hbm>> -> memref<128xi32, #tpu.memory_space<hbm>>
          %dma_wait3A_57 = tpu.memref_slice %arg6[%mul3A_13] : memref<320000xi32, #tpu.memory_space<hbm>> -> memref<128xi32, #tpu.memory_space<hbm>>
          tpu.wait_dma2 semaphore(%run_scoped3A : memref<!tpu.dma_semaphore, #tpu.memory_space<semaphore_mem>>) src(%dma_wait3A_57 : memref<128xi32, #tpu.memory_space<hbm>>) dst(%arg11 : memref<128xi32, #tpu.memory_space<vmem>>)
          tpu.yield
        }) : () -> ()
        %dma_start3A = arith.constant 0 : i32
        %dma_start3A_14 = arith.constant 0 : i32
        %dma_start3A_15 = tpu.memref_slice %arg2[%dma_start3A, %dma_start3A_14] : memref<10000x128xf32, #tpu.memory_space<hbm>> -> memref<10000x128xf32, #tpu.memory_space<hbm>>
        tpu.enqueue_indirect_dma source(%dma_start3A_15 : memref<10000x128xf32, #tpu.memory_space<hbm>>) target(%arg12 : memref<128x128xf32, #tpu.memory_space<vmem>>) offsets(%arg10 : memref<128xi32, #tpu.memory_space<vmem>>) semaphore(%arg15 : memref<!tpu.dma_semaphore, #tpu.memory_space<semaphore_mem>>)
        %dma_start3A_16 = arith.constant 0 : i32
        %dma_start3A_17 = arith.constant 0 : i32
        %dma_start3A_18 = tpu.memref_slice %arg3[%dma_start3A_16, %dma_start3A_17] : memref<10000x128xf32, #tpu.memory_space<hbm>> -> memref<10000x128xf32, #tpu.memory_space<hbm>>
        tpu.enqueue_indirect_dma source(%dma_start3A_18 : memref<10000x128xf32, #tpu.memory_space<hbm>>) target(%arg13 : memref<128x128xf32, #tpu.memory_space<vmem>>) offsets(%arg10 : memref<128xi32, #tpu.memory_space<vmem>>) semaphore(%arg15 : memref<!tpu.dma_semaphore, #tpu.memory_space<semaphore_mem>>)
        %dma_start3A_19 = arith.constant 0 : i32
        %dma_start3A_20 = arith.constant 0 : i32
        %dma_start3A_21 = tpu.memref_slice %arg4[%dma_start3A_19, %dma_start3A_20] : memref<10000x128xf32, #tpu.memory_space<hbm>> -> memref<10000x128xf32, #tpu.memory_space<hbm>>
        tpu.enqueue_indirect_dma source(%dma_start3A_21 : memref<10000x128xf32, #tpu.memory_space<hbm>>) target(%arg14 : memref<128x128xf32, #tpu.memory_space<vmem>>) offsets(%arg11 : memref<128xi32, #tpu.memory_space<vmem>>) semaphore(%arg15 : memref<!tpu.dma_semaphore, #tpu.memory_space<semaphore_mem>>)
        %dma_wait3A = arith.constant 0 : i32
        %dma_wait3A_22 = arith.constant 0 : i32
        %dma_wait3A_23 = tpu.memref_slice %arg2[%dma_wait3A, %dma_wait3A_22] : memref<10000x128xf32, #tpu.memory_space<hbm>> -> memref<10000x128xf32, #tpu.memory_space<hbm>>
        tpu.wait_indirect_dma semaphore(%arg15 : memref<!tpu.dma_semaphore, #tpu.memory_space<semaphore_mem>>) src(%dma_wait3A_23 : memref<10000x128xf32, #tpu.memory_space<hbm>>) dst(%arg12 : memref<128x128xf32, #tpu.memory_space<vmem>>)
        %dma_start3A_24 = arith.constant 0 : i32
        %dma_start3A_25 = tpu.memref_slice %arg7[%mul3A_13, %dma_start3A_24] : memref<320000x128xf32, #tpu.memory_space<hbm>> -> memref<128x128xf32, #tpu.memory_space<hbm>>
        %dma_start3A_26 = arith.constant 0 : i32
        %dma_start3A_27 = tpu.memref_slice %arg7[%mul3A_13, %dma_start3A_26] : memref<320000x128xf32, #tpu.memory_space<hbm>> -> memref<128x128xf32, #tpu.memory_space<hbm>>
        tpu.enqueue_dma source(%arg12 : memref<128x128xf32, #tpu.memory_space<vmem>>) target(%dma_start3A_27 : memref<128x128xf32, #tpu.memory_space<hbm>>) target_semaphore(%arg16 : memref<!tpu.dma_semaphore, #tpu.memory_space<semaphore_mem>>)
        %dma_wait3A_28 = arith.constant 0 : i32
        %dma_wait3A_29 = arith.constant 0 : i32
        %dma_wait3A_30 = tpu.memref_slice %arg3[%dma_wait3A_28, %dma_wait3A_29] : memref<10000x128xf32, #tpu.memory_space<hbm>> -> memref<10000x128xf32, #tpu.memory_space<hbm>>
        tpu.wait_indirect_dma semaphore(%arg15 : memref<!tpu.dma_semaphore, #tpu.memory_space<semaphore_mem>>) src(%dma_wait3A_30 : memref<10000x128xf32, #tpu.memory_space<hbm>>) dst(%arg13 : memref<128x128xf32, #tpu.memory_space<vmem>>)
        %dma_start3A_31 = arith.constant 0 : i32
        %dma_start3A_32 = tpu.memref_slice %arg8[%mul3A_13, %dma_start3A_31] : memref<320000x128xf32, #tpu.memory_space<hbm>> -> memref<128x128xf32, #tpu.memory_space<hbm>>
        %dma_start3A_33 = arith.constant 0 : i32
        %dma_start3A_34 = tpu.memref_slice %arg8[%mul3A_13, %dma_start3A_33] : memref<320000x128xf32, #tpu.memory_space<hbm>> -> memref<128x128xf32, #tpu.memory_space<hbm>>
        tpu.enqueue_dma source(%arg13 : memref<128x128xf32, #tpu.memory_space<vmem>>) target(%dma_start3A_34 : memref<128x128xf32, #tpu.memory_space<hbm>>) target_semaphore(%arg16 : memref<!tpu.dma_semaphore, #tpu.memory_space<semaphore_mem>>)
        %dma_wait3A_35 = arith.constant 0 : i32
        %dma_wait3A_36 = arith.constant 0 : i32
        %dma_wait3A_37 = tpu.memref_slice %arg4[%dma_wait3A_35, %dma_wait3A_36] : memref<10000x128xf32, #tpu.memory_space<hbm>> -> memref<10000x128xf32, #tpu.memory_space<hbm>>
        tpu.wait_indirect_dma semaphore(%arg15 : memref<!tpu.dma_semaphore, #tpu.memory_space<semaphore_mem>>) src(%dma_wait3A_37 : memref<10000x128xf32, #tpu.memory_space<hbm>>) dst(%arg14 : memref<128x128xf32, #tpu.memory_space<vmem>>)
        %dma_start3A_38 = arith.constant 0 : i32
        %dma_start3A_39 = tpu.memref_slice %arg9[%mul3A_13, %dma_start3A_38] : memref<320000x128xf32, #tpu.memory_space<hbm>> -> memref<128x128xf32, #tpu.memory_space<hbm>>
        %dma_start3A_40 = arith.constant 0 : i32
        %dma_start3A_41 = tpu.memref_slice %arg9[%mul3A_13, %dma_start3A_40] : memref<320000x128xf32, #tpu.memory_space<hbm>> -> memref<128x128xf32, #tpu.memory_space<hbm>>
        tpu.enqueue_dma source(%arg14 : memref<128x128xf32, #tpu.memory_space<vmem>>) target(%dma_start3A_41 : memref<128x128xf32, #tpu.memory_space<hbm>>) target_semaphore(%arg16 : memref<!tpu.dma_semaphore, #tpu.memory_space<semaphore_mem>>)
        %dma_wait3A_42 = arith.constant 0 : i32
        %dma_wait3A_43 = tpu.memref_slice %arg7[%mul3A_13, %dma_wait3A_42] : memref<320000x128xf32, #tpu.memory_space<hbm>> -> memref<128x128xf32, #tpu.memory_space<hbm>>
        %dma_wait3A_44 = arith.constant 0 : i32
        %dma_wait3A_45 = tpu.memref_slice %arg7[%mul3A_13, %dma_wait3A_44] : memref<320000x128xf32, #tpu.memory_space<hbm>> -> memref<128x128xf32, #tpu.memory_space<hbm>>
        tpu.wait_dma2 semaphore(%arg16 : memref<!tpu.dma_semaphore, #tpu.memory_space<semaphore_mem>>) src(%arg12 : memref<128x128xf32, #tpu.memory_space<vmem>>) dst(%dma_wait3A_45 : memref<128x128xf32, #tpu.memory_space<hbm>>)
        %dma_wait3A_46 = arith.constant 0 : i32
        %dma_wait3A_47 = tpu.memref_slice %arg8[%mul3A_13, %dma_wait3A_46] : memref<320000x128xf32, #tpu.memory_space<hbm>> -> memref<128x128xf32, #tpu.memory_space<hbm>>
        %dma_wait3A_48 = arith.constant 0 : i32
        %dma_wait3A_49 = tpu.memref_slice %arg8[%mul3A_13, %dma_wait3A_48] : memref<320000x128xf32, #tpu.memory_space<hbm>> -> memref<128x128xf32, #tpu.memory_space<hbm>>
        tpu.wait_dma2 semaphore(%arg16 : memref<!tpu.dma_semaphore, #tpu.memory_space<semaphore_mem>>) src(%arg13 : memref<128x128xf32, #tpu.memory_space<vmem>>) dst(%dma_wait3A_49 : memref<128x128xf32, #tpu.memory_space<hbm>>)
        %dma_wait3A_50 = arith.constant 0 : i32
        %dma_wait3A_51 = tpu.memref_slice %arg9[%mul3A_13, %dma_wait3A_50] : memref<320000x128xf32, #tpu.memory_space<hbm>> -> memref<128x128xf32, #tpu.memory_space<hbm>>
        %dma_wait3A_52 = arith.constant 0 : i32
        %dma_wait3A_53 = tpu.memref_slice %arg9[%mul3A_13, %dma_wait3A_52] : memref<320000x128xf32, #tpu.memory_space<hbm>> -> memref<128x128xf32, #tpu.memory_space<hbm>>
        tpu.wait_dma2 semaphore(%arg16 : memref<!tpu.dma_semaphore, #tpu.memory_space<semaphore_mem>>) src(%arg14 : memref<128x128xf32, #tpu.memory_space<vmem>>) dst(%dma_wait3A_53 : memref<128x128xf32, #tpu.memory_space<hbm>>)
      } else {
      }
    }
    %scan3A_5 = arith.constant 79 : i32
    return
  }
}

#map = affine_map<(d0, d1) -> (0, 0)>
#map1 = affine_map<(d0, d1) -> (0)>
#map2 = affine_map<(d0, d1) -> (0, 0, 0)>
module attributes {stable_mosaic.version = 14 : i64} {
  func.func @_sc_scatter_add(%arg0: i32, %arg1: i32, %arg2: memref<320000x128xf32, #tpu.memory_space<hbm>>, %arg3: memref<320000x128xf32, #tpu.memory_space<hbm>>, %arg4: memref<320000xi32, #tpu.memory_space<hbm>>, %arg5: memref<10000x128xf32, #tpu.memory_space<hbm>>, %arg6: memref<2x10000x128xf32, #tpu.memory_space<hbm>>, %arg7: memref<128xi32, #tpu.memory_space<vmem>>, %arg8: memref<128x128xf32, #tpu.memory_space<vmem>>, %arg9: memref<10000x128xf32, #tpu.memory_space<vmem_shared>>, %arg10: memref<!tpu.dma_semaphore, #tpu.memory_space<semaphore_mem>>) attributes {dimension_semantics = [#tpu.dimension_semantics<core_parallel>, #tpu.dimension_semantics<subcore_parallel>], iteration_bounds = array<i64: 2, 16>, scalar_prefetch = 0 : i64, scratch_operands = 4 : i64, tpu.core_type = #tpu.core_type<sc_vector_subcore>, window_params = [{transform_indices = #map}, {transform_indices = #map}, {transform_indices = #map1}, {transform_indices = #map}, {transform_indices = #map2}]} {
    %mul3A = arith.constant 624 : i32
    %mul3A_0 = arith.muli %arg1, %mul3A : i32
    "tpu.region"() ({
      %run_scoped3A = tpu.sem_alloc : memref<!tpu.dma_semaphore, #tpu.memory_space<semaphore_mem>>
      %dma_start3A = arith.constant 0 : i32
      %dma_start3A_14 = tpu.memref_slice %arg9[%mul3A_0, %dma_start3A] : memref<10000x128xf32, #tpu.memory_space<vmem_shared>> -> memref<624x128xf32, #tpu.memory_space<vmem_shared>>
      %dma_start3A_15 = arith.constant 0 : i32
      %dma_start3A_16 = tpu.memref_slice %arg5[%mul3A_0, %dma_start3A_15] : memref<10000x128xf32, #tpu.memory_space<hbm>> -> memref<624x128xf32, #tpu.memory_space<hbm>>
      tpu.enqueue_dma source(%dma_start3A_16 : memref<624x128xf32, #tpu.memory_space<hbm>>) target(%dma_start3A_14 : memref<624x128xf32, #tpu.memory_space<vmem_shared>>) target_semaphore(%run_scoped3A : memref<!tpu.dma_semaphore, #tpu.memory_space<semaphore_mem>>)
      %dma_wait3A = arith.constant 0 : i32
      %dma_wait3A_17 = tpu.memref_slice %arg9[%mul3A_0, %dma_wait3A] : memref<10000x128xf32, #tpu.memory_space<vmem_shared>> -> memref<624x128xf32, #tpu.memory_space<vmem_shared>>
      %dma_wait3A_18 = arith.constant 0 : i32
      %dma_wait3A_19 = tpu.memref_slice %arg5[%mul3A_0, %dma_wait3A_18] : memref<10000x128xf32, #tpu.memory_space<hbm>> -> memref<624x128xf32, #tpu.memory_space<hbm>>
      tpu.wait_dma2 semaphore(%run_scoped3A : memref<!tpu.dma_semaphore, #tpu.memory_space<semaphore_mem>>) src(%dma_wait3A_19 : memref<624x128xf32, #tpu.memory_space<hbm>>) dst(%dma_wait3A_17 : memref<624x128xf32, #tpu.memory_space<vmem_shared>>)
      tpu.yield
    }) : () -> ()
    %eq3A = arith.constant 15 : i32
    %eq3A_1 = arith.cmpi eq, %arg1, %eq3A : i32
    %convert_element_type3A = arith.extui %eq3A_1 : i1 to i32
    %cond3A = arith.constant 0 : i32
    %cond3A_2 = arith.cmpi ne, %convert_element_type3A, %cond3A : i32
    scf.if %cond3A_2 {
      "tpu.region"() ({
        %run_scoped3A = tpu.sem_alloc : memref<!tpu.dma_semaphore, #tpu.memory_space<semaphore_mem>>
        %dma_start3A = arith.constant 9984 : i32
        %dma_start3A_14 = arith.constant 0 : i32
        %dma_start3A_15 = tpu.memref_slice %arg9[%dma_start3A, %dma_start3A_14] : memref<10000x128xf32, #tpu.memory_space<vmem_shared>> -> memref<16x128xf32, #tpu.memory_space<vmem_shared>>
        %dma_start3A_16 = arith.constant 9984 : i32
        %dma_start3A_17 = arith.constant 0 : i32
        %dma_start3A_18 = tpu.memref_slice %arg5[%dma_start3A_16, %dma_start3A_17] : memref<10000x128xf32, #tpu.memory_space<hbm>> -> memref<16x128xf32, #tpu.memory_space<hbm>>
        tpu.enqueue_dma source(%dma_start3A_18 : memref<16x128xf32, #tpu.memory_space<hbm>>) target(%dma_start3A_15 : memref<16x128xf32, #tpu.memory_space<vmem_shared>>) target_semaphore(%run_scoped3A : memref<!tpu.dma_semaphore, #tpu.memory_space<semaphore_mem>>)
        %dma_wait3A = arith.constant 9984 : i32
        %dma_wait3A_19 = arith.constant 0 : i32
        %dma_wait3A_20 = tpu.memref_slice %arg9[%dma_wait3A, %dma_wait3A_19] : memref<10000x128xf32, #tpu.memory_space<vmem_shared>> -> memref<16x128xf32, #tpu.memory_space<vmem_shared>>
        %dma_wait3A_21 = arith.constant 9984 : i32
        %dma_wait3A_22 = arith.constant 0 : i32
        %dma_wait3A_23 = tpu.memref_slice %arg5[%dma_wait3A_21, %dma_wait3A_22] : memref<10000x128xf32, #tpu.memory_space<hbm>> -> memref<16x128xf32, #tpu.memory_space<hbm>>
        tpu.wait_dma2 semaphore(%run_scoped3A : memref<!tpu.dma_semaphore, #tpu.memory_space<semaphore_mem>>) src(%dma_wait3A_23 : memref<16x128xf32, #tpu.memory_space<hbm>>) dst(%dma_wait3A_20 : memref<16x128xf32, #tpu.memory_space<vmem_shared>>)
        tpu.yield
      }) : () -> ()
    } else {
    }
    %barrier3A = arith.constant 0 : index
    tpu.barrier barrier_id(%barrier3A)
    %scan3A = arith.constant 0 : i32
    %scan3A_3 = arith.constant 0 : i32
    %scan3A_4 = arith.constant 157 : i32
    %scan3A_5 = arith.addi %scan3A_3, %scan3A_4 : i32
    %scan3A_6 = arith.constant 1 : i32
    scf.for %scan3A_14 = %scan3A_3 to %scan3A_5 step %scan3A_6  : i32 {
      %mul3A_15 = arith.constant 16 : i32
      %mul3A_16 = arith.muli %scan3A_14, %mul3A_15 : i32
      %add3A = arith.addi %arg1, %mul3A_16 : i32
      %lt3A = arith.constant 2500 : i32
      %lt3A_17 = arith.cmpi slt, %add3A, %lt3A : i32
      %convert_element_type3A_18 = arith.extui %lt3A_17 : i1 to i32
      %cond3A_19 = arith.constant 0 : i32
      %cond3A_20 = arith.cmpi ne, %convert_element_type3A_18, %cond3A_19 : i32
      scf.if %cond3A_20 {
        %mul3A_21 = arith.constant 128 : i32
        %mul3A_22 = arith.muli %add3A, %mul3A_21 : i32
        "tpu.region"() ({
          %run_scoped3A = tpu.sem_alloc : memref<!tpu.dma_semaphore, #tpu.memory_space<semaphore_mem>>
          %dma_start3A = tpu.memref_slice %arg4[%mul3A_22] : memref<320000xi32, #tpu.memory_space<hbm>> -> memref<128xi32, #tpu.memory_space<hbm>>
          %dma_start3A_33 = tpu.memref_slice %arg4[%mul3A_22] : memref<320000xi32, #tpu.memory_space<hbm>> -> memref<128xi32, #tpu.memory_space<hbm>>
          tpu.enqueue_dma source(%dma_start3A_33 : memref<128xi32, #tpu.memory_space<hbm>>) target(%arg7 : memref<128xi32, #tpu.memory_space<vmem>>) target_semaphore(%run_scoped3A : memref<!tpu.dma_semaphore, #tpu.memory_space<semaphore_mem>>)
          %dma_wait3A = tpu.memref_slice %arg4[%mul3A_22] : memref<320000xi32, #tpu.memory_space<hbm>> -> memref<128xi32, #tpu.memory_space<hbm>>
          %dma_wait3A_34 = tpu.memref_slice %arg4[%mul3A_22] : memref<320000xi32, #tpu.memory_space<hbm>> -> memref<128xi32, #tpu.memory_space<hbm>>
          tpu.wait_dma2 semaphore(%run_scoped3A : memref<!tpu.dma_semaphore, #tpu.memory_space<semaphore_mem>>) src(%dma_wait3A_34 : memref<128xi32, #tpu.memory_space<hbm>>) dst(%arg7 : memref<128xi32, #tpu.memory_space<vmem>>)
          tpu.yield
        }) : () -> ()
        %eq3A_23 = arith.constant 0 : i32
        %eq3A_24 = arith.cmpi eq, %arg0, %eq3A_23 : i32
        %convert_element_type3A_25 = arith.extui %eq3A_24 : i1 to i32
        %cond3A_26 = arith.constant 0 : i32
        %cond3A_27 = arith.cmpi ne, %convert_element_type3A_25, %cond3A_26 : i32
        scf.if %cond3A_27 {
          "tpu.region"() ({
            %run_scoped3A = tpu.sem_alloc : memref<!tpu.dma_semaphore, #tpu.memory_space<semaphore_mem>>
            %dma_start3A = arith.constant 0 : i32
            %dma_start3A_33 = tpu.memref_slice %arg2[%mul3A_22, %dma_start3A] : memref<320000x128xf32, #tpu.memory_space<hbm>> -> memref<128x128xf32, #tpu.memory_space<hbm>>
            %dma_start3A_34 = arith.constant 0 : i32
            %dma_start3A_35 = tpu.memref_slice %arg2[%mul3A_22, %dma_start3A_34] : memref<320000x128xf32, #tpu.memory_space<hbm>> -> memref<128x128xf32, #tpu.memory_space<hbm>>
            tpu.enqueue_dma source(%dma_start3A_35 : memref<128x128xf32, #tpu.memory_space<hbm>>) target(%arg8 : memref<128x128xf32, #tpu.memory_space<vmem>>) target_semaphore(%run_scoped3A : memref<!tpu.dma_semaphore, #tpu.memory_space<semaphore_mem>>)
            %dma_wait3A = arith.constant 0 : i32
            %dma_wait3A_36 = tpu.memref_slice %arg2[%mul3A_22, %dma_wait3A] : memref<320000x128xf32, #tpu.memory_space<hbm>> -> memref<128x128xf32, #tpu.memory_space<hbm>>
            %dma_wait3A_37 = arith.constant 0 : i32
            %dma_wait3A_38 = tpu.memref_slice %arg2[%mul3A_22, %dma_wait3A_37] : memref<320000x128xf32, #tpu.memory_space<hbm>> -> memref<128x128xf32, #tpu.memory_space<hbm>>
            tpu.wait_dma2 semaphore(%run_scoped3A : memref<!tpu.dma_semaphore, #tpu.memory_space<semaphore_mem>>) src(%dma_wait3A_38 : memref<128x128xf32, #tpu.memory_space<hbm>>) dst(%arg8 : memref<128x128xf32, #tpu.memory_space<vmem>>)
            tpu.yield
          }) : () -> ()
        } else {
        }
        %eq3A_28 = arith.constant 1 : i32
        %eq3A_29 = arith.cmpi eq, %arg0, %eq3A_28 : i32
        %convert_element_type3A_30 = arith.extui %eq3A_29 : i1 to i32
        %cond3A_31 = arith.constant 0 : i32
        %cond3A_32 = arith.cmpi ne, %convert_element_type3A_30, %cond3A_31 : i32
        scf.if %cond3A_32 {
          "tpu.region"() ({
            %run_scoped3A = tpu.sem_alloc : memref<!tpu.dma_semaphore, #tpu.memory_space<semaphore_mem>>
            %dma_start3A = arith.constant 0 : i32
            %dma_start3A_33 = tpu.memref_slice %arg3[%mul3A_22, %dma_start3A] : memref<320000x128xf32, #tpu.memory_space<hbm>> -> memref<128x128xf32, #tpu.memory_space<hbm>>
            %dma_start3A_34 = arith.constant 0 : i32
            %dma_start3A_35 = tpu.memref_slice %arg3[%mul3A_22, %dma_start3A_34] : memref<320000x128xf32, #tpu.memory_space<hbm>> -> memref<128x128xf32, #tpu.memory_space<hbm>>
            tpu.enqueue_dma source(%dma_start3A_35 : memref<128x128xf32, #tpu.memory_space<hbm>>) target(%arg8 : memref<128x128xf32, #tpu.memory_space<vmem>>) target_semaphore(%run_scoped3A : memref<!tpu.dma_semaphore, #tpu.memory_space<semaphore_mem>>)
            %dma_wait3A = arith.constant 0 : i32
            %dma_wait3A_36 = tpu.memref_slice %arg3[%mul3A_22, %dma_wait3A] : memref<320000x128xf32, #tpu.memory_space<hbm>> -> memref<128x128xf32, #tpu.memory_space<hbm>>
            %dma_wait3A_37 = arith.constant 0 : i32
            %dma_wait3A_38 = tpu.memref_slice %arg3[%mul3A_22, %dma_wait3A_37] : memref<320000x128xf32, #tpu.memory_space<hbm>> -> memref<128x128xf32, #tpu.memory_space<hbm>>
            tpu.wait_dma2 semaphore(%run_scoped3A : memref<!tpu.dma_semaphore, #tpu.memory_space<semaphore_mem>>) src(%dma_wait3A_38 : memref<128x128xf32, #tpu.memory_space<hbm>>) dst(%arg8 : memref<128x128xf32, #tpu.memory_space<vmem>>)
            tpu.yield
          }) : () -> ()
        } else {
        }
        "tpu.region"() ({
          %run_scoped3A = tpu.sem_alloc : memref<!tpu.dma_semaphore, #tpu.memory_space<semaphore_mem>>
          %dma_start3A = arith.constant 0 : i32
          %dma_start3A_33 = arith.constant 0 : i32
          %dma_start3A_34 = tpu.memref_slice %arg9[%dma_start3A, %dma_start3A_33] : memref<10000x128xf32, #tpu.memory_space<vmem_shared>> -> memref<10000x128xf32, #tpu.memory_space<vmem_shared>>
          tpu.enqueue_indirect_dma source(%arg8 : memref<128x128xf32, #tpu.memory_space<vmem>>) target(%dma_start3A_34 : memref<10000x128xf32, #tpu.memory_space<vmem_shared>>) offsets(%arg7 : memref<128xi32, #tpu.memory_space<vmem>>) semaphore(%run_scoped3A : memref<!tpu.dma_semaphore, #tpu.memory_space<semaphore_mem>>) {add = true}
          %dma_wait3A = arith.constant 0 : i32
          %dma_wait3A_35 = arith.constant 0 : i32
          %dma_wait3A_36 = tpu.memref_slice %arg9[%dma_wait3A, %dma_wait3A_35] : memref<10000x128xf32, #tpu.memory_space<vmem_shared>> -> memref<10000x128xf32, #tpu.memory_space<vmem_shared>>
          tpu.wait_indirect_dma semaphore(%run_scoped3A : memref<!tpu.dma_semaphore, #tpu.memory_space<semaphore_mem>>) src(%arg8 : memref<128x128xf32, #tpu.memory_space<vmem>>) dst(%dma_wait3A_36 : memref<10000x128xf32, #tpu.memory_space<vmem_shared>>)
          tpu.yield
        }) : () -> ()
      } else {
      }
    }
    %scan3A_7 = arith.constant 157 : i32
    %barrier3A_8 = arith.constant 0 : index
    tpu.barrier barrier_id(%barrier3A_8)
    "tpu.region"() ({
      %run_scoped3A = tpu.sem_alloc : memref<!tpu.dma_semaphore, #tpu.memory_space<semaphore_mem>>
      %dma_start3A = arith.constant 0 : i32
      %dma_start3A_14 = tpu.memref_slice %arg6[%arg0, %mul3A_0, %dma_start3A] : memref<2x10000x128xf32, #tpu.memory_space<hbm>> -> memref<1x624x128xf32, #tpu.memory_space<hbm>>
      %dma_start3A_15 = tpu.memref_squeeze %dma_start3A_14 : memref<1x624x128xf32, #tpu.memory_space<hbm>> -> memref<624x128xf32, #tpu.memory_space<hbm>>
      %dma_start3A_16 = arith.constant 0 : i32
      %dma_start3A_17 = tpu.memref_slice %arg9[%mul3A_0, %dma_start3A_16] : memref<10000x128xf32, #tpu.memory_space<vmem_shared>> -> memref<624x128xf32, #tpu.memory_space<vmem_shared>>
      tpu.enqueue_dma source(%dma_start3A_17 : memref<624x128xf32, #tpu.memory_space<vmem_shared>>) target(%dma_start3A_15 : memref<624x128xf32, #tpu.memory_space<hbm>>) target_semaphore(%run_scoped3A : memref<!tpu.dma_semaphore, #tpu.memory_space<semaphore_mem>>)
      %dma_wait3A = arith.constant 0 : i32
      %dma_wait3A_18 = tpu.memref_slice %arg6[%arg0, %mul3A_0, %dma_wait3A] : memref<2x10000x128xf32, #tpu.memory_space<hbm>> -> memref<1x624x128xf32, #tpu.memory_space<hbm>>
      %dma_wait3A_19 = tpu.memref_squeeze %dma_wait3A_18 : memref<1x624x128xf32, #tpu.memory_space<hbm>> -> memref<624x128xf32, #tpu.memory_space<hbm>>
      %dma_wait3A_20 = arith.constant 0 : i32
      %dma_wait3A_21 = tpu.memref_slice %arg9[%mul3A_0, %dma_wait3A_20] : memref<10000x128xf32, #tpu.memory_space<vmem_shared>> -> memref<624x128xf32, #tpu.memory_space<vmem_shared>>
      tpu.wait_dma2 semaphore(%run_scoped3A : memref<!tpu.dma_semaphore, #tpu.memory_space<semaphore_mem>>) src(%dma_wait3A_21 : memref<624x128xf32, #tpu.memory_space<vmem_shared>>) dst(%dma_wait3A_19 : memref<624x128xf32, #tpu.memory_space<hbm>>)
      tpu.yield
    }) : () -> ()
    %eq3A_9 = arith.constant 15 : i32
    %eq3A_10 = arith.cmpi eq, %arg1, %eq3A_9 : i32
    %convert_element_type3A_11 = arith.extui %eq3A_10 : i1 to i32
    %cond3A_12 = arith.constant 0 : i32
    %cond3A_13 = arith.cmpi ne, %convert_element_type3A_11, %cond3A_12 : i32
    scf.if %cond3A_13 {
      "tpu.region"() ({
        %run_scoped3A = tpu.sem_alloc : memref<!tpu.dma_semaphore, #tpu.memory_space<semaphore_mem>>
        %dma_start3A = arith.constant 9984 : i32
        %dma_start3A_14 = arith.constant 0 : i32
        %dma_start3A_15 = tpu.memref_slice %arg6[%arg0, %dma_start3A, %dma_start3A_14] : memref<2x10000x128xf32, #tpu.memory_space<hbm>> -> memref<1x16x128xf32, #tpu.memory_space<hbm>>
        %dma_start3A_16 = tpu.memref_squeeze %dma_start3A_15 : memref<1x16x128xf32, #tpu.memory_space<hbm>> -> memref<16x128xf32, #tpu.memory_space<hbm>>
        %dma_start3A_17 = arith.constant 9984 : i32
        %dma_start3A_18 = arith.constant 0 : i32
        %dma_start3A_19 = tpu.memref_slice %arg9[%dma_start3A_17, %dma_start3A_18] : memref<10000x128xf32, #tpu.memory_space<vmem_shared>> -> memref<16x128xf32, #tpu.memory_space<vmem_shared>>
        tpu.enqueue_dma source(%dma_start3A_19 : memref<16x128xf32, #tpu.memory_space<vmem_shared>>) target(%dma_start3A_16 : memref<16x128xf32, #tpu.memory_space<hbm>>) target_semaphore(%run_scoped3A : memref<!tpu.dma_semaphore, #tpu.memory_space<semaphore_mem>>)
        %dma_wait3A = arith.constant 9984 : i32
        %dma_wait3A_20 = arith.constant 0 : i32
        %dma_wait3A_21 = tpu.memref_slice %arg6[%arg0, %dma_wait3A, %dma_wait3A_20] : memref<2x10000x128xf32, #tpu.memory_space<hbm>> -> memref<1x16x128xf32, #tpu.memory_space<hbm>>
        %dma_wait3A_22 = tpu.memref_squeeze %dma_wait3A_21 : memref<1x16x128xf32, #tpu.memory_space<hbm>> -> memref<16x128xf32, #tpu.memory_space<hbm>>
        %dma_wait3A_23 = arith.constant 9984 : i32
        %dma_wait3A_24 = arith.constant 0 : i32
        %dma_wait3A_25 = tpu.memref_slice %arg9[%dma_wait3A_23, %dma_wait3A_24] : memref<10000x128xf32, #tpu.memory_space<vmem_shared>> -> memref<16x128xf32, #tpu.memory_space<vmem_shared>>
        tpu.wait_dma2 semaphore(%run_scoped3A : memref<!tpu.dma_semaphore, #tpu.memory_space<semaphore_mem>>) src(%dma_wait3A_25 : memref<16x128xf32, #tpu.memory_space<vmem_shared>>) dst(%dma_wait3A_22 : memref<16x128xf32, #tpu.memory_space<hbm>>)
        tpu.yield
      }) : () -> ()
    } else {
    }
    return
  }
}

#map = affine_map<(d0, d1) -> (0, 0)>
#map1 = affine_map<(d0, d1) -> (0)>
module attributes {stable_mosaic.version = 14 : i64} {
  func.func @_sc_gather3(%arg0: i32, %arg1: i32, %arg2: memref<10000x128xf32, #tpu.memory_space<hbm>>, %arg3: memref<10000x128xf32, #tpu.memory_space<hbm>>, %arg4: memref<10000x128xf32, #tpu.memory_space<hbm>>, %arg5: memref<320000xi32, #tpu.memory_space<hbm>>, %arg6: memref<320000xi32, #tpu.memory_space<hbm>>, %arg7: memref<320000x128xf32, #tpu.memory_space<hbm>>, %arg8: memref<320000x128xf32, #tpu.memory_space<hbm>>, %arg9: memref<320000x128xf32, #tpu.memory_space<hbm>>, %arg10: memref<128xi32, #tpu.memory_space<vmem>>, %arg11: memref<128xi32, #tpu.memory_space<vmem>>, %arg12: memref<128x128xf32, #tpu.memory_space<vmem>>, %arg13: memref<128x128xf32, #tpu.memory_space<vmem>>, %arg14: memref<128x128xf32, #tpu.memory_space<vmem>>, %arg15: memref<!tpu.dma_semaphore, #tpu.memory_space<semaphore_mem>>, %arg16: memref<!tpu.dma_semaphore, #tpu.memory_space<semaphore_mem>>) attributes {dimension_semantics = [#tpu.dimension_semantics<core_parallel>, #tpu.dimension_semantics<subcore_parallel>], iteration_bounds = array<i64: 2, 16>, scalar_prefetch = 0 : i64, scratch_operands = 7 : i64, tpu.core_type = #tpu.core_type<sc_vector_subcore>, window_params = [{transform_indices = #map}, {transform_indices = #map}, {transform_indices = #map}, {transform_indices = #map1}, {transform_indices = #map1}, {transform_indices = #map}, {transform_indices = #map}, {transform_indices = #map}]} {
    %mul3A = arith.constant 2 : i32
    %mul3A_0 = arith.muli %arg1, %mul3A : i32
    %add3A = arith.addi %mul3A_0, %arg0 : i32
    %scan3A = arith.constant 0 : i32
    %scan3A_1 = arith.constant 0 : i32
    %scan3A_2 = arith.constant 79 : i32
    %scan3A_3 = arith.addi %scan3A_1, %scan3A_2 : i32
    %scan3A_4 = arith.constant 1 : i32
    scf.for %scan3A_6 = %scan3A_1 to %scan3A_3 step %scan3A_4  : i32 {
      %mul3A_7 = arith.constant 32 : i32
      %mul3A_8 = arith.muli %scan3A_6, %mul3A_7 : i32
      %add3A_9 = arith.addi %add3A, %mul3A_8 : i32
      %lt3A = arith.constant 2500 : i32
      %lt3A_10 = arith.cmpi slt, %add3A_9, %lt3A : i32
      %convert_element_type3A = arith.extui %lt3A_10 : i1 to i32
      %cond3A = arith.constant 0 : i32
      %cond3A_11 = arith.cmpi ne, %convert_element_type3A, %cond3A : i32
      scf.if %cond3A_11 {
        %mul3A_12 = arith.constant 128 : i32
        %mul3A_13 = arith.muli %add3A_9, %mul3A_12 : i32
        "tpu.region"() ({
          %run_scoped3A = tpu.sem_alloc : memref<!tpu.dma_semaphore, #tpu.memory_space<semaphore_mem>>
          %dma_start3A_54 = tpu.memref_slice %arg5[%mul3A_13] : memref<320000xi32, #tpu.memory_space<hbm>> -> memref<128xi32, #tpu.memory_space<hbm>>
          %dma_start3A_55 = tpu.memref_slice %arg5[%mul3A_13] : memref<320000xi32, #tpu.memory_space<hbm>> -> memref<128xi32, #tpu.memory_space<hbm>>
          tpu.enqueue_dma source(%dma_start3A_55 : memref<128xi32, #tpu.memory_space<hbm>>) target(%arg10 : memref<128xi32, #tpu.memory_space<vmem>>) target_semaphore(%run_scoped3A : memref<!tpu.dma_semaphore, #tpu.memory_space<semaphore_mem>>)
          %dma_wait3A_56 = tpu.memref_slice %arg5[%mul3A_13] : memref<320000xi32, #tpu.memory_space<hbm>> -> memref<128xi32, #tpu.memory_space<hbm>>
          %dma_wait3A_57 = tpu.memref_slice %arg5[%mul3A_13] : memref<320000xi32, #tpu.memory_space<hbm>> -> memref<128xi32, #tpu.memory_space<hbm>>
          tpu.wait_dma2 semaphore(%run_scoped3A : memref<!tpu.dma_semaphore, #tpu.memory_space<semaphore_mem>>) src(%dma_wait3A_57 : memref<128xi32, #tpu.memory_space<hbm>>) dst(%arg10 : memref<128xi32, #tpu.memory_space<vmem>>)
          tpu.yield
        }) : () -> ()
        "tpu.region"() ({
          %run_scoped3A = tpu.sem_alloc : memref<!tpu.dma_semaphore, #tpu.memory_space<semaphore_mem>>
          %dma_start3A_54 = tpu.memref_slice %arg6[%mul3A_13] : memref<320000xi32, #tpu.memory_space<hbm>> -> memref<128xi32, #tpu.memory_space<hbm>>
          %dma_start3A_55 = tpu.memref_slice %arg6[%mul3A_13] : memref<320000xi32, #tpu.memory_space<hbm>> -> memref<128xi32, #tpu.memory_space<hbm>>
          tpu.enqueue_dma source(%dma_start3A_55 : memref<128xi32, #tpu.memory_space<hbm>>) target(%arg11 : memref<128xi32, #tpu.memory_space<vmem>>) target_semaphore(%run_scoped3A : memref<!tpu.dma_semaphore, #tpu.memory_space<semaphore_mem>>)
          %dma_wait3A_56 = tpu.memref_slice %arg6[%mul3A_13] : memref<320000xi32, #tpu.memory_space<hbm>> -> memref<128xi32, #tpu.memory_space<hbm>>
          %dma_wait3A_57 = tpu.memref_slice %arg6[%mul3A_13] : memref<320000xi32, #tpu.memory_space<hbm>> -> memref<128xi32, #tpu.memory_space<hbm>>
          tpu.wait_dma2 semaphore(%run_scoped3A : memref<!tpu.dma_semaphore, #tpu.memory_space<semaphore_mem>>) src(%dma_wait3A_57 : memref<128xi32, #tpu.memory_space<hbm>>) dst(%arg11 : memref<128xi32, #tpu.memory_space<vmem>>)
          tpu.yield
        }) : () -> ()
        %dma_start3A = arith.constant 0 : i32
        %dma_start3A_14 = arith.constant 0 : i32
        %dma_start3A_15 = tpu.memref_slice %arg2[%dma_start3A, %dma_start3A_14] : memref<10000x128xf32, #tpu.memory_space<hbm>> -> memref<10000x128xf32, #tpu.memory_space<hbm>>
        tpu.enqueue_indirect_dma source(%dma_start3A_15 : memref<10000x128xf32, #tpu.memory_space<hbm>>) target(%arg12 : memref<128x128xf32, #tpu.memory_space<vmem>>) offsets(%arg10 : memref<128xi32, #tpu.memory_space<vmem>>) semaphore(%arg15 : memref<!tpu.dma_semaphore, #tpu.memory_space<semaphore_mem>>)
        %dma_start3A_16 = arith.constant 0 : i32
        %dma_start3A_17 = arith.constant 0 : i32
        %dma_start3A_18 = tpu.memref_slice %arg3[%dma_start3A_16, %dma_start3A_17] : memref<10000x128xf32, #tpu.memory_space<hbm>> -> memref<10000x128xf32, #tpu.memory_space<hbm>>
        tpu.enqueue_indirect_dma source(%dma_start3A_18 : memref<10000x128xf32, #tpu.memory_space<hbm>>) target(%arg13 : memref<128x128xf32, #tpu.memory_space<vmem>>) offsets(%arg10 : memref<128xi32, #tpu.memory_space<vmem>>) semaphore(%arg15 : memref<!tpu.dma_semaphore, #tpu.memory_space<semaphore_mem>>)
        %dma_start3A_19 = arith.constant 0 : i32
        %dma_start3A_20 = arith.constant 0 : i32
        %dma_start3A_21 = tpu.memref_slice %arg4[%dma_start3A_19, %dma_start3A_20] : memref<10000x128xf32, #tpu.memory_space<hbm>> -> memref<10000x128xf32, #tpu.memory_space<hbm>>
        tpu.enqueue_indirect_dma source(%dma_start3A_21 : memref<10000x128xf32, #tpu.memory_space<hbm>>) target(%arg14 : memref<128x128xf32, #tpu.memory_space<vmem>>) offsets(%arg11 : memref<128xi32, #tpu.memory_space<vmem>>) semaphore(%arg15 : memref<!tpu.dma_semaphore, #tpu.memory_space<semaphore_mem>>)
        %dma_wait3A = arith.constant 0 : i32
        %dma_wait3A_22 = arith.constant 0 : i32
        %dma_wait3A_23 = tpu.memref_slice %arg2[%dma_wait3A, %dma_wait3A_22] : memref<10000x128xf32, #tpu.memory_space<hbm>> -> memref<10000x128xf32, #tpu.memory_space<hbm>>
        tpu.wait_indirect_dma semaphore(%arg15 : memref<!tpu.dma_semaphore, #tpu.memory_space<semaphore_mem>>) src(%dma_wait3A_23 : memref<10000x128xf32, #tpu.memory_space<hbm>>) dst(%arg12 : memref<128x128xf32, #tpu.memory_space<vmem>>)
        %dma_start3A_24 = arith.constant 0 : i32
        %dma_start3A_25 = tpu.memref_slice %arg7[%mul3A_13, %dma_start3A_24] : memref<320000x128xf32, #tpu.memory_space<hbm>> -> memref<128x128xf32, #tpu.memory_space<hbm>>
        %dma_start3A_26 = arith.constant 0 : i32
        %dma_start3A_27 = tpu.memref_slice %arg7[%mul3A_13, %dma_start3A_26] : memref<320000x128xf32, #tpu.memory_space<hbm>> -> memref<128x128xf32, #tpu.memory_space<hbm>>
        tpu.enqueue_dma source(%arg12 : memref<128x128xf32, #tpu.memory_space<vmem>>) target(%dma_start3A_27 : memref<128x128xf32, #tpu.memory_space<hbm>>) target_semaphore(%arg16 : memref<!tpu.dma_semaphore, #tpu.memory_space<semaphore_mem>>)
        %dma_wait3A_28 = arith.constant 0 : i32
        %dma_wait3A_29 = arith.constant 0 : i32
        %dma_wait3A_30 = tpu.memref_slice %arg3[%dma_wait3A_28, %dma_wait3A_29] : memref<10000x128xf32, #tpu.memory_space<hbm>> -> memref<10000x128xf32, #tpu.memory_space<hbm>>
        tpu.wait_indirect_dma semaphore(%arg15 : memref<!tpu.dma_semaphore, #tpu.memory_space<semaphore_mem>>) src(%dma_wait3A_30 : memref<10000x128xf32, #tpu.memory_space<hbm>>) dst(%arg13 : memref<128x128xf32, #tpu.memory_space<vmem>>)
        %dma_start3A_31 = arith.constant 0 : i32
        %dma_start3A_32 = tpu.memref_slice %arg8[%mul3A_13, %dma_start3A_31] : memref<320000x128xf32, #tpu.memory_space<hbm>> -> memref<128x128xf32, #tpu.memory_space<hbm>>
        %dma_start3A_33 = arith.constant 0 : i32
        %dma_start3A_34 = tpu.memref_slice %arg8[%mul3A_13, %dma_start3A_33] : memref<320000x128xf32, #tpu.memory_space<hbm>> -> memref<128x128xf32, #tpu.memory_space<hbm>>
        tpu.enqueue_dma source(%arg13 : memref<128x128xf32, #tpu.memory_space<vmem>>) target(%dma_start3A_34 : memref<128x128xf32, #tpu.memory_space<hbm>>) target_semaphore(%arg16 : memref<!tpu.dma_semaphore, #tpu.memory_space<semaphore_mem>>)
        %dma_wait3A_35 = arith.constant 0 : i32
        %dma_wait3A_36 = arith.constant 0 : i32
        %dma_wait3A_37 = tpu.memref_slice %arg4[%dma_wait3A_35, %dma_wait3A_36] : memref<10000x128xf32, #tpu.memory_space<hbm>> -> memref<10000x128xf32, #tpu.memory_space<hbm>>
        tpu.wait_indirect_dma semaphore(%arg15 : memref<!tpu.dma_semaphore, #tpu.memory_space<semaphore_mem>>) src(%dma_wait3A_37 : memref<10000x128xf32, #tpu.memory_space<hbm>>) dst(%arg14 : memref<128x128xf32, #tpu.memory_space<vmem>>)
        %dma_start3A_38 = arith.constant 0 : i32
        %dma_start3A_39 = tpu.memref_slice %arg9[%mul3A_13, %dma_start3A_38] : memref<320000x128xf32, #tpu.memory_space<hbm>> -> memref<128x128xf32, #tpu.memory_space<hbm>>
        %dma_start3A_40 = arith.constant 0 : i32
        %dma_start3A_41 = tpu.memref_slice %arg9[%mul3A_13, %dma_start3A_40] : memref<320000x128xf32, #tpu.memory_space<hbm>> -> memref<128x128xf32, #tpu.memory_space<hbm>>
        tpu.enqueue_dma source(%arg14 : memref<128x128xf32, #tpu.memory_space<vmem>>) target(%dma_start3A_41 : memref<128x128xf32, #tpu.memory_space<hbm>>) target_semaphore(%arg16 : memref<!tpu.dma_semaphore, #tpu.memory_space<semaphore_mem>>)
        %dma_wait3A_42 = arith.constant 0 : i32
        %dma_wait3A_43 = tpu.memref_slice %arg7[%mul3A_13, %dma_wait3A_42] : memref<320000x128xf32, #tpu.memory_space<hbm>> -> memref<128x128xf32, #tpu.memory_space<hbm>>
        %dma_wait3A_44 = arith.constant 0 : i32
        %dma_wait3A_45 = tpu.memref_slice %arg7[%mul3A_13, %dma_wait3A_44] : memref<320000x128xf32, #tpu.memory_space<hbm>> -> memref<128x128xf32, #tpu.memory_space<hbm>>
        tpu.wait_dma2 semaphore(%arg16 : memref<!tpu.dma_semaphore, #tpu.memory_space<semaphore_mem>>) src(%arg12 : memref<128x128xf32, #tpu.memory_space<vmem>>) dst(%dma_wait3A_45 : memref<128x128xf32, #tpu.memory_space<hbm>>)
        %dma_wait3A_46 = arith.constant 0 : i32
        %dma_wait3A_47 = tpu.memref_slice %arg8[%mul3A_13, %dma_wait3A_46] : memref<320000x128xf32, #tpu.memory_space<hbm>> -> memref<128x128xf32, #tpu.memory_space<hbm>>
        %dma_wait3A_48 = arith.constant 0 : i32
        %dma_wait3A_49 = tpu.memref_slice %arg8[%mul3A_13, %dma_wait3A_48] : memref<320000x128xf32, #tpu.memory_space<hbm>> -> memref<128x128xf32, #tpu.memory_space<hbm>>
        tpu.wait_dma2 semaphore(%arg16 : memref<!tpu.dma_semaphore, #tpu.memory_space<semaphore_mem>>) src(%arg13 : memref<128x128xf32, #tpu.memory_space<vmem>>) dst(%dma_wait3A_49 : memref<128x128xf32, #tpu.memory_space<hbm>>)
        %dma_wait3A_50 = arith.constant 0 : i32
        %dma_wait3A_51 = tpu.memref_slice %arg9[%mul3A_13, %dma_wait3A_50] : memref<320000x128xf32, #tpu.memory_space<hbm>> -> memref<128x128xf32, #tpu.memory_space<hbm>>
        %dma_wait3A_52 = arith.constant 0 : i32
        %dma_wait3A_53 = tpu.memref_slice %arg9[%mul3A_13, %dma_wait3A_52] : memref<320000x128xf32, #tpu.memory_space<hbm>> -> memref<128x128xf32, #tpu.memory_space<hbm>>
        tpu.wait_dma2 semaphore(%arg16 : memref<!tpu.dma_semaphore, #tpu.memory_space<semaphore_mem>>) src(%arg14 : memref<128x128xf32, #tpu.memory_space<vmem>>) dst(%dma_wait3A_53 : memref<128x128xf32, #tpu.memory_space<hbm>>)
      } else {
      }
    }
    %scan3A_5 = arith.constant 79 : i32
    return
  }
}

#map = affine_map<(d0, d1) -> (0, 0)>
#map1 = affine_map<(d0, d1) -> (0)>
module attributes {stable_mosaic.version = 14 : i64} {
  func.func @_sc_gather3(%arg0: i32, %arg1: i32, %arg2: memref<10000x128xf32, #tpu.memory_space<hbm>>, %arg3: memref<10000x128xf32, #tpu.memory_space<hbm>>, %arg4: memref<10000x128xf32, #tpu.memory_space<hbm>>, %arg5: memref<320000xi32, #tpu.memory_space<hbm>>, %arg6: memref<320000xi32, #tpu.memory_space<hbm>>, %arg7: memref<320000x128xf32, #tpu.memory_space<hbm>>, %arg8: memref<320000x128xf32, #tpu.memory_space<hbm>>, %arg9: memref<320000x128xf32, #tpu.memory_space<hbm>>, %arg10: memref<128xi32, #tpu.memory_space<vmem>>, %arg11: memref<128xi32, #tpu.memory_space<vmem>>, %arg12: memref<128x128xf32, #tpu.memory_space<vmem>>, %arg13: memref<128x128xf32, #tpu.memory_space<vmem>>, %arg14: memref<128x128xf32, #tpu.memory_space<vmem>>, %arg15: memref<!tpu.dma_semaphore, #tpu.memory_space<semaphore_mem>>, %arg16: memref<!tpu.dma_semaphore, #tpu.memory_space<semaphore_mem>>) attributes {dimension_semantics = [#tpu.dimension_semantics<core_parallel>, #tpu.dimension_semantics<subcore_parallel>], iteration_bounds = array<i64: 2, 16>, scalar_prefetch = 0 : i64, scratch_operands = 7 : i64, tpu.core_type = #tpu.core_type<sc_vector_subcore>, window_params = [{transform_indices = #map}, {transform_indices = #map}, {transform_indices = #map}, {transform_indices = #map1}, {transform_indices = #map1}, {transform_indices = #map}, {transform_indices = #map}, {transform_indices = #map}]} {
    %mul3A = arith.constant 2 : i32
    %mul3A_0 = arith.muli %arg1, %mul3A : i32
    %add3A = arith.addi %mul3A_0, %arg0 : i32
    %scan3A = arith.constant 0 : i32
    %scan3A_1 = arith.constant 0 : i32
    %scan3A_2 = arith.constant 79 : i32
    %scan3A_3 = arith.addi %scan3A_1, %scan3A_2 : i32
    %scan3A_4 = arith.constant 1 : i32
    scf.for %scan3A_6 = %scan3A_1 to %scan3A_3 step %scan3A_4  : i32 {
      %mul3A_7 = arith.constant 32 : i32
      %mul3A_8 = arith.muli %scan3A_6, %mul3A_7 : i32
      %add3A_9 = arith.addi %add3A, %mul3A_8 : i32
      %lt3A = arith.constant 2500 : i32
      %lt3A_10 = arith.cmpi slt, %add3A_9, %lt3A : i32
      %convert_element_type3A = arith.extui %lt3A_10 : i1 to i32
      %cond3A = arith.constant 0 : i32
      %cond3A_11 = arith.cmpi ne, %convert_element_type3A, %cond3A : i32
      scf.if %cond3A_11 {
        %mul3A_12 = arith.constant 128 : i32
        %mul3A_13 = arith.muli %add3A_9, %mul3A_12 : i32
        "tpu.region"() ({
          %run_scoped3A = tpu.sem_alloc : memref<!tpu.dma_semaphore, #tpu.memory_space<semaphore_mem>>
          %dma_start3A_54 = tpu.memref_slice %arg5[%mul3A_13] : memref<320000xi32, #tpu.memory_space<hbm>> -> memref<128xi32, #tpu.memory_space<hbm>>
          %dma_start3A_55 = tpu.memref_slice %arg5[%mul3A_13] : memref<320000xi32, #tpu.memory_space<hbm>> -> memref<128xi32, #tpu.memory_space<hbm>>
          tpu.enqueue_dma source(%dma_start3A_55 : memref<128xi32, #tpu.memory_space<hbm>>) target(%arg10 : memref<128xi32, #tpu.memory_space<vmem>>) target_semaphore(%run_scoped3A : memref<!tpu.dma_semaphore, #tpu.memory_space<semaphore_mem>>)
          %dma_wait3A_56 = tpu.memref_slice %arg5[%mul3A_13] : memref<320000xi32, #tpu.memory_space<hbm>> -> memref<128xi32, #tpu.memory_space<hbm>>
          %dma_wait3A_57 = tpu.memref_slice %arg5[%mul3A_13] : memref<320000xi32, #tpu.memory_space<hbm>> -> memref<128xi32, #tpu.memory_space<hbm>>
          tpu.wait_dma2 semaphore(%run_scoped3A : memref<!tpu.dma_semaphore, #tpu.memory_space<semaphore_mem>>) src(%dma_wait3A_57 : memref<128xi32, #tpu.memory_space<hbm>>) dst(%arg10 : memref<128xi32, #tpu.memory_space<vmem>>)
          tpu.yield
        }) : () -> ()
        "tpu.region"() ({
          %run_scoped3A = tpu.sem_alloc : memref<!tpu.dma_semaphore, #tpu.memory_space<semaphore_mem>>
          %dma_start3A_54 = tpu.memref_slice %arg6[%mul3A_13] : memref<320000xi32, #tpu.memory_space<hbm>> -> memref<128xi32, #tpu.memory_space<hbm>>
          %dma_start3A_55 = tpu.memref_slice %arg6[%mul3A_13] : memref<320000xi32, #tpu.memory_space<hbm>> -> memref<128xi32, #tpu.memory_space<hbm>>
          tpu.enqueue_dma source(%dma_start3A_55 : memref<128xi32, #tpu.memory_space<hbm>>) target(%arg11 : memref<128xi32, #tpu.memory_space<vmem>>) target_semaphore(%run_scoped3A : memref<!tpu.dma_semaphore, #tpu.memory_space<semaphore_mem>>)
          %dma_wait3A_56 = tpu.memref_slice %arg6[%mul3A_13] : memref<320000xi32, #tpu.memory_space<hbm>> -> memref<128xi32, #tpu.memory_space<hbm>>
          %dma_wait3A_57 = tpu.memref_slice %arg6[%mul3A_13] : memref<320000xi32, #tpu.memory_space<hbm>> -> memref<128xi32, #tpu.memory_space<hbm>>
          tpu.wait_dma2 semaphore(%run_scoped3A : memref<!tpu.dma_semaphore, #tpu.memory_space<semaphore_mem>>) src(%dma_wait3A_57 : memref<128xi32, #tpu.memory_space<hbm>>) dst(%arg11 : memref<128xi32, #tpu.memory_space<vmem>>)
          tpu.yield
        }) : () -> ()
        %dma_start3A = arith.constant 0 : i32
        %dma_start3A_14 = arith.constant 0 : i32
        %dma_start3A_15 = tpu.memref_slice %arg2[%dma_start3A, %dma_start3A_14] : memref<10000x128xf32, #tpu.memory_space<hbm>> -> memref<10000x128xf32, #tpu.memory_space<hbm>>
        tpu.enqueue_indirect_dma source(%dma_start3A_15 : memref<10000x128xf32, #tpu.memory_space<hbm>>) target(%arg12 : memref<128x128xf32, #tpu.memory_space<vmem>>) offsets(%arg10 : memref<128xi32, #tpu.memory_space<vmem>>) semaphore(%arg15 : memref<!tpu.dma_semaphore, #tpu.memory_space<semaphore_mem>>)
        %dma_start3A_16 = arith.constant 0 : i32
        %dma_start3A_17 = arith.constant 0 : i32
        %dma_start3A_18 = tpu.memref_slice %arg3[%dma_start3A_16, %dma_start3A_17] : memref<10000x128xf32, #tpu.memory_space<hbm>> -> memref<10000x128xf32, #tpu.memory_space<hbm>>
        tpu.enqueue_indirect_dma source(%dma_start3A_18 : memref<10000x128xf32, #tpu.memory_space<hbm>>) target(%arg13 : memref<128x128xf32, #tpu.memory_space<vmem>>) offsets(%arg10 : memref<128xi32, #tpu.memory_space<vmem>>) semaphore(%arg15 : memref<!tpu.dma_semaphore, #tpu.memory_space<semaphore_mem>>)
        %dma_start3A_19 = arith.constant 0 : i32
        %dma_start3A_20 = arith.constant 0 : i32
        %dma_start3A_21 = tpu.memref_slice %arg4[%dma_start3A_19, %dma_start3A_20] : memref<10000x128xf32, #tpu.memory_space<hbm>> -> memref<10000x128xf32, #tpu.memory_space<hbm>>
        tpu.enqueue_indirect_dma source(%dma_start3A_21 : memref<10000x128xf32, #tpu.memory_space<hbm>>) target(%arg14 : memref<128x128xf32, #tpu.memory_space<vmem>>) offsets(%arg11 : memref<128xi32, #tpu.memory_space<vmem>>) semaphore(%arg15 : memref<!tpu.dma_semaphore, #tpu.memory_space<semaphore_mem>>)
        %dma_wait3A = arith.constant 0 : i32
        %dma_wait3A_22 = arith.constant 0 : i32
        %dma_wait3A_23 = tpu.memref_slice %arg2[%dma_wait3A, %dma_wait3A_22] : memref<10000x128xf32, #tpu.memory_space<hbm>> -> memref<10000x128xf32, #tpu.memory_space<hbm>>
        tpu.wait_indirect_dma semaphore(%arg15 : memref<!tpu.dma_semaphore, #tpu.memory_space<semaphore_mem>>) src(%dma_wait3A_23 : memref<10000x128xf32, #tpu.memory_space<hbm>>) dst(%arg12 : memref<128x128xf32, #tpu.memory_space<vmem>>)
        %dma_start3A_24 = arith.constant 0 : i32
        %dma_start3A_25 = tpu.memref_slice %arg7[%mul3A_13, %dma_start3A_24] : memref<320000x128xf32, #tpu.memory_space<hbm>> -> memref<128x128xf32, #tpu.memory_space<hbm>>
        %dma_start3A_26 = arith.constant 0 : i32
        %dma_start3A_27 = tpu.memref_slice %arg7[%mul3A_13, %dma_start3A_26] : memref<320000x128xf32, #tpu.memory_space<hbm>> -> memref<128x128xf32, #tpu.memory_space<hbm>>
        tpu.enqueue_dma source(%arg12 : memref<128x128xf32, #tpu.memory_space<vmem>>) target(%dma_start3A_27 : memref<128x128xf32, #tpu.memory_space<hbm>>) target_semaphore(%arg16 : memref<!tpu.dma_semaphore, #tpu.memory_space<semaphore_mem>>)
        %dma_wait3A_28 = arith.constant 0 : i32
        %dma_wait3A_29 = arith.constant 0 : i32
        %dma_wait3A_30 = tpu.memref_slice %arg3[%dma_wait3A_28, %dma_wait3A_29] : memref<10000x128xf32, #tpu.memory_space<hbm>> -> memref<10000x128xf32, #tpu.memory_space<hbm>>
        tpu.wait_indirect_dma semaphore(%arg15 : memref<!tpu.dma_semaphore, #tpu.memory_space<semaphore_mem>>) src(%dma_wait3A_30 : memref<10000x128xf32, #tpu.memory_space<hbm>>) dst(%arg13 : memref<128x128xf32, #tpu.memory_space<vmem>>)
        %dma_start3A_31 = arith.constant 0 : i32
        %dma_start3A_32 = tpu.memref_slice %arg8[%mul3A_13, %dma_start3A_31] : memref<320000x128xf32, #tpu.memory_space<hbm>> -> memref<128x128xf32, #tpu.memory_space<hbm>>
        %dma_start3A_33 = arith.constant 0 : i32
        %dma_start3A_34 = tpu.memref_slice %arg8[%mul3A_13, %dma_start3A_33] : memref<320000x128xf32, #tpu.memory_space<hbm>> -> memref<128x128xf32, #tpu.memory_space<hbm>>
        tpu.enqueue_dma source(%arg13 : memref<128x128xf32, #tpu.memory_space<vmem>>) target(%dma_start3A_34 : memref<128x128xf32, #tpu.memory_space<hbm>>) target_semaphore(%arg16 : memref<!tpu.dma_semaphore, #tpu.memory_space<semaphore_mem>>)
        %dma_wait3A_35 = arith.constant 0 : i32
        %dma_wait3A_36 = arith.constant 0 : i32
        %dma_wait3A_37 = tpu.memref_slice %arg4[%dma_wait3A_35, %dma_wait3A_36] : memref<10000x128xf32, #tpu.memory_space<hbm>> -> memref<10000x128xf32, #tpu.memory_space<hbm>>
        tpu.wait_indirect_dma semaphore(%arg15 : memref<!tpu.dma_semaphore, #tpu.memory_space<semaphore_mem>>) src(%dma_wait3A_37 : memref<10000x128xf32, #tpu.memory_space<hbm>>) dst(%arg14 : memref<128x128xf32, #tpu.memory_space<vmem>>)
        %dma_start3A_38 = arith.constant 0 : i32
        %dma_start3A_39 = tpu.memref_slice %arg9[%mul3A_13, %dma_start3A_38] : memref<320000x128xf32, #tpu.memory_space<hbm>> -> memref<128x128xf32, #tpu.memory_space<hbm>>
        %dma_start3A_40 = arith.constant 0 : i32
        %dma_start3A_41 = tpu.memref_slice %arg9[%mul3A_13, %dma_start3A_40] : memref<320000x128xf32, #tpu.memory_space<hbm>> -> memref<128x128xf32, #tpu.memory_space<hbm>>
        tpu.enqueue_dma source(%arg14 : memref<128x128xf32, #tpu.memory_space<vmem>>) target(%dma_start3A_41 : memref<128x128xf32, #tpu.memory_space<hbm>>) target_semaphore(%arg16 : memref<!tpu.dma_semaphore, #tpu.memory_space<semaphore_mem>>)
        %dma_wait3A_42 = arith.constant 0 : i32
        %dma_wait3A_43 = tpu.memref_slice %arg7[%mul3A_13, %dma_wait3A_42] : memref<320000x128xf32, #tpu.memory_space<hbm>> -> memref<128x128xf32, #tpu.memory_space<hbm>>
        %dma_wait3A_44 = arith.constant 0 : i32
        %dma_wait3A_45 = tpu.memref_slice %arg7[%mul3A_13, %dma_wait3A_44] : memref<320000x128xf32, #tpu.memory_space<hbm>> -> memref<128x128xf32, #tpu.memory_space<hbm>>
        tpu.wait_dma2 semaphore(%arg16 : memref<!tpu.dma_semaphore, #tpu.memory_space<semaphore_mem>>) src(%arg12 : memref<128x128xf32, #tpu.memory_space<vmem>>) dst(%dma_wait3A_45 : memref<128x128xf32, #tpu.memory_space<hbm>>)
        %dma_wait3A_46 = arith.constant 0 : i32
        %dma_wait3A_47 = tpu.memref_slice %arg8[%mul3A_13, %dma_wait3A_46] : memref<320000x128xf32, #tpu.memory_space<hbm>> -> memref<128x128xf32, #tpu.memory_space<hbm>>
        %dma_wait3A_48 = arith.constant 0 : i32
        %dma_wait3A_49 = tpu.memref_slice %arg8[%mul3A_13, %dma_wait3A_48] : memref<320000x128xf32, #tpu.memory_space<hbm>> -> memref<128x128xf32, #tpu.memory_space<hbm>>
        tpu.wait_dma2 semaphore(%arg16 : memref<!tpu.dma_semaphore, #tpu.memory_space<semaphore_mem>>) src(%arg13 : memref<128x128xf32, #tpu.memory_space<vmem>>) dst(%dma_wait3A_49 : memref<128x128xf32, #tpu.memory_space<hbm>>)
        %dma_wait3A_50 = arith.constant 0 : i32
        %dma_wait3A_51 = tpu.memref_slice %arg9[%mul3A_13, %dma_wait3A_50] : memref<320000x128xf32, #tpu.memory_space<hbm>> -> memref<128x128xf32, #tpu.memory_space<hbm>>
        %dma_wait3A_52 = arith.constant 0 : i32
        %dma_wait3A_53 = tpu.memref_slice %arg9[%mul3A_13, %dma_wait3A_52] : memref<320000x128xf32, #tpu.memory_space<hbm>> -> memref<128x128xf32, #tpu.memory_space<hbm>>
        tpu.wait_dma2 semaphore(%arg16 : memref<!tpu.dma_semaphore, #tpu.memory_space<semaphore_mem>>) src(%arg14 : memref<128x128xf32, #tpu.memory_space<vmem>>) dst(%dma_wait3A_53 : memref<128x128xf32, #tpu.memory_space<hbm>>)
      } else {
      }
    }
    %scan3A_5 = arith.constant 79 : i32
    return
  }
}

#map = affine_map<(d0, d1) -> (0, 0)>
#map1 = affine_map<(d0, d1) -> (0)>
#map2 = affine_map<(d0, d1) -> (0, 0, 0)>
module attributes {stable_mosaic.version = 14 : i64} {
  func.func @_sc_scatter_add(%arg0: i32, %arg1: i32, %arg2: memref<320000x128xf32, #tpu.memory_space<hbm>>, %arg3: memref<320000x128xf32, #tpu.memory_space<hbm>>, %arg4: memref<320000xi32, #tpu.memory_space<hbm>>, %arg5: memref<10000x128xf32, #tpu.memory_space<hbm>>, %arg6: memref<2x10000x128xf32, #tpu.memory_space<hbm>>, %arg7: memref<128xi32, #tpu.memory_space<vmem>>, %arg8: memref<128x128xf32, #tpu.memory_space<vmem>>, %arg9: memref<10000x128xf32, #tpu.memory_space<vmem_shared>>, %arg10: memref<!tpu.dma_semaphore, #tpu.memory_space<semaphore_mem>>) attributes {dimension_semantics = [#tpu.dimension_semantics<core_parallel>, #tpu.dimension_semantics<subcore_parallel>], iteration_bounds = array<i64: 2, 16>, scalar_prefetch = 0 : i64, scratch_operands = 4 : i64, tpu.core_type = #tpu.core_type<sc_vector_subcore>, window_params = [{transform_indices = #map}, {transform_indices = #map}, {transform_indices = #map1}, {transform_indices = #map}, {transform_indices = #map2}]} {
    %mul3A = arith.constant 624 : i32
    %mul3A_0 = arith.muli %arg1, %mul3A : i32
    "tpu.region"() ({
      %run_scoped3A = tpu.sem_alloc : memref<!tpu.dma_semaphore, #tpu.memory_space<semaphore_mem>>
      %dma_start3A = arith.constant 0 : i32
      %dma_start3A_14 = tpu.memref_slice %arg9[%mul3A_0, %dma_start3A] : memref<10000x128xf32, #tpu.memory_space<vmem_shared>> -> memref<624x128xf32, #tpu.memory_space<vmem_shared>>
      %dma_start3A_15 = arith.constant 0 : i32
      %dma_start3A_16 = tpu.memref_slice %arg5[%mul3A_0, %dma_start3A_15] : memref<10000x128xf32, #tpu.memory_space<hbm>> -> memref<624x128xf32, #tpu.memory_space<hbm>>
      tpu.enqueue_dma source(%dma_start3A_16 : memref<624x128xf32, #tpu.memory_space<hbm>>) target(%dma_start3A_14 : memref<624x128xf32, #tpu.memory_space<vmem_shared>>) target_semaphore(%run_scoped3A : memref<!tpu.dma_semaphore, #tpu.memory_space<semaphore_mem>>)
      %dma_wait3A = arith.constant 0 : i32
      %dma_wait3A_17 = tpu.memref_slice %arg9[%mul3A_0, %dma_wait3A] : memref<10000x128xf32, #tpu.memory_space<vmem_shared>> -> memref<624x128xf32, #tpu.memory_space<vmem_shared>>
      %dma_wait3A_18 = arith.constant 0 : i32
      %dma_wait3A_19 = tpu.memref_slice %arg5[%mul3A_0, %dma_wait3A_18] : memref<10000x128xf32, #tpu.memory_space<hbm>> -> memref<624x128xf32, #tpu.memory_space<hbm>>
      tpu.wait_dma2 semaphore(%run_scoped3A : memref<!tpu.dma_semaphore, #tpu.memory_space<semaphore_mem>>) src(%dma_wait3A_19 : memref<624x128xf32, #tpu.memory_space<hbm>>) dst(%dma_wait3A_17 : memref<624x128xf32, #tpu.memory_space<vmem_shared>>)
      tpu.yield
    }) : () -> ()
    %eq3A = arith.constant 15 : i32
    %eq3A_1 = arith.cmpi eq, %arg1, %eq3A : i32
    %convert_element_type3A = arith.extui %eq3A_1 : i1 to i32
    %cond3A = arith.constant 0 : i32
    %cond3A_2 = arith.cmpi ne, %convert_element_type3A, %cond3A : i32
    scf.if %cond3A_2 {
      "tpu.region"() ({
        %run_scoped3A = tpu.sem_alloc : memref<!tpu.dma_semaphore, #tpu.memory_space<semaphore_mem>>
        %dma_start3A = arith.constant 9984 : i32
        %dma_start3A_14 = arith.constant 0 : i32
        %dma_start3A_15 = tpu.memref_slice %arg9[%dma_start3A, %dma_start3A_14] : memref<10000x128xf32, #tpu.memory_space<vmem_shared>> -> memref<16x128xf32, #tpu.memory_space<vmem_shared>>
        %dma_start3A_16 = arith.constant 9984 : i32
        %dma_start3A_17 = arith.constant 0 : i32
        %dma_start3A_18 = tpu.memref_slice %arg5[%dma_start3A_16, %dma_start3A_17] : memref<10000x128xf32, #tpu.memory_space<hbm>> -> memref<16x128xf32, #tpu.memory_space<hbm>>
        tpu.enqueue_dma source(%dma_start3A_18 : memref<16x128xf32, #tpu.memory_space<hbm>>) target(%dma_start3A_15 : memref<16x128xf32, #tpu.memory_space<vmem_shared>>) target_semaphore(%run_scoped3A : memref<!tpu.dma_semaphore, #tpu.memory_space<semaphore_mem>>)
        %dma_wait3A = arith.constant 9984 : i32
        %dma_wait3A_19 = arith.constant 0 : i32
        %dma_wait3A_20 = tpu.memref_slice %arg9[%dma_wait3A, %dma_wait3A_19] : memref<10000x128xf32, #tpu.memory_space<vmem_shared>> -> memref<16x128xf32, #tpu.memory_space<vmem_shared>>
        %dma_wait3A_21 = arith.constant 9984 : i32
        %dma_wait3A_22 = arith.constant 0 : i32
        %dma_wait3A_23 = tpu.memref_slice %arg5[%dma_wait3A_21, %dma_wait3A_22] : memref<10000x128xf32, #tpu.memory_space<hbm>> -> memref<16x128xf32, #tpu.memory_space<hbm>>
        tpu.wait_dma2 semaphore(%run_scoped3A : memref<!tpu.dma_semaphore, #tpu.memory_space<semaphore_mem>>) src(%dma_wait3A_23 : memref<16x128xf32, #tpu.memory_space<hbm>>) dst(%dma_wait3A_20 : memref<16x128xf32, #tpu.memory_space<vmem_shared>>)
        tpu.yield
      }) : () -> ()
    } else {
    }
    %barrier3A = arith.constant 0 : index
    tpu.barrier barrier_id(%barrier3A)
    %scan3A = arith.constant 0 : i32
    %scan3A_3 = arith.constant 0 : i32
    %scan3A_4 = arith.constant 157 : i32
    %scan3A_5 = arith.addi %scan3A_3, %scan3A_4 : i32
    %scan3A_6 = arith.constant 1 : i32
    scf.for %scan3A_14 = %scan3A_3 to %scan3A_5 step %scan3A_6  : i32 {
      %mul3A_15 = arith.constant 16 : i32
      %mul3A_16 = arith.muli %scan3A_14, %mul3A_15 : i32
      %add3A = arith.addi %arg1, %mul3A_16 : i32
      %lt3A = arith.constant 2500 : i32
      %lt3A_17 = arith.cmpi slt, %add3A, %lt3A : i32
      %convert_element_type3A_18 = arith.extui %lt3A_17 : i1 to i32
      %cond3A_19 = arith.constant 0 : i32
      %cond3A_20 = arith.cmpi ne, %convert_element_type3A_18, %cond3A_19 : i32
      scf.if %cond3A_20 {
        %mul3A_21 = arith.constant 128 : i32
        %mul3A_22 = arith.muli %add3A, %mul3A_21 : i32
        "tpu.region"() ({
          %run_scoped3A = tpu.sem_alloc : memref<!tpu.dma_semaphore, #tpu.memory_space<semaphore_mem>>
          %dma_start3A = tpu.memref_slice %arg4[%mul3A_22] : memref<320000xi32, #tpu.memory_space<hbm>> -> memref<128xi32, #tpu.memory_space<hbm>>
          %dma_start3A_33 = tpu.memref_slice %arg4[%mul3A_22] : memref<320000xi32, #tpu.memory_space<hbm>> -> memref<128xi32, #tpu.memory_space<hbm>>
          tpu.enqueue_dma source(%dma_start3A_33 : memref<128xi32, #tpu.memory_space<hbm>>) target(%arg7 : memref<128xi32, #tpu.memory_space<vmem>>) target_semaphore(%run_scoped3A : memref<!tpu.dma_semaphore, #tpu.memory_space<semaphore_mem>>)
          %dma_wait3A = tpu.memref_slice %arg4[%mul3A_22] : memref<320000xi32, #tpu.memory_space<hbm>> -> memref<128xi32, #tpu.memory_space<hbm>>
          %dma_wait3A_34 = tpu.memref_slice %arg4[%mul3A_22] : memref<320000xi32, #tpu.memory_space<hbm>> -> memref<128xi32, #tpu.memory_space<hbm>>
          tpu.wait_dma2 semaphore(%run_scoped3A : memref<!tpu.dma_semaphore, #tpu.memory_space<semaphore_mem>>) src(%dma_wait3A_34 : memref<128xi32, #tpu.memory_space<hbm>>) dst(%arg7 : memref<128xi32, #tpu.memory_space<vmem>>)
          tpu.yield
        }) : () -> ()
        %eq3A_23 = arith.constant 0 : i32
        %eq3A_24 = arith.cmpi eq, %arg0, %eq3A_23 : i32
        %convert_element_type3A_25 = arith.extui %eq3A_24 : i1 to i32
        %cond3A_26 = arith.constant 0 : i32
        %cond3A_27 = arith.cmpi ne, %convert_element_type3A_25, %cond3A_26 : i32
        scf.if %cond3A_27 {
          "tpu.region"() ({
            %run_scoped3A = tpu.sem_alloc : memref<!tpu.dma_semaphore, #tpu.memory_space<semaphore_mem>>
            %dma_start3A = arith.constant 0 : i32
            %dma_start3A_33 = tpu.memref_slice %arg2[%mul3A_22, %dma_start3A] : memref<320000x128xf32, #tpu.memory_space<hbm>> -> memref<128x128xf32, #tpu.memory_space<hbm>>
            %dma_start3A_34 = arith.constant 0 : i32
            %dma_start3A_35 = tpu.memref_slice %arg2[%mul3A_22, %dma_start3A_34] : memref<320000x128xf32, #tpu.memory_space<hbm>> -> memref<128x128xf32, #tpu.memory_space<hbm>>
            tpu.enqueue_dma source(%dma_start3A_35 : memref<128x128xf32, #tpu.memory_space<hbm>>) target(%arg8 : memref<128x128xf32, #tpu.memory_space<vmem>>) target_semaphore(%run_scoped3A : memref<!tpu.dma_semaphore, #tpu.memory_space<semaphore_mem>>)
            %dma_wait3A = arith.constant 0 : i32
            %dma_wait3A_36 = tpu.memref_slice %arg2[%mul3A_22, %dma_wait3A] : memref<320000x128xf32, #tpu.memory_space<hbm>> -> memref<128x128xf32, #tpu.memory_space<hbm>>
            %dma_wait3A_37 = arith.constant 0 : i32
            %dma_wait3A_38 = tpu.memref_slice %arg2[%mul3A_22, %dma_wait3A_37] : memref<320000x128xf32, #tpu.memory_space<hbm>> -> memref<128x128xf32, #tpu.memory_space<hbm>>
            tpu.wait_dma2 semaphore(%run_scoped3A : memref<!tpu.dma_semaphore, #tpu.memory_space<semaphore_mem>>) src(%dma_wait3A_38 : memref<128x128xf32, #tpu.memory_space<hbm>>) dst(%arg8 : memref<128x128xf32, #tpu.memory_space<vmem>>)
            tpu.yield
          }) : () -> ()
        } else {
        }
        %eq3A_28 = arith.constant 1 : i32
        %eq3A_29 = arith.cmpi eq, %arg0, %eq3A_28 : i32
        %convert_element_type3A_30 = arith.extui %eq3A_29 : i1 to i32
        %cond3A_31 = arith.constant 0 : i32
        %cond3A_32 = arith.cmpi ne, %convert_element_type3A_30, %cond3A_31 : i32
        scf.if %cond3A_32 {
          "tpu.region"() ({
            %run_scoped3A = tpu.sem_alloc : memref<!tpu.dma_semaphore, #tpu.memory_space<semaphore_mem>>
            %dma_start3A = arith.constant 0 : i32
            %dma_start3A_33 = tpu.memref_slice %arg3[%mul3A_22, %dma_start3A] : memref<320000x128xf32, #tpu.memory_space<hbm>> -> memref<128x128xf32, #tpu.memory_space<hbm>>
            %dma_start3A_34 = arith.constant 0 : i32
            %dma_start3A_35 = tpu.memref_slice %arg3[%mul3A_22, %dma_start3A_34] : memref<320000x128xf32, #tpu.memory_space<hbm>> -> memref<128x128xf32, #tpu.memory_space<hbm>>
            tpu.enqueue_dma source(%dma_start3A_35 : memref<128x128xf32, #tpu.memory_space<hbm>>) target(%arg8 : memref<128x128xf32, #tpu.memory_space<vmem>>) target_semaphore(%run_scoped3A : memref<!tpu.dma_semaphore, #tpu.memory_space<semaphore_mem>>)
            %dma_wait3A = arith.constant 0 : i32
            %dma_wait3A_36 = tpu.memref_slice %arg3[%mul3A_22, %dma_wait3A] : memref<320000x128xf32, #tpu.memory_space<hbm>> -> memref<128x128xf32, #tpu.memory_space<hbm>>
            %dma_wait3A_37 = arith.constant 0 : i32
            %dma_wait3A_38 = tpu.memref_slice %arg3[%mul3A_22, %dma_wait3A_37] : memref<320000x128xf32, #tpu.memory_space<hbm>> -> memref<128x128xf32, #tpu.memory_space<hbm>>
            tpu.wait_dma2 semaphore(%run_scoped3A : memref<!tpu.dma_semaphore, #tpu.memory_space<semaphore_mem>>) src(%dma_wait3A_38 : memref<128x128xf32, #tpu.memory_space<hbm>>) dst(%arg8 : memref<128x128xf32, #tpu.memory_space<vmem>>)
            tpu.yield
          }) : () -> ()
        } else {
        }
        "tpu.region"() ({
          %run_scoped3A = tpu.sem_alloc : memref<!tpu.dma_semaphore, #tpu.memory_space<semaphore_mem>>
          %dma_start3A = arith.constant 0 : i32
          %dma_start3A_33 = arith.constant 0 : i32
          %dma_start3A_34 = tpu.memref_slice %arg9[%dma_start3A, %dma_start3A_33] : memref<10000x128xf32, #tpu.memory_space<vmem_shared>> -> memref<10000x128xf32, #tpu.memory_space<vmem_shared>>
          tpu.enqueue_indirect_dma source(%arg8 : memref<128x128xf32, #tpu.memory_space<vmem>>) target(%dma_start3A_34 : memref<10000x128xf32, #tpu.memory_space<vmem_shared>>) offsets(%arg7 : memref<128xi32, #tpu.memory_space<vmem>>) semaphore(%run_scoped3A : memref<!tpu.dma_semaphore, #tpu.memory_space<semaphore_mem>>) {add = true}
          %dma_wait3A = arith.constant 0 : i32
          %dma_wait3A_35 = arith.constant 0 : i32
          %dma_wait3A_36 = tpu.memref_slice %arg9[%dma_wait3A, %dma_wait3A_35] : memref<10000x128xf32, #tpu.memory_space<vmem_shared>> -> memref<10000x128xf32, #tpu.memory_space<vmem_shared>>
          tpu.wait_indirect_dma semaphore(%run_scoped3A : memref<!tpu.dma_semaphore, #tpu.memory_space<semaphore_mem>>) src(%arg8 : memref<128x128xf32, #tpu.memory_space<vmem>>) dst(%dma_wait3A_36 : memref<10000x128xf32, #tpu.memory_space<vmem_shared>>)
          tpu.yield
        }) : () -> ()
      } else {
      }
    }
    %scan3A_7 = arith.constant 157 : i32
    %barrier3A_8 = arith.constant 0 : index
    tpu.barrier barrier_id(%barrier3A_8)
    "tpu.region"() ({
      %run_scoped3A = tpu.sem_alloc : memref<!tpu.dma_semaphore, #tpu.memory_space<semaphore_mem>>
      %dma_start3A = arith.constant 0 : i32
      %dma_start3A_14 = tpu.memref_slice %arg6[%arg0, %mul3A_0, %dma_start3A] : memref<2x10000x128xf32, #tpu.memory_space<hbm>> -> memref<1x624x128xf32, #tpu.memory_space<hbm>>
      %dma_start3A_15 = tpu.memref_squeeze %dma_start3A_14 : memref<1x624x128xf32, #tpu.memory_space<hbm>> -> memref<624x128xf32, #tpu.memory_space<hbm>>
      %dma_start3A_16 = arith.constant 0 : i32
      %dma_start3A_17 = tpu.memref_slice %arg9[%mul3A_0, %dma_start3A_16] : memref<10000x128xf32, #tpu.memory_space<vmem_shared>> -> memref<624x128xf32, #tpu.memory_space<vmem_shared>>
      tpu.enqueue_dma source(%dma_start3A_17 : memref<624x128xf32, #tpu.memory_space<vmem_shared>>) target(%dma_start3A_15 : memref<624x128xf32, #tpu.memory_space<hbm>>) target_semaphore(%run_scoped3A : memref<!tpu.dma_semaphore, #tpu.memory_space<semaphore_mem>>)
      %dma_wait3A = arith.constant 0 : i32
      %dma_wait3A_18 = tpu.memref_slice %arg6[%arg0, %mul3A_0, %dma_wait3A] : memref<2x10000x128xf32, #tpu.memory_space<hbm>> -> memref<1x624x128xf32, #tpu.memory_space<hbm>>
      %dma_wait3A_19 = tpu.memref_squeeze %dma_wait3A_18 : memref<1x624x128xf32, #tpu.memory_space<hbm>> -> memref<624x128xf32, #tpu.memory_space<hbm>>
      %dma_wait3A_20 = arith.constant 0 : i32
      %dma_wait3A_21 = tpu.memref_slice %arg9[%mul3A_0, %dma_wait3A_20] : memref<10000x128xf32, #tpu.memory_space<vmem_shared>> -> memref<624x128xf32, #tpu.memory_space<vmem_shared>>
      tpu.wait_dma2 semaphore(%run_scoped3A : memref<!tpu.dma_semaphore, #tpu.memory_space<semaphore_mem>>) src(%dma_wait3A_21 : memref<624x128xf32, #tpu.memory_space<vmem_shared>>) dst(%dma_wait3A_19 : memref<624x128xf32, #tpu.memory_space<hbm>>)
      tpu.yield
    }) : () -> ()
    %eq3A_9 = arith.constant 15 : i32
    %eq3A_10 = arith.cmpi eq, %arg1, %eq3A_9 : i32
    %convert_element_type3A_11 = arith.extui %eq3A_10 : i1 to i32
    %cond3A_12 = arith.constant 0 : i32
    %cond3A_13 = arith.cmpi ne, %convert_element_type3A_11, %cond3A_12 : i32
    scf.if %cond3A_13 {
      "tpu.region"() ({
        %run_scoped3A = tpu.sem_alloc : memref<!tpu.dma_semaphore, #tpu.memory_space<semaphore_mem>>
        %dma_start3A = arith.constant 9984 : i32
        %dma_start3A_14 = arith.constant 0 : i32
        %dma_start3A_15 = tpu.memref_slice %arg6[%arg0, %dma_start3A, %dma_start3A_14] : memref<2x10000x128xf32, #tpu.memory_space<hbm>> -> memref<1x16x128xf32, #tpu.memory_space<hbm>>
        %dma_start3A_16 = tpu.memref_squeeze %dma_start3A_15 : memref<1x16x128xf32, #tpu.memory_space<hbm>> -> memref<16x128xf32, #tpu.memory_space<hbm>>
        %dma_start3A_17 = arith.constant 9984 : i32
        %dma_start3A_18 = arith.constant 0 : i32
        %dma_start3A_19 = tpu.memref_slice %arg9[%dma_start3A_17, %dma_start3A_18] : memref<10000x128xf32, #tpu.memory_space<vmem_shared>> -> memref<16x128xf32, #tpu.memory_space<vmem_shared>>
        tpu.enqueue_dma source(%dma_start3A_19 : memref<16x128xf32, #tpu.memory_space<vmem_shared>>) target(%dma_start3A_16 : memref<16x128xf32, #tpu.memory_space<hbm>>) target_semaphore(%run_scoped3A : memref<!tpu.dma_semaphore, #tpu.memory_space<semaphore_mem>>)
        %dma_wait3A = arith.constant 9984 : i32
        %dma_wait3A_20 = arith.constant 0 : i32
        %dma_wait3A_21 = tpu.memref_slice %arg6[%arg0, %dma_wait3A, %dma_wait3A_20] : memref<2x10000x128xf32, #tpu.memory_space<hbm>> -> memref<1x16x128xf32, #tpu.memory_space<hbm>>
        %dma_wait3A_22 = tpu.memref_squeeze %dma_wait3A_21 : memref<1x16x128xf32, #tpu.memory_space<hbm>> -> memref<16x128xf32, #tpu.memory_space<hbm>>
        %dma_wait3A_23 = arith.constant 9984 : i32
        %dma_wait3A_24 = arith.constant 0 : i32
        %dma_wait3A_25 = tpu.memref_slice %arg9[%dma_wait3A_23, %dma_wait3A_24] : memref<10000x128xf32, #tpu.memory_space<vmem_shared>> -> memref<16x128xf32, #tpu.memory_space<vmem_shared>>
        tpu.wait_dma2 semaphore(%run_scoped3A : memref<!tpu.dma_semaphore, #tpu.memory_space<semaphore_mem>>) src(%dma_wait3A_25 : memref<16x128xf32, #tpu.memory_space<vmem_shared>>) dst(%dma_wait3A_22 : memref<16x128xf32, #tpu.memory_space<hbm>>)
        tpu.yield
      }) : () -> ()
    } else {
    }
    return
  }
}

module attributes {stable_mosaic.version = 14 : i64} {
  func.func @_atom_emb_body(%arg0: i32, %arg1: memref<2000x9xi32, #tpu.memory_space<vmem>>, %arg2: memref<9x100x128xf32, #tpu.memory_space<vmem>>, %arg3: memref<2000x128xf32, #tpu.memory_space<vmem>>) attributes {dimension_semantics = [#tpu.dimension_semantics<arbitrary>], iteration_bounds = array<i64: 5>, scalar_prefetch = 0 : i64, scratch_operands = 0 : i64, tpu.core_type = #tpu.core_type<tc>, window_params = [{transform_indices = @transform_0, window_bounds = array<i64: 2000, 9>}, {pipeline_mode = #tpu.pipeline_mode<synchronous>, transform_indices = @transform_1, window_bounds = array<i64: 9, 100, 128>}, {transform_indices = @transform_2, window_bounds = array<i64: 2000, 128>}]} {
    %broadcast_in_dim3A = arith.constant 0.000000e+00 : f32
    %broadcast_in_dim3A_0 = vector.broadcast %broadcast_in_dim3A : f32 to vector<2000x128xf32>
    %get3A = arith.constant 0 : index
    %get3A_1 = arith.constant 0 : index
    %get3A_2 = vector.load %arg1[%get3A, %get3A_1] : memref<2000x9xi32, #tpu.memory_space<vmem>>, vector<2000x1xi32>
    %get3A_3 = vector.shape_cast %get3A_2 : vector<2000x1xi32> to vector<2000xi32>
    %iota3A = tpu.iota {dimensions = array<i32: 1>} : vector<2000x100xi32>
    %broadcast_in_dim3A_4 = vector.shape_cast %get3A_3 : vector<2000xi32> to vector<2000x1xi32>
    %eq3A = vector.broadcast %broadcast_in_dim3A_4 : vector<2000x1xi32> to vector<2000x100xi32>
    %eq3A_5 = arith.cmpi eq, %eq3A, %iota3A : vector<2000x100xi32>
    %convert_element_type3A = arith.extui %eq3A_5 : vector<2000x100xi1> to vector<2000x100xi32>
    %convert_element_type3A_6 = arith.sitofp %convert_element_type3A : vector<2000x100xi32> to vector<2000x100xf32>
    %get3A_7 = arith.constant 0 : index
    %get3A_8 = arith.constant 0 : index
    %get3A_9 = arith.constant 0 : index
    %get3A_10 = vector.load %arg2[%get3A_7, %get3A_8, %get3A_9] : memref<9x100x128xf32, #tpu.memory_space<vmem>>, vector<1x100x128xf32>
    %get3A_11 = vector.shape_cast %get3A_10 : vector<1x100x128xf32> to vector<100x128xf32>
    %dot_general3A = arith.constant dense<0.000000e+00> : vector<2000x128xf32>
    %dot_general3A_12 = tpu.matmul %convert_element_type3A_6, %get3A_11, %dot_general3A {dimension_numbers = #tpu.dot_dimension_numbers<[1], [0], [0], [1], [0, 0, 1, 1], [], []>, transpose_lhs_hint = false} : vector<2000x100xf32>, vector<100x128xf32>, vector<2000x128xf32> -> vector<2000x128xf32>
    %add3A = arith.addf %broadcast_in_dim3A_0, %dot_general3A_12 : vector<2000x128xf32>
    %get3A_13 = arith.constant 0 : index
    %get3A_14 = arith.constant 1 : index
    %get3A_15 = vector.load %arg1[%get3A_13, %get3A_14] : memref<2000x9xi32, #tpu.memory_space<vmem>>, vector<2000x1xi32>
    %get3A_16 = vector.shape_cast %get3A_15 : vector<2000x1xi32> to vector<2000xi32>
    %iota3A_17 = tpu.iota {dimensions = array<i32: 1>} : vector<2000x100xi32>
    %broadcast_in_dim3A_18 = vector.shape_cast %get3A_16 : vector<2000xi32> to vector<2000x1xi32>
    %eq3A_19 = vector.broadcast %broadcast_in_dim3A_18 : vector<2000x1xi32> to vector<2000x100xi32>
    %eq3A_20 = arith.cmpi eq, %eq3A_19, %iota3A_17 : vector<2000x100xi32>
    %convert_element_type3A_21 = arith.extui %eq3A_20 : vector<2000x100xi1> to vector<2000x100xi32>
    %convert_element_type3A_22 = arith.sitofp %convert_element_type3A_21 : vector<2000x100xi32> to vector<2000x100xf32>
    %get3A_23 = arith.constant 1 : index
    %get3A_24 = arith.constant 0 : index
    %get3A_25 = arith.constant 0 : index
    %get3A_26 = vector.load %arg2[%get3A_23, %get3A_24, %get3A_25] : memref<9x100x128xf32, #tpu.memory_space<vmem>>, vector<1x100x128xf32>
    %get3A_27 = vector.shape_cast %get3A_26 : vector<1x100x128xf32> to vector<100x128xf32>
    %dot_general3A_28 = arith.constant dense<0.000000e+00> : vector<2000x128xf32>
    %dot_general3A_29 = tpu.matmul %convert_element_type3A_22, %get3A_27, %dot_general3A_28 {dimension_numbers = #tpu.dot_dimension_numbers<[1], [0], [0], [1], [0, 0, 1, 1], [], []>, transpose_lhs_hint = false} : vector<2000x100xf32>, vector<100x128xf32>, vector<2000x128xf32> -> vector<2000x128xf32>
    %add3A_30 = arith.addf %add3A, %dot_general3A_29 : vector<2000x128xf32>
    %get3A_31 = arith.constant 0 : index
    %get3A_32 = arith.constant 2 : index
    %get3A_33 = vector.load %arg1[%get3A_31, %get3A_32] : memref<2000x9xi32, #tpu.memory_space<vmem>>, vector<2000x1xi32>
    %get3A_34 = vector.shape_cast %get3A_33 : vector<2000x1xi32> to vector<2000xi32>
    %iota3A_35 = tpu.iota {dimensions = array<i32: 1>} : vector<2000x100xi32>
    %broadcast_in_dim3A_36 = vector.shape_cast %get3A_34 : vector<2000xi32> to vector<2000x1xi32>
    %eq3A_37 = vector.broadcast %broadcast_in_dim3A_36 : vector<2000x1xi32> to vector<2000x100xi32>
    %eq3A_38 = arith.cmpi eq, %eq3A_37, %iota3A_35 : vector<2000x100xi32>
    %convert_element_type3A_39 = arith.extui %eq3A_38 : vector<2000x100xi1> to vector<2000x100xi32>
    %convert_element_type3A_40 = arith.sitofp %convert_element_type3A_39 : vector<2000x100xi32> to vector<2000x100xf32>
    %get3A_41 = arith.constant 2 : index
    %get3A_42 = arith.constant 0 : index
    %get3A_43 = arith.constant 0 : index
    %get3A_44 = vector.load %arg2[%get3A_41, %get3A_42, %get3A_43] : memref<9x100x128xf32, #tpu.memory_space<vmem>>, vector<1x100x128xf32>
    %get3A_45 = vector.shape_cast %get3A_44 : vector<1x100x128xf32> to vector<100x128xf32>
    %dot_general3A_46 = arith.constant dense<0.000000e+00> : vector<2000x128xf32>
    %dot_general3A_47 = tpu.matmul %convert_element_type3A_40, %get3A_45, %dot_general3A_46 {dimension_numbers = #tpu.dot_dimension_numbers<[1], [0], [0], [1], [0, 0, 1, 1], [], []>, transpose_lhs_hint = false} : vector<2000x100xf32>, vector<100x128xf32>, vector<2000x128xf32> -> vector<2000x128xf32>
    %add3A_48 = arith.addf %add3A_30, %dot_general3A_47 : vector<2000x128xf32>
    %get3A_49 = arith.constant 0 : index
    %get3A_50 = arith.constant 3 : index
    %get3A_51 = vector.load %arg1[%get3A_49, %get3A_50] : memref<2000x9xi32, #tpu.memory_space<vmem>>, vector<2000x1xi32>
    %get3A_52 = vector.shape_cast %get3A_51 : vector<2000x1xi32> to vector<2000xi32>
    %iota3A_53 = tpu.iota {dimensions = array<i32: 1>} : vector<2000x100xi32>
    %broadcast_in_dim3A_54 = vector.shape_cast %get3A_52 : vector<2000xi32> to vector<2000x1xi32>
    %eq3A_55 = vector.broadcast %broadcast_in_dim3A_54 : vector<2000x1xi32> to vector<2000x100xi32>
    %eq3A_56 = arith.cmpi eq, %eq3A_55, %iota3A_53 : vector<2000x100xi32>
    %convert_element_type3A_57 = arith.extui %eq3A_56 : vector<2000x100xi1> to vector<2000x100xi32>
    %convert_element_type3A_58 = arith.sitofp %convert_element_type3A_57 : vector<2000x100xi32> to vector<2000x100xf32>
    %get3A_59 = arith.constant 3 : index
    %get3A_60 = arith.constant 0 : index
    %get3A_61 = arith.constant 0 : index
    %get3A_62 = vector.load %arg2[%get3A_59, %get3A_60, %get3A_61] : memref<9x100x128xf32, #tpu.memory_space<vmem>>, vector<1x100x128xf32>
    %get3A_63 = vector.shape_cast %get3A_62 : vector<1x100x128xf32> to vector<100x128xf32>
    %dot_general3A_64 = arith.constant dense<0.000000e+00> : vector<2000x128xf32>
    %dot_general3A_65 = tpu.matmul %convert_element_type3A_58, %get3A_63, %dot_general3A_64 {dimension_numbers = #tpu.dot_dimension_numbers<[1], [0], [0], [1], [0, 0, 1, 1], [], []>, transpose_lhs_hint = false} : vector<2000x100xf32>, vector<100x128xf32>, vector<2000x128xf32> -> vector<2000x128xf32>
    %add3A_66 = arith.addf %add3A_48, %dot_general3A_65 : vector<2000x128xf32>
    %get3A_67 = arith.constant 0 : index
    %get3A_68 = arith.constant 4 : index
    %get3A_69 = vector.load %arg1[%get3A_67, %get3A_68] : memref<2000x9xi32, #tpu.memory_space<vmem>>, vector<2000x1xi32>
    %get3A_70 = vector.shape_cast %get3A_69 : vector<2000x1xi32> to vector<2000xi32>
    %iota3A_71 = tpu.iota {dimensions = array<i32: 1>} : vector<2000x100xi32>
    %broadcast_in_dim3A_72 = vector.shape_cast %get3A_70 : vector<2000xi32> to vector<2000x1xi32>
    %eq3A_73 = vector.broadcast %broadcast_in_dim3A_72 : vector<2000x1xi32> to vector<2000x100xi32>
    %eq3A_74 = arith.cmpi eq, %eq3A_73, %iota3A_71 : vector<2000x100xi32>
    %convert_element_type3A_75 = arith.extui %eq3A_74 : vector<2000x100xi1> to vector<2000x100xi32>
    %convert_element_type3A_76 = arith.sitofp %convert_element_type3A_75 : vector<2000x100xi32> to vector<2000x100xf32>
    %get3A_77 = arith.constant 4 : index
    %get3A_78 = arith.constant 0 : index
    %get3A_79 = arith.constant 0 : index
    %get3A_80 = vector.load %arg2[%get3A_77, %get3A_78, %get3A_79] : memref<9x100x128xf32, #tpu.memory_space<vmem>>, vector<1x100x128xf32>
    %get3A_81 = vector.shape_cast %get3A_80 : vector<1x100x128xf32> to vector<100x128xf32>
    %dot_general3A_82 = arith.constant dense<0.000000e+00> : vector<2000x128xf32>
    %dot_general3A_83 = tpu.matmul %convert_element_type3A_76, %get3A_81, %dot_general3A_82 {dimension_numbers = #tpu.dot_dimension_numbers<[1], [0], [0], [1], [0, 0, 1, 1], [], []>, transpose_lhs_hint = false} : vector<2000x100xf32>, vector<100x128xf32>, vector<2000x128xf32> -> vector<2000x128xf32>
    %add3A_84 = arith.addf %add3A_66, %dot_general3A_83 : vector<2000x128xf32>
    %get3A_85 = arith.constant 0 : index
    %get3A_86 = arith.constant 5 : index
    %get3A_87 = vector.load %arg1[%get3A_85, %get3A_86] : memref<2000x9xi32, #tpu.memory_space<vmem>>, vector<2000x1xi32>
    %get3A_88 = vector.shape_cast %get3A_87 : vector<2000x1xi32> to vector<2000xi32>
    %iota3A_89 = tpu.iota {dimensions = array<i32: 1>} : vector<2000x100xi32>
    %broadcast_in_dim3A_90 = vector.shape_cast %get3A_88 : vector<2000xi32> to vector<2000x1xi32>
    %eq3A_91 = vector.broadcast %broadcast_in_dim3A_90 : vector<2000x1xi32> to vector<2000x100xi32>
    %eq3A_92 = arith.cmpi eq, %eq3A_91, %iota3A_89 : vector<2000x100xi32>
    %convert_element_type3A_93 = arith.extui %eq3A_92 : vector<2000x100xi1> to vector<2000x100xi32>
    %convert_element_type3A_94 = arith.sitofp %convert_element_type3A_93 : vector<2000x100xi32> to vector<2000x100xf32>
    %get3A_95 = arith.constant 5 : index
    %get3A_96 = arith.constant 0 : index
    %get3A_97 = arith.constant 0 : index
    %get3A_98 = vector.load %arg2[%get3A_95, %get3A_96, %get3A_97] : memref<9x100x128xf32, #tpu.memory_space<vmem>>, vector<1x100x128xf32>
    %get3A_99 = vector.shape_cast %get3A_98 : vector<1x100x128xf32> to vector<100x128xf32>
    %dot_general3A_100 = arith.constant dense<0.000000e+00> : vector<2000x128xf32>
    %dot_general3A_101 = tpu.matmul %convert_element_type3A_94, %get3A_99, %dot_general3A_100 {dimension_numbers = #tpu.dot_dimension_numbers<[1], [0], [0], [1], [0, 0, 1, 1], [], []>, transpose_lhs_hint = false} : vector<2000x100xf32>, vector<100x128xf32>, vector<2000x128xf32> -> vector<2000x128xf32>
    %add3A_102 = arith.addf %add3A_84, %dot_general3A_101 : vector<2000x128xf32>
    %get3A_103 = arith.constant 0 : index
    %get3A_104 = arith.constant 6 : index
    %get3A_105 = vector.load %arg1[%get3A_103, %get3A_104] : memref<2000x9xi32, #tpu.memory_space<vmem>>, vector<2000x1xi32>
    %get3A_106 = vector.shape_cast %get3A_105 : vector<2000x1xi32> to vector<2000xi32>
    %iota3A_107 = tpu.iota {dimensions = array<i32: 1>} : vector<2000x100xi32>
    %broadcast_in_dim3A_108 = vector.shape_cast %get3A_106 : vector<2000xi32> to vector<2000x1xi32>
    %eq3A_109 = vector.broadcast %broadcast_in_dim3A_108 : vector<2000x1xi32> to vector<2000x100xi32>
    %eq3A_110 = arith.cmpi eq, %eq3A_109, %iota3A_107 : vector<2000x100xi32>
    %convert_element_type3A_111 = arith.extui %eq3A_110 : vector<2000x100xi1> to vector<2000x100xi32>
    %convert_element_type3A_112 = arith.sitofp %convert_element_type3A_111 : vector<2000x100xi32> to vector<2000x100xf32>
    %get3A_113 = arith.constant 6 : index
    %get3A_114 = arith.constant 0 : index
    %get3A_115 = arith.constant 0 : index
    %get3A_116 = vector.load %arg2[%get3A_113, %get3A_114, %get3A_115] : memref<9x100x128xf32, #tpu.memory_space<vmem>>, vector<1x100x128xf32>
    %get3A_117 = vector.shape_cast %get3A_116 : vector<1x100x128xf32> to vector<100x128xf32>
    %dot_general3A_118 = arith.constant dense<0.000000e+00> : vector<2000x128xf32>
    %dot_general3A_119 = tpu.matmul %convert_element_type3A_112, %get3A_117, %dot_general3A_118 {dimension_numbers = #tpu.dot_dimension_numbers<[1], [0], [0], [1], [0, 0, 1, 1], [], []>, transpose_lhs_hint = false} : vector<2000x100xf32>, vector<100x128xf32>, vector<2000x128xf32> -> vector<2000x128xf32>
    %add3A_120 = arith.addf %add3A_102, %dot_general3A_119 : vector<2000x128xf32>
    %get3A_121 = arith.constant 0 : index
    %get3A_122 = arith.constant 7 : index
    %get3A_123 = vector.load %arg1[%get3A_121, %get3A_122] : memref<2000x9xi32, #tpu.memory_space<vmem>>, vector<2000x1xi32>
    %get3A_124 = vector.shape_cast %get3A_123 : vector<2000x1xi32> to vector<2000xi32>
    %iota3A_125 = tpu.iota {dimensions = array<i32: 1>} : vector<2000x100xi32>
    %broadcast_in_dim3A_126 = vector.shape_cast %get3A_124 : vector<2000xi32> to vector<2000x1xi32>
    %eq3A_127 = vector.broadcast %broadcast_in_dim3A_126 : vector<2000x1xi32> to vector<2000x100xi32>
    %eq3A_128 = arith.cmpi eq, %eq3A_127, %iota3A_125 : vector<2000x100xi32>
    %convert_element_type3A_129 = arith.extui %eq3A_128 : vector<2000x100xi1> to vector<2000x100xi32>
    %convert_element_type3A_130 = arith.sitofp %convert_element_type3A_129 : vector<2000x100xi32> to vector<2000x100xf32>
    %get3A_131 = arith.constant 7 : index
    %get3A_132 = arith.constant 0 : index
    %get3A_133 = arith.constant 0 : index
    %get3A_134 = vector.load %arg2[%get3A_131, %get3A_132, %get3A_133] : memref<9x100x128xf32, #tpu.memory_space<vmem>>, vector<1x100x128xf32>
    %get3A_135 = vector.shape_cast %get3A_134 : vector<1x100x128xf32> to vector<100x128xf32>
    %dot_general3A_136 = arith.constant dense<0.000000e+00> : vector<2000x128xf32>
    %dot_general3A_137 = tpu.matmul %convert_element_type3A_130, %get3A_135, %dot_general3A_136 {dimension_numbers = #tpu.dot_dimension_numbers<[1], [0], [0], [1], [0, 0, 1, 1], [], []>, transpose_lhs_hint = false} : vector<2000x100xf32>, vector<100x128xf32>, vector<2000x128xf32> -> vector<2000x128xf32>
    %add3A_138 = arith.addf %add3A_120, %dot_general3A_137 : vector<2000x128xf32>
    %get3A_139 = arith.constant 0 : index
    %get3A_140 = arith.constant 8 : index
    %get3A_141 = vector.load %arg1[%get3A_139, %get3A_140] : memref<2000x9xi32, #tpu.memory_space<vmem>>, vector<2000x1xi32>
    %get3A_142 = vector.shape_cast %get3A_141 : vector<2000x1xi32> to vector<2000xi32>
    %iota3A_143 = tpu.iota {dimensions = array<i32: 1>} : vector<2000x100xi32>
    %broadcast_in_dim3A_144 = vector.shape_cast %get3A_142 : vector<2000xi32> to vector<2000x1xi32>
    %eq3A_145 = vector.broadcast %broadcast_in_dim3A_144 : vector<2000x1xi32> to vector<2000x100xi32>
    %eq3A_146 = arith.cmpi eq, %eq3A_145, %iota3A_143 : vector<2000x100xi32>
    %convert_element_type3A_147 = arith.extui %eq3A_146 : vector<2000x100xi1> to vector<2000x100xi32>
    %convert_element_type3A_148 = arith.sitofp %convert_element_type3A_147 : vector<2000x100xi32> to vector<2000x100xf32>
    %get3A_149 = arith.constant 8 : index
    %get3A_150 = arith.constant 0 : index
    %get3A_151 = arith.constant 0 : index
    %get3A_152 = vector.load %arg2[%get3A_149, %get3A_150, %get3A_151] : memref<9x100x128xf32, #tpu.memory_space<vmem>>, vector<1x100x128xf32>
    %get3A_153 = vector.shape_cast %get3A_152 : vector<1x100x128xf32> to vector<100x128xf32>
    %dot_general3A_154 = arith.constant dense<0.000000e+00> : vector<2000x128xf32>
    %dot_general3A_155 = tpu.matmul %convert_element_type3A_148, %get3A_153, %dot_general3A_154 {dimension_numbers = #tpu.dot_dimension_numbers<[1], [0], [0], [1], [0, 0, 1, 1], [], []>, transpose_lhs_hint = false} : vector<2000x100xf32>, vector<100x128xf32>, vector<2000x128xf32> -> vector<2000x128xf32>
    %add3A_156 = arith.addf %add3A_138, %dot_general3A_155 : vector<2000x128xf32>
    %swap3A = arith.constant 0 : index
    %swap3A_157 = arith.constant 0 : index
    %swap3A_158 = vector.load %arg3[%swap3A, %swap3A_157] : memref<2000x128xf32, #tpu.memory_space<vmem>>, vector<2000x128xf32>
    tpu.vector_store %arg3[%swap3A, %swap3A_157], %add3A_156 {strides = array<i32>} : memref<2000x128xf32, #tpu.memory_space<vmem>>, vector<2000x128xf32>,
    return
  }
  func.func @transform_0(%arg0: i32) -> (i32, i32) {
    %c0_i32 = arith.constant 0 : i32
    %c0_i32_0 = arith.constant 0 : i32
    return %arg0, %c0_i32 : i32, i32
  }
  func.func @transform_1(%arg0: i32) -> (i32, i32, i32) {
    %c0_i32 = arith.constant 0 : i32
    %c0_i32_0 = arith.constant 0 : i32
    %c0_i32_1 = arith.constant 0 : i32
    %c0_i32_2 = arith.constant 0 : i32
    return %c0_i32, %c0_i32_0, %c0_i32_1 : i32, i32, i32
  }
  func.func @transform_2(%arg0: i32) -> (i32, i32) {
    %c0_i32 = arith.constant 0 : i32
    %c0_i32_0 = arith.constant 0 : i32
    return %arg0, %c0_i32 : i32, i32
  }
}

module attributes {stable_mosaic.version = 14 : i64} {
  func.func @_proj_body(%arg0: i32, %arg1: memref<2000x128xf32, #tpu.memory_space<vmem>>, %arg2: memref<128x512xf32, #tpu.memory_space<vmem>>, %arg3: memref<1x512xf32, #tpu.memory_space<vmem>>, %arg4: memref<2000x128xf32, #tpu.memory_space<vmem>>, %arg5: memref<2000x128xf32, #tpu.memory_space<vmem>>, %arg6: memref<2000x128xf32, #tpu.memory_space<vmem>>, %arg7: memref<2000x128xf32, #tpu.memory_space<vmem>>) attributes {dimension_semantics = [#tpu.dimension_semantics<arbitrary>], iteration_bounds = array<i64: 5>, scalar_prefetch = 0 : i64, scratch_operands = 0 : i64, tpu.core_type = #tpu.core_type<tc>, window_params = [{transform_indices = @transform_0, window_bounds = array<i64: 2000, 128>}, {pipeline_mode = #tpu.pipeline_mode<synchronous>, transform_indices = @transform_1, window_bounds = array<i64: 128, 512>}, {pipeline_mode = #tpu.pipeline_mode<synchronous>, transform_indices = @transform_2, window_bounds = array<i64: 1, 512>}, {transform_indices = @transform_3, window_bounds = array<i64: 2000, 128>}, {transform_indices = @transform_4, window_bounds = array<i64: 2000, 128>}, {transform_indices = @transform_5, window_bounds = array<i64: 2000, 128>}, {transform_indices = @transform_6, window_bounds = array<i64: 2000, 128>}]} {
    %get3A = arith.constant 0 : index
    %get3A_0 = arith.constant 0 : index
    %get3A_1 = vector.load %arg1[%get3A, %get3A_0] : memref<2000x128xf32, #tpu.memory_space<vmem>>, vector<2000x128xf32>
    %get3A_2 = arith.constant 0 : index
    %get3A_3 = arith.constant 0 : index
    %get3A_4 = vector.load %arg2[%get3A_2, %get3A_3] : memref<128x512xf32, #tpu.memory_space<vmem>>, vector<128x512xf32>
    %dot_general3A = arith.constant dense<0.000000e+00> : vector<2000x512xf32>
    %dot_general3A_5 = tpu.matmul %get3A_1, %get3A_4, %dot_general3A {dimension_numbers = #tpu.dot_dimension_numbers<[1], [0], [0], [1], [0, 0, 1, 1], [], []>, transpose_lhs_hint = false} : vector<2000x128xf32>, vector<128x512xf32>, vector<2000x512xf32> -> vector<2000x512xf32>
    %get3A_6 = arith.constant 0 : index
    %get3A_7 = arith.constant 0 : index
    %get3A_8 = vector.load %arg3[%get3A_6, %get3A_7] : memref<1x512xf32, #tpu.memory_space<vmem>>, vector<1x512xf32>
    %add3A = vector.broadcast %get3A_8 : vector<1x512xf32> to vector<2000x512xf32>
    %add3A_9 = arith.addf %dot_general3A_5, %add3A : vector<2000x512xf32>
    %slice3A = vector.extract_strided_slice %add3A_9 {offsets = [0, 0], sizes = [2000, 128], strides = [1, 1]} : vector<2000x512xf32> to vector<2000x128xf32>
    %swap3A = arith.constant 0 : index
    %swap3A_10 = arith.constant 0 : index
    %swap3A_11 = vector.load %arg4[%swap3A, %swap3A_10] : memref<2000x128xf32, #tpu.memory_space<vmem>>, vector<2000x128xf32>
    tpu.vector_store %arg4[%swap3A, %swap3A_10], %slice3A {strides = array<i32>} : memref<2000x128xf32, #tpu.memory_space<vmem>>, vector<2000x128xf32>,
    %slice3A_12 = vector.extract_strided_slice %add3A_9 {offsets = [0, 128], sizes = [2000, 128], strides = [1, 1]} : vector<2000x512xf32> to vector<2000x128xf32>
    %swap3A_13 = arith.constant 0 : index
    %swap3A_14 = arith.constant 0 : index
    %swap3A_15 = vector.load %arg5[%swap3A_13, %swap3A_14] : memref<2000x128xf32, #tpu.memory_space<vmem>>, vector<2000x128xf32>
    tpu.vector_store %arg5[%swap3A_13, %swap3A_14], %slice3A_12 {strides = array<i32>} : memref<2000x128xf32, #tpu.memory_space<vmem>>, vector<2000x128xf32>,
    %slice3A_16 = vector.extract_strided_slice %add3A_9 {offsets = [0, 256], sizes = [2000, 128], strides = [1, 1]} : vector<2000x512xf32> to vector<2000x128xf32>
    %swap3A_17 = arith.constant 0 : index
    %swap3A_18 = arith.constant 0 : index
    %swap3A_19 = vector.load %arg6[%swap3A_17, %swap3A_18] : memref<2000x128xf32, #tpu.memory_space<vmem>>, vector<2000x128xf32>
    tpu.vector_store %arg6[%swap3A_17, %swap3A_18], %slice3A_16 {strides = array<i32>} : memref<2000x128xf32, #tpu.memory_space<vmem>>, vector<2000x128xf32>,
    %slice3A_20 = vector.extract_strided_slice %add3A_9 {offsets = [0, 384], sizes = [2000, 128], strides = [1, 1]} : vector<2000x512xf32> to vector<2000x128xf32>
    %swap3A_21 = arith.constant 0 : index
    %swap3A_22 = arith.constant 0 : index
    %swap3A_23 = vector.load %arg7[%swap3A_21, %swap3A_22] : memref<2000x128xf32, #tpu.memory_space<vmem>>, vector<2000x128xf32>
    tpu.vector_store %arg7[%swap3A_21, %swap3A_22], %slice3A_20 {strides = array<i32>} : memref<2000x128xf32, #tpu.memory_space<vmem>>, vector<2000x128xf32>,
    return
  }
  func.func @transform_0(%arg0: i32) -> (i32, i32) {
    %c0_i32 = arith.constant 0 : i32
    %c0_i32_0 = arith.constant 0 : i32
    return %arg0, %c0_i32 : i32, i32
  }
  func.func @transform_1(%arg0: i32) -> (i32, i32) {
    %c0_i32 = arith.constant 0 : i32
    %c0_i32_0 = arith.constant 0 : i32
    %c0_i32_1 = arith.constant 0 : i32
    return %c0_i32, %c0_i32_0 : i32, i32
  }
  func.func @transform_2(%arg0: i32) -> (i32, i32) {
    %c0_i32 = arith.constant 0 : i32
    %c0_i32_0 = arith.constant 0 : i32
    %c0_i32_1 = arith.constant 0 : i32
    return %c0_i32, %c0_i32_0 : i32, i32
  }
  func.func @transform_3(%arg0: i32) -> (i32, i32) {
    %c0_i32 = arith.constant 0 : i32
    %c0_i32_0 = arith.constant 0 : i32
    return %arg0, %c0_i32 : i32, i32
  }
  func.func @transform_4(%arg0: i32) -> (i32, i32) {
    %c0_i32 = arith.constant 0 : i32
    %c0_i32_0 = arith.constant 0 : i32
    return %arg0, %c0_i32 : i32, i32
  }
  func.func @transform_5(%arg0: i32) -> (i32, i32) {
    %c0_i32 = arith.constant 0 : i32
    %c0_i32_0 = arith.constant 0 : i32
    return %arg0, %c0_i32 : i32, i32
  }
  func.func @transform_6(%arg0: i32) -> (i32, i32) {
    %c0_i32 = arith.constant 0 : i32
    %c0_i32_0 = arith.constant 0 : i32
    return %arg0, %c0_i32 : i32, i32
  }
}

module attributes {stable_mosaic.version = 14 : i64} {
  func.func @_bond_tables_body(%arg0: memref<3x5x128xf32, #tpu.memory_space<vmem>>, %arg1: memref<3x128x128xf32, #tpu.memory_space<vmem>>, %arg2: memref<3x15x128xf32, #tpu.memory_space<vmem>>) attributes {dimension_semantics = [], scalar_prefetch = 0 : i64, scratch_operands = 0 : i64, tpu.core_type = #tpu.core_type<tc>} {
    %get3A = arith.constant 0 : index
    %get3A_0 = arith.constant 0 : index
    %get3A_1 = arith.constant 0 : index
    %get3A_2 = vector.load %arg0[%get3A, %get3A_0, %get3A_1] : memref<3x5x128xf32, #tpu.memory_space<vmem>>, vector<3x5x128xf32>
    %reshape3A = vector.shape_cast %get3A_2 : vector<3x5x128xf32> to vector<15x128xf32>
    %get3A_3 = arith.constant 0 : index
    %get3A_4 = arith.constant 0 : index
    %get3A_5 = arith.constant 0 : index
    %get3A_6 = vector.load %arg1[%get3A_3, %get3A_4, %get3A_5] : memref<3x128x128xf32, #tpu.memory_space<vmem>>, vector<1x128x128xf32>
    %get3A_7 = vector.shape_cast %get3A_6 : vector<1x128x128xf32> to vector<128x128xf32>
    %dot_general3A = arith.constant dense<0.000000e+00> : vector<15x128xf32>
    %dot_general3A_8 = tpu.matmul %reshape3A, %get3A_7, %dot_general3A {dimension_numbers = #tpu.dot_dimension_numbers<[1], [0], [0], [1], [0, 0, 1, 1], [], []>, transpose_lhs_hint = false} : vector<15x128xf32>, vector<128x128xf32>, vector<15x128xf32> -> vector<15x128xf32>
    %swap3A = arith.constant 0 : index
    %swap3A_9 = arith.constant 0 : index
    %swap3A_10 = arith.constant 0 : index
    %swap3A_11 = vector.load %arg2[%swap3A, %swap3A_9, %swap3A_10] : memref<3x15x128xf32, #tpu.memory_space<vmem>>, vector<1x15x128xf32>
    %swap3A_12 = vector.shape_cast %swap3A_11 : vector<1x15x128xf32> to vector<15x128xf32>
    %swap3A_13 = vector.shape_cast %dot_general3A_8 : vector<15x128xf32> to vector<1x15x128xf32>
    tpu.vector_store %arg2[%swap3A, %swap3A_9, %swap3A_10], %swap3A_13 {strides = array<i32>} : memref<3x15x128xf32, #tpu.memory_space<vmem>>, vector<1x15x128xf32>,
    %get3A_14 = arith.constant 1 : index
    %get3A_15 = arith.constant 0 : index
    %get3A_16 = arith.constant 0 : index
    %get3A_17 = vector.load %arg1[%get3A_14, %get3A_15, %get3A_16] : memref<3x128x128xf32, #tpu.memory_space<vmem>>, vector<1x128x128xf32>
    %get3A_18 = vector.shape_cast %get3A_17 : vector<1x128x128xf32> to vector<128x128xf32>
    %dot_general3A_19 = arith.constant dense<0.000000e+00> : vector<15x128xf32>
    %dot_general3A_20 = tpu.matmul %reshape3A, %get3A_18, %dot_general3A_19 {dimension_numbers = #tpu.dot_dimension_numbers<[1], [0], [0], [1], [0, 0, 1, 1], [], []>, transpose_lhs_hint = false} : vector<15x128xf32>, vector<128x128xf32>, vector<15x128xf32> -> vector<15x128xf32>
    %swap3A_21 = arith.constant 1 : index
    %swap3A_22 = arith.constant 0 : index
    %swap3A_23 = arith.constant 0 : index
    %swap3A_24 = vector.load %arg2[%swap3A_21, %swap3A_22, %swap3A_23] : memref<3x15x128xf32, #tpu.memory_space<vmem>>, vector<1x15x128xf32>
    %swap3A_25 = vector.shape_cast %swap3A_24 : vector<1x15x128xf32> to vector<15x128xf32>
    %swap3A_26 = vector.shape_cast %dot_general3A_20 : vector<15x128xf32> to vector<1x15x128xf32>
    tpu.vector_store %arg2[%swap3A_21, %swap3A_22, %swap3A_23], %swap3A_26 {strides = array<i32>} : memref<3x15x128xf32, #tpu.memory_space<vmem>>, vector<1x15x128xf32>,
    %get3A_27 = arith.constant 2 : index
    %get3A_28 = arith.constant 0 : index
    %get3A_29 = arith.constant 0 : index
    %get3A_30 = vector.load %arg1[%get3A_27, %get3A_28, %get3A_29] : memref<3x128x128xf32, #tpu.memory_space<vmem>>, vector<1x128x128xf32>
    %get3A_31 = vector.shape_cast %get3A_30 : vector<1x128x128xf32> to vector<128x128xf32>
    %dot_general3A_32 = arith.constant dense<0.000000e+00> : vector<15x128xf32>
    %dot_general3A_33 = tpu.matmul %reshape3A, %get3A_31, %dot_general3A_32 {dimension_numbers = #tpu.dot_dimension_numbers<[1], [0], [0], [1], [0, 0, 1, 1], [], []>, transpose_lhs_hint = false} : vector<15x128xf32>, vector<128x128xf32>, vector<15x128xf32> -> vector<15x128xf32>
    %swap3A_34 = arith.constant 2 : index
    %swap3A_35 = arith.constant 0 : index
    %swap3A_36 = arith.constant 0 : index
    %swap3A_37 = vector.load %arg2[%swap3A_34, %swap3A_35, %swap3A_36] : memref<3x15x128xf32, #tpu.memory_space<vmem>>, vector<1x15x128xf32>
    %swap3A_38 = vector.shape_cast %swap3A_37 : vector<1x15x128xf32> to vector<15x128xf32>
    %swap3A_39 = vector.shape_cast %dot_general3A_33 : vector<15x128xf32> to vector<1x15x128xf32>
    tpu.vector_store %arg2[%swap3A_34, %swap3A_35, %swap3A_36], %swap3A_39 {strides = array<i32>} : memref<3x15x128xf32, #tpu.memory_space<vmem>>, vector<1x15x128xf32>,
    return
  }
}

module attributes {stable_mosaic.version = 14 : i64} {
  func.func @_edge_body(%arg0: i32, %arg1: memref<2000x3xi32, #tpu.memory_space<vmem>>, %arg2: memref<15x128xf32, #tpu.memory_space<vmem>>, %arg3: memref<2000x128xf32, #tpu.memory_space<vmem>>, %arg4: memref<2000x128xf32, #tpu.memory_space<vmem>>, %arg5: memref<2000x128xf32, #tpu.memory_space<vmem>>, %arg6: memref<2000x128xf32, #tpu.memory_space<vmem>>, %arg7: memref<2000x128xf32, #tpu.memory_space<vmem>>) attributes {dimension_semantics = [#tpu.dimension_semantics<arbitrary>], iteration_bounds = array<i64: 160>, scalar_prefetch = 0 : i64, scratch_operands = 0 : i64, tpu.core_type = #tpu.core_type<tc>, window_params = [{transform_indices = @transform_0, window_bounds = array<i64: 2000, 3>}, {pipeline_mode = #tpu.pipeline_mode<synchronous>, transform_indices = @transform_1, window_bounds = array<i64: 15, 128>}, {transform_indices = @transform_2, window_bounds = array<i64: 2000, 128>}, {transform_indices = @transform_3, window_bounds = array<i64: 2000, 128>}, {transform_indices = @transform_4, window_bounds = array<i64: 2000, 128>}, {transform_indices = @transform_5, window_bounds = array<i64: 2000, 128>}, {transform_indices = @transform_6, window_bounds = array<i64: 2000, 128>}]} {
    %broadcast_in_dim3A = arith.constant 0.000000e+00 : f32
    %broadcast_in_dim3A_0 = vector.broadcast %broadcast_in_dim3A : f32 to vector<2000x15xf32>
    %iota3A = tpu.iota {dimensions = array<i32: 1>} : vector<2000x15xi32>
    %get3A = arith.constant 0 : index
    %get3A_1 = arith.constant 0 : index
    %get3A_2 = vector.load %arg1[%get3A, %get3A_1] : memref<2000x3xi32, #tpu.memory_space<vmem>>, vector<2000x1xi32>
    %get3A_3 = vector.shape_cast %get3A_2 : vector<2000x1xi32> to vector<2000xi32>
    %broadcast_in_dim3A_4 = vector.shape_cast %get3A_3 : vector<2000xi32> to vector<2000x1xi32>
    %add3A = arith.constant 0 : i32
    %add3A_5 = vector.broadcast %add3A : i32 to vector<2000x1xi32>
    %add3A_6 = arith.addi %broadcast_in_dim3A_4, %add3A_5 : vector<2000x1xi32>
    %eq3A = vector.broadcast %add3A_6 : vector<2000x1xi32> to vector<2000x15xi32>
    %eq3A_7 = arith.cmpi eq, %eq3A, %iota3A : vector<2000x15xi32>
    %convert_element_type3A = arith.extui %eq3A_7 : vector<2000x15xi1> to vector<2000x15xi32>
    %convert_element_type3A_8 = arith.sitofp %convert_element_type3A : vector<2000x15xi32> to vector<2000x15xf32>
    %add3A_9 = arith.addf %broadcast_in_dim3A_0, %convert_element_type3A_8 : vector<2000x15xf32>
    %get3A_10 = arith.constant 0 : index
    %get3A_11 = arith.constant 1 : index
    %get3A_12 = vector.load %arg1[%get3A_10, %get3A_11] : memref<2000x3xi32, #tpu.memory_space<vmem>>, vector<2000x1xi32>
    %get3A_13 = vector.shape_cast %get3A_12 : vector<2000x1xi32> to vector<2000xi32>
    %broadcast_in_dim3A_14 = vector.shape_cast %get3A_13 : vector<2000xi32> to vector<2000x1xi32>
    %add3A_15 = arith.constant 5 : i32
    %add3A_16 = vector.broadcast %add3A_15 : i32 to vector<2000x1xi32>
    %add3A_17 = arith.addi %broadcast_in_dim3A_14, %add3A_16 : vector<2000x1xi32>
    %eq3A_18 = vector.broadcast %add3A_17 : vector<2000x1xi32> to vector<2000x15xi32>
    %eq3A_19 = arith.cmpi eq, %eq3A_18, %iota3A : vector<2000x15xi32>
    %convert_element_type3A_20 = arith.extui %eq3A_19 : vector<2000x15xi1> to vector<2000x15xi32>
    %convert_element_type3A_21 = arith.sitofp %convert_element_type3A_20 : vector<2000x15xi32> to vector<2000x15xf32>
    %add3A_22 = arith.addf %add3A_9, %convert_element_type3A_21 : vector<2000x15xf32>
    %get3A_23 = arith.constant 0 : index
    %get3A_24 = arith.constant 2 : index
    %get3A_25 = vector.load %arg1[%get3A_23, %get3A_24] : memref<2000x3xi32, #tpu.memory_space<vmem>>, vector<2000x1xi32>
    %get3A_26 = vector.shape_cast %get3A_25 : vector<2000x1xi32> to vector<2000xi32>
    %broadcast_in_dim3A_27 = vector.shape_cast %get3A_26 : vector<2000xi32> to vector<2000x1xi32>
    %add3A_28 = arith.constant 10 : i32
    %add3A_29 = vector.broadcast %add3A_28 : i32 to vector<2000x1xi32>
    %add3A_30 = arith.addi %broadcast_in_dim3A_27, %add3A_29 : vector<2000x1xi32>
    %eq3A_31 = vector.broadcast %add3A_30 : vector<2000x1xi32> to vector<2000x15xi32>
    %eq3A_32 = arith.cmpi eq, %eq3A_31, %iota3A : vector<2000x15xi32>
    %convert_element_type3A_33 = arith.extui %eq3A_32 : vector<2000x15xi1> to vector<2000x15xi32>
    %convert_element_type3A_34 = arith.sitofp %convert_element_type3A_33 : vector<2000x15xi32> to vector<2000x15xf32>
    %add3A_35 = arith.addf %add3A_22, %convert_element_type3A_34 : vector<2000x15xf32>
    %get3A_36 = arith.constant 0 : index
    %get3A_37 = arith.constant 0 : index
    %get3A_38 = vector.load %arg2[%get3A_36, %get3A_37] : memref<15x128xf32, #tpu.memory_space<vmem>>, vector<15x128xf32>
    %dot_general3A = arith.constant dense<0.000000e+00> : vector<2000x128xf32>
    %dot_general3A_39 = tpu.matmul %add3A_35, %get3A_38, %dot_general3A {dimension_numbers = #tpu.dot_dimension_numbers<[1], [0], [0], [1], [0, 0, 1, 1], [], []>, transpose_lhs_hint = false} : vector<2000x15xf32>, vector<15x128xf32>, vector<2000x128xf32> -> vector<2000x128xf32>
    %get3A_40 = arith.constant 0 : index
    %get3A_41 = arith.constant 0 : index
    %get3A_42 = vector.load %arg3[%get3A_40, %get3A_41] : memref<2000x128xf32, #tpu.memory_space<vmem>>, vector<2000x128xf32>
    %add3A_43 = arith.addf %get3A_42, %dot_general3A_39 : vector<2000x128xf32>
    %get3A_44 = arith.constant 0 : index
    %get3A_45 = arith.constant 0 : index
    %get3A_46 = vector.load %arg4[%get3A_44, %get3A_45] : memref<2000x128xf32, #tpu.memory_space<vmem>>, vector<2000x128xf32>
    %add3A_47 = arith.addf %get3A_46, %dot_general3A_39 : vector<2000x128xf32>
    %get3A_48 = arith.constant 0 : index
    %get3A_49 = arith.constant 0 : index
    %get3A_50 = vector.load %arg5[%get3A_48, %get3A_49] : memref<2000x128xf32, #tpu.memory_space<vmem>>, vector<2000x128xf32>
    %mul3A = arith.mulf %get3A_50, %add3A_43 : vector<2000x128xf32>
    %reduce_sum3A = arith.constant dense<0.000000e+00> : vector<2000xf32>
    %reduce_sum3A_51 = vector.multi_reduction <add>, %mul3A, %reduce_sum3A [1] : vector<2000x128xf32> to vector<2000xf32>
    %mul3A_52 = arith.constant 0.0883883461 : f32
    %mul3A_53 = vector.broadcast %mul3A_52 : f32 to vector<2000xf32>
    %mul3A_54 = arith.mulf %reduce_sum3A_51, %mul3A_53 : vector<2000xf32>
    %exp3A = math.exp %mul3A_54 : vector<2000xf32>
    %broadcast_in_dim3A_55 = vector.shape_cast %exp3A : vector<2000xf32> to vector<2000x1xf32>
    %mul3A_56 = vector.broadcast %broadcast_in_dim3A_55 : vector<2000x1xf32> to vector<2000x128xf32>
    %mul3A_57 = arith.mulf %mul3A_56, %add3A_47 : vector<2000x128xf32>
    %swap3A = arith.constant 0 : index
    %swap3A_58 = arith.constant 0 : index
    %swap3A_59 = vector.load %arg6[%swap3A, %swap3A_58] : memref<2000x128xf32, #tpu.memory_space<vmem>>, vector<2000x128xf32>
    tpu.vector_store %arg6[%swap3A, %swap3A_58], %mul3A_57 {strides = array<i32>} : memref<2000x128xf32, #tpu.memory_space<vmem>>, vector<2000x128xf32>,
    %broadcast_in_dim3A_60 = vector.shape_cast %exp3A : vector<2000xf32> to vector<2000x1xf32>
    %broadcast_in_dim3A_61 = vector.shape_cast %broadcast_in_dim3A_60 : vector<2000x1xf32> to vector<2000x1xf32>
    %broadcast_in_dim3A_62 = vector.broadcast %broadcast_in_dim3A_61 : vector<2000x1xf32> to vector<2000x128xf32>
    %swap3A_63 = arith.constant 0 : index
    %swap3A_64 = arith.constant 0 : index
    %swap3A_65 = vector.load %arg7[%swap3A_63, %swap3A_64] : memref<2000x128xf32, #tpu.memory_space<vmem>>, vector<2000x128xf32>
    tpu.vector_store %arg7[%swap3A_63, %swap3A_64], %broadcast_in_dim3A_62 {strides = array<i32>} : memref<2000x128xf32, #tpu.memory_space<vmem>>, vector<2000x128xf32>,
    return
  }
  func.func @transform_0(%arg0: i32) -> (i32, i32) {
    %c0_i32 = arith.constant 0 : i32
    %c0_i32_0 = arith.constant 0 : i32
    return %arg0, %c0_i32 : i32, i32
  }
  func.func @transform_1(%arg0: i32) -> (i32, i32) {
    %c0_i32 = arith.constant 0 : i32
    %c0_i32_0 = arith.constant 0 : i32
    %c0_i32_1 = arith.constant 0 : i32
    return %c0_i32, %c0_i32_0 : i32, i32
  }
  func.func @transform_2(%arg0: i32) -> (i32, i32) {
    %c0_i32 = arith.constant 0 : i32
    %c0_i32_0 = arith.constant 0 : i32
    return %arg0, %c0_i32 : i32, i32
  }
  func.func @transform_3(%arg0: i32) -> (i32, i32) {
    %c0_i32 = arith.constant 0 : i32
    %c0_i32_0 = arith.constant 0 : i32
    return %arg0, %c0_i32 : i32, i32
  }
  func.func @transform_4(%arg0: i32) -> (i32, i32) {
    %c0_i32 = arith.constant 0 : i32
    %c0_i32_0 = arith.constant 0 : i32
    return %arg0, %c0_i32 : i32, i32
  }
  func.func @transform_5(%arg0: i32) -> (i32, i32) {
    %c0_i32 = arith.constant 0 : i32
    %c0_i32_0 = arith.constant 0 : i32
    return %arg0, %c0_i32 : i32, i32
  }
  func.func @transform_6(%arg0: i32) -> (i32, i32) {
    %c0_i32 = arith.constant 0 : i32
    %c0_i32_0 = arith.constant 0 : i32
    return %arg0, %c0_i32 : i32, i32
  }
}

module attributes {stable_mosaic.version = 14 : i64} {
  func.func @_combine_body(%arg0: i32, %arg1: memref<1x2000x128xf32, #tpu.memory_space<vmem>>, %arg2: memref<1x2000x128xf32, #tpu.memory_space<vmem>>, %arg3: memref<2000x128xf32, #tpu.memory_space<vmem>>, %arg4: memref<2000x128xf32, #tpu.memory_space<vmem>>) attributes {dimension_semantics = [#tpu.dimension_semantics<arbitrary>], iteration_bounds = array<i64: 5>, scalar_prefetch = 0 : i64, scratch_operands = 0 : i64, tpu.core_type = #tpu.core_type<tc>, window_params = [{transform_indices = @transform_0, window_bounds = array<i64: 1, 2000, 128>}, {transform_indices = @transform_1, window_bounds = array<i64: 1, 2000, 128>}, {transform_indices = @transform_2, window_bounds = array<i64: 2000, 128>}, {transform_indices = @transform_3, window_bounds = array<i64: 2000, 128>}]} {
    %get3A = arith.constant 0 : index
    %get3A_0 = arith.constant 0 : index
    %get3A_1 = arith.constant 0 : index
    %get3A_2 = vector.load %arg1[%get3A, %get3A_0, %get3A_1] : memref<1x2000x128xf32, #tpu.memory_space<vmem>>, vector<1x2000x128xf32>
    %get3A_3 = vector.shape_cast %get3A_2 : vector<1x2000x128xf32> to vector<2000x128xf32>
    %get3A_4 = arith.constant 0 : index
    %get3A_5 = arith.constant 0 : index
    %get3A_6 = arith.constant 0 : index
    %get3A_7 = vector.load %arg2[%get3A_4, %get3A_5, %get3A_6] : memref<1x2000x128xf32, #tpu.memory_space<vmem>>, vector<1x2000x128xf32>
    %get3A_8 = vector.shape_cast %get3A_7 : vector<1x2000x128xf32> to vector<2000x128xf32>
    %slice3A = vector.extract_strided_slice %get3A_8 {offsets = [0, 0], sizes = [2000, 1], strides = [1, 1]} : vector<2000x128xf32> to vector<2000x1xf32>
    %add3A = arith.constant 1.000000e-16 : f32
    %add3A_9 = vector.broadcast %add3A : f32 to vector<2000x1xf32>
    %add3A_10 = arith.addf %slice3A, %add3A_9 : vector<2000x1xf32>
    %div3A = vector.broadcast %add3A_10 : vector<2000x1xf32> to vector<2000x128xf32>
    %div3A_11 = arith.divf %get3A_3, %div3A : vector<2000x128xf32>
    %get3A_12 = arith.constant 0 : index
    %get3A_13 = arith.constant 0 : index
    %get3A_14 = vector.load %arg3[%get3A_12, %get3A_13] : memref<2000x128xf32, #tpu.memory_space<vmem>>, vector<2000x128xf32>
    %add3A_15 = arith.addf %div3A_11, %get3A_14 : vector<2000x128xf32>
    %max3A = arith.constant 0.000000e+00 : f32
    %max3A_16 = vector.broadcast %max3A : f32 to vector<2000x128xf32>
    %max3A_17 = arith.maximumf %add3A_15, %max3A_16 : vector<2000x128xf32>
    %swap3A = arith.constant 0 : index
    %swap3A_18 = arith.constant 0 : index
    %swap3A_19 = vector.load %arg4[%swap3A, %swap3A_18] : memref<2000x128xf32, #tpu.memory_space<vmem>>, vector<2000x128xf32>
    tpu.vector_store %arg4[%swap3A, %swap3A_18], %max3A_17 {strides = array<i32>} : memref<2000x128xf32, #tpu.memory_space<vmem>>, vector<2000x128xf32>,
    return
  }
  func.func @transform_0(%arg0: i32) -> (i32, i32, i32) {
    %c0_i32 = arith.constant 0 : i32
    %c0_i32_0 = arith.constant 0 : i32
    %c0_i32_1 = arith.constant 0 : i32
    return %c0_i32, %arg0, %c0_i32_0 : i32, i32, i32
  }
  func.func @transform_1(%arg0: i32) -> (i32, i32, i32) {
    %c1_i32 = arith.constant 1 : i32
    %c0_i32 = arith.constant 0 : i32
    %c0_i32_0 = arith.constant 0 : i32
    return %c1_i32, %arg0, %c0_i32 : i32, i32, i32
  }
  func.func @transform_2(%arg0: i32) -> (i32, i32) {
    %c0_i32 = arith.constant 0 : i32
    %c0_i32_0 = arith.constant 0 : i32
    return %arg0, %c0_i32 : i32, i32
  }
  func.func @transform_3(%arg0: i32) -> (i32, i32) {
    %c0_i32 = arith.constant 0 : i32
    %c0_i32_0 = arith.constant 0 : i32
    return %arg0, %c0_i32 : i32, i32
  }
}

module attributes {stable_mosaic.version = 14 : i64} {
  func.func @_combine_body(%arg0: i32, %arg1: memref<1x2000x128xf32, #tpu.memory_space<vmem>>, %arg2: memref<1x2000x128xf32, #tpu.memory_space<vmem>>, %arg3: memref<2000x128xf32, #tpu.memory_space<vmem>>, %arg4: memref<2000x128xf32, #tpu.memory_space<vmem>>) attributes {dimension_semantics = [#tpu.dimension_semantics<arbitrary>], iteration_bounds = array<i64: 5>, scalar_prefetch = 0 : i64, scratch_operands = 0 : i64, tpu.core_type = #tpu.core_type<tc>, window_params = [{transform_indices = @transform_0, window_bounds = array<i64: 1, 2000, 128>}, {transform_indices = @transform_1, window_bounds = array<i64: 1, 2000, 128>}, {transform_indices = @transform_2, window_bounds = array<i64: 2000, 128>}, {transform_indices = @transform_3, window_bounds = array<i64: 2000, 128>}]} {
    %get3A = arith.constant 0 : index
    %get3A_0 = arith.constant 0 : index
    %get3A_1 = arith.constant 0 : index
    %get3A_2 = vector.load %arg1[%get3A, %get3A_0, %get3A_1] : memref<1x2000x128xf32, #tpu.memory_space<vmem>>, vector<1x2000x128xf32>
    %get3A_3 = vector.shape_cast %get3A_2 : vector<1x2000x128xf32> to vector<2000x128xf32>
    %get3A_4 = arith.constant 0 : index
    %get3A_5 = arith.constant 0 : index
    %get3A_6 = arith.constant 0 : index
    %get3A_7 = vector.load %arg2[%get3A_4, %get3A_5, %get3A_6] : memref<1x2000x128xf32, #tpu.memory_space<vmem>>, vector<1x2000x128xf32>
    %get3A_8 = vector.shape_cast %get3A_7 : vector<1x2000x128xf32> to vector<2000x128xf32>
    %slice3A = vector.extract_strided_slice %get3A_8 {offsets = [0, 0], sizes = [2000, 1], strides = [1, 1]} : vector<2000x128xf32> to vector<2000x1xf32>
    %add3A = arith.constant 1.000000e-16 : f32
    %add3A_9 = vector.broadcast %add3A : f32 to vector<2000x1xf32>
    %add3A_10 = arith.addf %slice3A, %add3A_9 : vector<2000x1xf32>
    %div3A = vector.broadcast %add3A_10 : vector<2000x1xf32> to vector<2000x128xf32>
    %div3A_11 = arith.divf %get3A_3, %div3A : vector<2000x128xf32>
    %get3A_12 = arith.constant 0 : index
    %get3A_13 = arith.constant 0 : index
    %get3A_14 = vector.load %arg3[%get3A_12, %get3A_13] : memref<2000x128xf32, #tpu.memory_space<vmem>>, vector<2000x128xf32>
    %add3A_15 = arith.addf %div3A_11, %get3A_14 : vector<2000x128xf32>
    %swap3A = arith.constant 0 : index
    %swap3A_16 = arith.constant 0 : index
    %swap3A_17 = vector.load %arg4[%swap3A, %swap3A_16] : memref<2000x128xf32, #tpu.memory_space<vmem>>, vector<2000x128xf32>
    tpu.vector_store %arg4[%swap3A, %swap3A_16], %add3A_15 {strides = array<i32>} : memref<2000x128xf32, #tpu.memory_space<vmem>>, vector<2000x128xf32>,
    return
  }
  func.func @transform_0(%arg0: i32) -> (i32, i32, i32) {
    %c0_i32 = arith.constant 0 : i32
    %c0_i32_0 = arith.constant 0 : i32
    %c0_i32_1 = arith.constant 0 : i32
    return %c0_i32, %arg0, %c0_i32_0 : i32, i32, i32
  }
  func.func @transform_1(%arg0: i32) -> (i32, i32, i32) {
    %c1_i32 = arith.constant 1 : i32
    %c0_i32 = arith.constant 0 : i32
    %c0_i32_0 = arith.constant 0 : i32
    return %c1_i32, %arg0, %c0_i32 : i32, i32, i32
  }
  func.func @transform_2(%arg0: i32) -> (i32, i32) {
    %c0_i32 = arith.constant 0 : i32
    %c0_i32_0 = arith.constant 0 : i32
    return %arg0, %c0_i32 : i32, i32
  }
  func.func @transform_3(%arg0: i32) -> (i32, i32) {
    %c0_i32 = arith.constant 0 : i32
    %c0_i32_0 = arith.constant 0 : i32
    return %arg0, %c0_i32 : i32, i32
  }
}

module attributes {stable_mosaic.version = 14 : i64} {
  func.func @_pool_body(%arg0: memref<10000x128xf32, #tpu.memory_space<vmem>>, %arg1: memref<1x10000xi32, #tpu.memory_space<vmem>>, %arg2: memref<128x1xf32, #tpu.memory_space<vmem>>, %arg3: memref<1x1xf32, #tpu.memory_space<vmem>>, %arg4: memref<64x1xf32, #tpu.memory_space<vmem>>) attributes {dimension_semantics = [], scalar_prefetch = 0 : i64, scratch_operands = 0 : i64, tpu.core_type = #tpu.core_type<tc>} {
    %get3A = arith.constant 0 : index
    %get3A_0 = arith.constant 0 : index
    %get3A_1 = vector.load %arg0[%get3A, %get3A_0] : memref<10000x128xf32, #tpu.memory_space<vmem>>, vector<10000x128xf32>
    %get3A_2 = arith.constant 0 : index
    %get3A_3 = arith.constant 0 : index
    %get3A_4 = vector.load %arg1[%get3A_2, %get3A_3] : memref<1x10000xi32, #tpu.memory_space<vmem>>, vector<1x10000xi32>
    %get3A_5 = vector.shape_cast %get3A_4 : vector<1x10000xi32> to vector<10000xi32>
    %iota3A = tpu.iota {dimensions = array<i32: 1>} : vector<10000x64xi32>
    %broadcast_in_dim3A = vector.shape_cast %get3A_5 : vector<10000xi32> to vector<10000x1xi32>
    %eq3A = vector.broadcast %broadcast_in_dim3A : vector<10000x1xi32> to vector<10000x64xi32>
    %eq3A_6 = arith.cmpi eq, %eq3A, %iota3A : vector<10000x64xi32>
    %convert_element_type3A = arith.extui %eq3A_6 : vector<10000x64xi1> to vector<10000x64xi32>
    %convert_element_type3A_7 = arith.sitofp %convert_element_type3A : vector<10000x64xi32> to vector<10000x64xf32>
    %dot_general3A = arith.constant dense<0.000000e+00> : vector<64x128xf32>
    %dot_general3A_8 = tpu.matmul %convert_element_type3A_7, %get3A_1, %dot_general3A {dimension_numbers = #tpu.dot_dimension_numbers<[0], [0], [1], [1], [0, 1, 1, 1], [], []>, transpose_lhs_hint = false} : vector<10000x64xf32>, vector<10000x128xf32>, vector<64x128xf32> -> vector<64x128xf32>
    %reduce_sum3A = arith.constant dense<0.000000e+00> : vector<64xf32>
    %reduce_sum3A_9 = vector.multi_reduction <add>, %convert_element_type3A_7, %reduce_sum3A [0] : vector<10000x64xf32> to vector<64xf32>
    %max3A = arith.constant 1.000000e+00 : f32
    %max3A_10 = vector.broadcast %max3A : f32 to vector<64xf32>
    %max3A_11 = arith.maximumf %reduce_sum3A_9, %max3A_10 : vector<64xf32>
    %broadcast_in_dim3A_12 = vector.shape_cast %max3A_11 : vector<64xf32> to vector<64x1xf32>
    %div3A = vector.broadcast %broadcast_in_dim3A_12 : vector<64x1xf32> to vector<64x128xf32>
    %div3A_13 = arith.divf %dot_general3A_8, %div3A : vector<64x128xf32>
    %get3A_14 = arith.constant 0 : index
    %get3A_15 = arith.constant 0 : index
    %get3A_16 = vector.load %arg2[%get3A_14, %get3A_15] : memref<128x1xf32, #tpu.memory_space<vmem>>, vector<128x1xf32>
    %dot_general3A_17 = arith.constant dense<0.000000e+00> : vector<64x1xf32>
    %dot_general3A_18 = tpu.matmul %div3A_13, %get3A_16, %dot_general3A_17 {dimension_numbers = #tpu.dot_dimension_numbers<[1], [0], [0], [1], [0, 0, 1, 1], [], []>, transpose_lhs_hint = false} : vector<64x128xf32>, vector<128x1xf32>, vector<64x1xf32> -> vector<64x1xf32>
    %get3A_19 = arith.constant 0 : index
    %get3A_20 = arith.constant 0 : index
    %get3A_21 = vector.load %arg3[%get3A_19, %get3A_20] : memref<1x1xf32, #tpu.memory_space<vmem>>, vector<1x1xf32>
    %get3A_22 = vector.extract %get3A_21[0, 0] : f32 from vector<1x1xf32>
    %add3A = vector.broadcast %get3A_22 : f32 to vector<64x1xf32>
    %add3A_23 = arith.addf %dot_general3A_18, %add3A : vector<64x1xf32>
    %swap3A = arith.constant 0 : index
    %swap3A_24 = arith.constant 0 : index
    %swap3A_25 = vector.load %arg4[%swap3A, %swap3A_24] : memref<64x1xf32, #tpu.memory_space<vmem>>, vector<64x1xf32>
    tpu.vector_store %arg4[%swap3A, %swap3A_24], %add3A_23 {strides = array<i32>} : memref<64x1xf32, #tpu.memory_space<vmem>>, vector<64x1xf32>,
    return
  }
}

</mosaic_0001>

<sc_bundles>
// kernel: _run.20.cloned.1.call-start
scs
__scs_entry_jumppad:
0x0: {  	(pc) =	sbr.rel $0x88, $3  }
0x1: {  	(tag) =	ssettag $0x0;
	lr =	simm.s32 $0x1  }
0x2: {  	[smem:$0x3F7E] =	sst lr;
	_ =	strace $0xD0000000  }
0x3: {  	_ = 	snop  }
0x4: {  	_ = 	snop  }
0x5: {  	_ = 	snop  }
0x6: {  	_ = 	snop  }
0x7: {  	_ = 	snop  }
__scs_overlays_trampoline_lowered:
0x8: {  	[smem:$0x3F8D] =	sst s0  }
0x9: {  	[smem:$0x3F8E] =	sst s1  }
0xa: {  	[smem:$0x3F8F] =	sst s2  }
0xb: {  	[smem:$0x3F90] =	sst s3  }
0xc: {  	[smem:$0x3F91] =	sst s4  }
0xd: {  	[smem:$0x3F92] =	sst s5  }
0xe: {  	[smem:$0x3F93] =	sst s6  }
0xf: {  	[smem:$0x3F94] =	sst s7  }
0x10: {  	[smem:$0x3F95] =	sst s8  }
0x11: {  	[smem:$0x3F96] =	sst s9;
	s0 =	simm.s32 @!p0 $0x0  }
0x12: {  	s1 =	sld [smem:$0x3F7C];
	s0 =	simm.s32 @p0 $0x1  }
0x13: {  	[smem:$0x3F97] =	sst s0;
	s0 =	simm.s32 @!p1 $0x0  }
0x14: {  	s2 =	sld [smem:$0x3F7B];
	s0 =	simm.s32 @p1 $0x1  }
0x15: {  	[smem:$0x3F98] =	sst s0;
	s0 =	simm.s32 @!p2 $0x0  }
0x16: {  	s3 =	sld [smem:$0x3FDB];
	s0 =	simm.s32 @p2 $0x1  }
0x17: {  	s4 =	simm.s32 $0x1BF5;
	[smem:$0x3F9A] =	sst s0  }
0x18: {  	s0 =	sld [smem:$0x3F7D];
	_ =	swait.ge [sflag:s4], $0x0  }
0x19: {  	s7 =	sld [smem:$0x3F7E]  }
0x1a: {  	s8 =	sadd.s32 $0xFFFFE003, lr  }
0x1b: {  	s9 =	sadd.s32 $0xFFFFFEF7, lr;
	s5 =	simm.s32 $0xFFFFFFFF;
	p2 =	slt.u32 s8, $0xFFFFF086  }
0x1c: {  	p1 =	slt.u32 s9, $0xF7A;
	s5 =	simm.s32 @!p2 $0x0  }
0x1d: {  	s5 =	simm.s32 @p1 $0x1;
	p0 =	seq.s32 s7, s2  }
0x1e: {  	s7 =	smul.u32 @!p0 $0xF7A, s2;
	p2 =	seq.s32 @!p0 s5, $0x0  }
0x1f: {  	s9 =	smul.u32 $0xF7A, s1;
	s8 =	simm.s32 @!p0 $0x1BF5;
	p2 =	por !p2, p0  }
0x20: {  	[sflag:s8] =	ssyncset.s32 @!p0 $0xFFFFF086;
	s6 =	sadd.s32 @!p0 s3, s7;
	s7 =	simm.s32 @!p0 $0x108  }
0x21: {  	s3 =	sadd.s32 s3, s9;
	s6 =	sadd.s32 @!p0 $0x88, s6;
	s7 =	simm.s32 @p2 $0x1082  }
0x22: {  	[simem:s7], [sflag:s8] =	dma.local @!p0 [hbm:s6], $0xF7A  }
0x23: {  	s9 =	sor.u32 $0xD0000000, s2;
	s6 =	simm.s32 $0x108;
	_ =	swait.ge @!p0 [sflag:s8], $0x0  }
0x24: {  	s3 =	sadd.s32 $0x88, s3;
	s6 =	simm.s32 @!p1 $0x1082;
	[sflag:s4] =	ssyncset.s32 $0xFFFFF086  }
0x25: {  	[simem:s6], [sflag:s4] =	dma.local [hbm:s3], $0xF7A  }
0x26: {  	[smem:$0x3F7E] =	sst s1;
	(tag) =	ssettag s2;
	_ =	strace s9  }
0x27: {  	s1 =	sld [smem:$0x3F8E]  }
0x28: {  	s2 =	sld [smem:$0x3F8F]  }
0x29: {  	s4 =	sld [smem:$0x3F91]  }
0x2a: {  	p0 =	seq.s32 s5, $0x0;
	s5 =	sld [smem:$0x3F92]  }
0x2b: {  	s6 =	sld [smem:$0x3F93]  }
0x2c: {  	s7 =	sld [smem:$0x3F94]  }
0x2d: {  	s3 =	simm.s32 $0x108;
	s8 =	sld [smem:$0x3F95]  }
0x2e: {  	s3 =	simm.s32 @!p0 $0x1082;
	s9 =	sld [smem:$0x3F96]  }
0x2f: {  	lr =	sadd.s32 s0, s3;
	s0 =	sld [smem:$0x3F8D]  }
0x30: {  	s3 =	sld [smem:$0x3F90]  }
0x31: {  	[smem:$0x3F99] =	sst s10  }
0x32: {  	s10 =	sld [smem:$0x3F97];
	_ =	sdelay $0x3  }
0x33: {  	p0 =	seq.s32 s10, $0x1;
	s10 =	sld [smem:$0x3F99];
	_ =	sdelay $0x3  }
0x34: {  	[smem:$0x3F99] =	sst s10  }
0x35: {  	s10 =	sld [smem:$0x3F98];
	_ =	sdelay $0x3  }
0x36: {  	p1 =	seq.s32 s10, $0x1;
	s10 =	sld [smem:$0x3F99];
	_ =	sdelay $0x3  }
0x37: {  	[smem:$0x3F99] =	sst s10  }
0x38: {  	s10 =	sld [smem:$0x3F9A]  }
0x39: {  	_ = 	snop;
	(pc) =	sbr.ind lr, $3  }
0x3a: {  	_ = 	snop  }
0x3b: {  	_ = 	snop  }
0x3c: {  	p2 =	seq.s32 s10, $0x1;
	s10 =	sld [smem:$0x3F99]  }
0x3d: {  	_ =	shalt  }
0x3e: {  	_ =	shalt  }
0x3f: {  	_ =	shalt  }
0x40: {  	_ =	shalt  }
0x41: {  	_ =	shalt  }
0x42: {  	_ =	shalt  }
0x43: {  	_ =	shalt  }
0x44: {  	_ =	shalt  }
0x45: {  	_ =	shalt  }
0x46: {  	_ =	shalt  }
0x47: {  	_ =	shalt  }
0x48: {  	_ =	shalt  }
0x49: {  	_ =	shalt  }
0x4a: {  	_ =	shalt  }
0x4b: {  	_ =	shalt  }
0x4c: {  	_ =	shalt  }
0x4d: {  	_ =	shalt  }
0x4e: {  	_ =	shalt  }
0x4f: {  	_ =	shalt  }
0x50: {  	_ =	shalt  }
0x51: {  	_ =	shalt  }
0x52: {  	_ =	shalt  }
0x53: {  	_ =	shalt  }
0x54: {  	_ =	shalt  }
0x55: {  	_ =	shalt  }
0x56: {  	_ =	shalt  }
0x57: {  	_ =	shalt  }
0x58: {  	_ =	shalt  }
0x59: {  	_ =	shalt  }
0x5a: {  	_ =	shalt  }
0x5b: {  	_ =	shalt  }
0x5c: {  	_ =	shalt  }
0x5d: {  	_ =	shalt  }
0x5e: {  	_ =	shalt  }
0x5f: {  	_ =	shalt  }
0x60: {  	_ =	shalt  }
0x61: {  	_ =	shalt  }
0x62: {  	_ =	shalt  }
0x63: {  	_ =	shalt  }
0x64: {  	_ =	shalt  }
0x65: {  	_ =	shalt  }
0x66: {  	_ =	shalt  }
0x67: {  	_ =	shalt  }
0x68: {  	_ =	shalt  }
0x69: {  	_ =	shalt  }
0x6a: {  	_ =	shalt  }
0x6b: {  	_ =	shalt  }
0x6c: {  	_ =	shalt  }
0x6d: {  	_ =	shalt  }
0x6e: {  	_ =	shalt  }
0x6f: {  	_ =	shalt  }
0x70: {  	_ =	shalt  }
0x71: {  	_ =	shalt  }
0x72: {  	_ =	shalt  }
0x73: {  	_ =	shalt  }
0x74: {  	_ =	shalt  }
0x75: {  	_ =	shalt  }
0x76: {  	_ =	shalt  }
0x77: {  	_ =	shalt  }
0x78: {  	_ =	shalt  }
0x79: {  	_ =	shalt  }
0x7a: {  	_ =	shalt  }
0x7b: {  	_ =	shalt  }
0x7c: {  	_ =	shalt  }
0x7d: {  	_ =	shalt  }
0x7e: {  	_ =	shalt  }
0x7f: {  	_ =	shalt  }
0x80: {  	_ =	shalt  }
0x81: {  	_ =	shalt  }
0x82: {  	_ =	shalt  }
0x83: {  	_ =	shalt  }
0x84: {  	_ =	shalt  }
0x85: {  	_ =	shalt  }
0x86: {  	_ =	shalt  }
0x87: {  	_ =	shalt  }
.Lfunc_end0:
.L_simem_size_0:
called_computation_lowered:
.L_overlay_start_0:
0x88: {  	s2 =	sld [smem:$0x3FD9]  }
0x89: {  	s3 =	sld [smem:$0x3FFE];
	_ =	sdelay $0x1  }
0x8a: {  	s1 =	srdreg.scid  }
0x8b: {  	s0 =	sand.u32 $0x1, s1  }
0x8c: {  	s16 =	sshll.u32 s0, $0xA;
	s2 =	sadd.s32 s3, s2  }
0x8d: {  	s2 =	sadd.s32 s2, s16  }
0x8e: {  	[smem:$0x3FA5] =	sst s2  }
0x8f: {  	_ = 	snop  }
0x90: {  	(tm) =	ssettm $0x1  }
0x91: {  	s17 =	sld [smem:$0x3FFB];
	_ =	sdelay $0x3  }
0x92: {  	_ =	strace s17  }
0x93: {  	s2 =	sld [smem:$0x3FFC];
	_ =	sdelay $0x3  }
0x94: {  	_ =	strace s2  }
0x95: {  	s2 =	sld [smem:$0x3FFD];
	_ =	sdelay $0x3  }
0x96: {  	_ =	strace s2  }
0x97: {  	_ =	strace $0x8FFFFFFF  }
0x98: {  	s18 =	sld [smem:$0x3FDB];
	_ =	sdelay $0x1  }
0x99: {  	s19 =	simm.s32 $_scs_section_size  }
0x9a: {  	s4 =	simm.s32 $_size__tile_overlayer_lowered;
	s5 =	simm.s32 $_tile_overlayer_lowered  }
0x9b: {  	s22 =	simm.s32 $0x1BFF;
	s21 =	sshll.u32 s5, $0x1;
	s2 =	sadd.s32 s19, s18  }
0x9c: {  	s6 =	simm.s32 $0x0;
	s20 =	sshll.u32 s4, $0x1;
	s4 =	sadd.s32 s21, s2  }
0x9d: {  	[timem:s6], [sflag:s22] =	dma.local [hbm:s4], s20  }
0x9e: {  	_ =	swait.ge [sflag:s22], s20  }
0x9f: {  	s3 =	ssub.s32 $0x0, s20;
	[sflag:s22] =	ssyncset.done $0x0  }
0xa0: {  	[sflag:s22] =	ssyncadd.s32 s3;
	_ =	sdelay $0x1  }
0xa1: {  	s23 =	simm.s32 $0x1B8B  }
0xa2: {  	_ =	swait.ge [sflag:s23], $0x1  }
0xa3: {  	[sflag:s23] =	ssyncset.done $0x0  }
0xa4: {  	s25 =	simm.s32 $0x1B8E;
	s24 =	sld [smem:$0x3FFE];
	[sflag:s23] =	ssyncadd.s32 $0xFFFFFFFF  }
0xa5: {  	s26 =	simm.s32 $execute0_lowered;
	[smem:$0x3FD2] =	sst s25  }
0xa6: {  	s4 =	sshll.u32 s26, $0x1;
	_ =	strace $0x80000046;
	[dreg:$0x1] =	wrdreg $0xFFFFFFFF  }
0xa7: {  	s28 =	simm.s32 $_size_execute0_lowered;
	s2 =	sadd.s32 s2, s4;
	[dreg:$0x0] =	wrdreg $0x0  }
0xa8: {  	s4 =	sshll.u32 s28, $0x1;
	[dreg:$0x2] =	wrdreg s2  }
0xa9: {  	[dreg:$0x3] =	wrdreg s4  }
0xaa: {  	[dreg:$0x4] =	wrdreg $0xC0  }
0xab: {  	_ =	task [dreg:s6], $0x5FFFF  }
0xac: {  	[dreg:$0x1] =	wrdreg $0xFFFFFFFF  }
0xad: {  	[dreg:$0x0] =	wrdreg $0x60  }
0xae: {  	[dreg:$0x2] =	wrdreg s24  }
0xaf: {  	[dreg:$0x3] =	wrdreg $0x9  }
0xb0: {  	_ =	task.clear_ibuf [dreg:s6], $0x4FFFF;
	_ =	strace $0x90000046  }
0xb1: {  	s29 =	simm.s32 $0x9;
	_ =	strace $0x80000048  }
0xb2: {  	_ =	swait.ge [sflag:s29], $0x1  }
0xb3: {  	[sflag:s29] =	ssyncadd.s32 $0xFFFFFFFF  }
0xb4: {  	_ =	strace $0x90000048  }
0xb5: {  	_ =	sfence  }
0xb6: {  	s30 =	sld [smem:$0x0];
	_ =	sdelay $0x2  }
0xb7: {  	s31 =	sshll.u32 s1, $0xD;
	s1 =	sshrl.u32 s1, $0x2  }
0xb8: {  	s3 =	sand.u32 $0x4000, s31;
	s1 =	sadd.s32 s1, s30  }
0xb9: {  	s0 =	sor.u32 s3, s0;
	s1 =	sshll.u32 s1, $0x11  }
0xba: {  	s0 =	sor.u32 s1, s0  }
0xbb: {  	s0 =	sadd.s32 $0x8F2B, s0  }
0xbc: {  	[sflag:s0] =	ssyncadd.remote.s32 $0x1  }
0xbd: {  	_ =	sfence.sel $0xFFFF  }
0xbe: {  	[dreg:$0x0] =	wrdreg $0xFFFFFFFF;
	(pc) =	sbr.abs _section_cstart, $3  }
0xbf: {  	[dreg:$0x1] =	wrdreg $0xFFFFFFFF  }
0xc0: {  	_ =	task.clear_ibuf [dreg:s6], $0x2FFFF;
	_ =	strace $0x9FFFFFFF  }
0xc1: {  	(tm) =	ssettm $0x7FFFFFFF  }
tec
execute0_lowered:
.L_overlay_start_1:
0x0: {  	(tag) =	ssettag $0x1  }
0x1: {  	s6 =	rddreg [dreg:$0x0]  }
0x2: {  	s0 =	rddreg [dreg:$0x1]  }
0x3: {  	s1 =	simm.s32 $0x0;
	s7 =	srdreg.scid;
	s2 =	stileid.u32  }
0x4: {  	[smem:$0x7FF] =	sst s1;
	s3 =	sadd.s32 $0x1DC00, s6;
	s4 =	sadd.s32 $0x6C000, s6  }
0x5: {  	s5 =	sadd.s32 $0x44E00, s6;
	s7 =	sand.u32 $0x1, s7;
	s8 =	sshll.u32 s2, $0x5  }
0x6: {  	s9 =	sshll.u32 s2, $0xC;
	_ =	strace $0x80000047;
	s10 =	ssub.s32 $0x2, s7  }
0x7: {  	s8 =	sadd.s32 s8, s6;
	s9 =	sadd.s32 s9, s6;
	s11 =	sshll.u32 s7, $0x4  }
0x8: {  	s7 =	sshll.u32 s7, $0xB;
	s6 =	sshll.u32 s2, $0x1;
	s31 =	sshrl.u32 s10, $0x1  }
0x9: {  	s11 =	sadd.s32 s11, s8;
	s12 =	sadd.s32 s7, s9;
	s10 =	ssub.s32 s10, s31  }
0xa: {  	s8 =	sadd.s32 $0x13E00, s11;
	s9 =	sadd.s32 $0xA7E400, s12;
	s7 =	smax.u32 s10, $0x1  }
0xb: {  	s10 =	sadd.s32 $0xA000, s11;
	s11 =	sadd.s32 $0x59C400, s12;
	s12 =	sadd.s32 $0xBA400, s12  }
.LBB2_1:
0xc: {  	p0 =	sgt.u32 s6, $0x9C3  }
0xd: {  	s13 =	simm.s32 @!p0 $0x0;
	s14 =	simm.s32 @!p0 $0x3  }
0xe: {  	[tilespmem:s13], [sflag:$0x3] =	stream.linear.gather @!p0 [hbm4b:s10+s13], $0x80, $0x38;
	[tilespmem:$0xC100] =	vst v63  }
0xf: {  	_ =	swait.ge @!p0 [sflag:s14], $0x80  }
0x10: {  	[sflag:s14] =	ssyncset.done @!p0 $0x0;
	p0 =	por p0, p0  }
0x11: {  	[sflag:s14] =	ssyncadd.s32 @!p0 $0xFFFFFF80;
	s15 =	simm.s32 @!p0 $0x80  }
0x12: {  	[tilespmem:s15], [sflag:$0x3] =	stream.linear.gather @!p0 [hbm4b:s8+s13], $0x80, $0x38;
	[tilespmem:$0xC100] =	vst v63  }
0x13: {  	_ =	swait.ge @!p0 [sflag:s14], $0x80  }
0x14: {  	[sflag:s14] =	ssyncset.done @!p0 $0x0  }
0x15: {  	[sflag:s14] =	ssyncadd.s32 @!p0 $0xFFFFFF80;
	s14 =	simm.s32 @!p0 $0x100  }
0x16: {  	[tilespmem:s14], [sflag:$0x1] =	stream.indirect.gather @!p0 [hbm4b:s3+s15], $0x80, s13, s15, $0xb8;
	[tilespmem:$0xC100] =	vst v63  }
0x17: {  	s16 =	simm.s32 @!p0 $0x4100  }
0x18: {  	[tilespmem:s16], [sflag:$0x1] =	stream.indirect.gather @!p0 [hbm4b:s4+s15], $0x80, s13, s15, $0xb8;
	[tilespmem:$0xC100] =	vst v63  }
0x19: {  	s17 =	simm.s32 @!p0 $0x8100;
	s18 =	simm.s32 @!p0 $0x1  }
0x1a: {  	[tilespmem:s17], [sflag:$0x1] =	stream.indirect.gather @!p0 [hbm4b:s5+s15], $0x80, s15, s15, $0xb8;
	[tilespmem:$0xC100] =	vst v63  }
0x1b: {  	_ =	swait.ge @!p0 [sflag:s18], $0x4000  }
0x1c: {  	[sflag:s18] =	ssyncset.done @!p0 $0x0  }
0x1d: {  	s15 =	sadd.s32 @!p0 $0x0, s12;
	[sflag:s18] =	ssyncadd.s32 @!p0 $0xFFFFC000  }
0x1e: {  	[hbm4b:s15+s13] =	stream.linear.scatter @!p0 [tilespmem:s14], [sflag:$0x2], $0x4000, $0x38;
	[tilespmem:$0xC100] =	vst v63  }
0x1f: {  	_ =	swait.ge @!p0 [sflag:s18], $0x4000  }
0x20: {  	[sflag:s18] =	ssyncset.done @!p0 $0x0  }
0x21: {  	s14 =	sadd.s32 @!p0 $0x0, s11;
	[sflag:s18] =	ssyncadd.s32 @!p0 $0xFFFFC000  }
0x22: {  	[hbm4b:s14+s13] =	stream.linear.scatter @!p0 [tilespmem:s16], [sflag:$0x2], $0x4000, $0x38;
	[tilespmem:$0xC100] =	vst v63  }
0x23: {  	_ =	swait.ge @!p0 [sflag:s18], $0x4000  }
0x24: {  	[sflag:s18] =	ssyncset.done @!p0 $0x0  }
0x25: {  	s19 =	simm.s32 @!p0 $0x2;
	s14 =	sadd.s32 @!p0 $0x0, s9;
	[sflag:s18] =	ssyncadd.s32 @!p0 $0xFFFFC000  }
0x26: {  	[hbm4b:s14+s13] =	stream.linear.scatter @!p0 [tilespmem:s17], [sflag:$0x2], $0x4000, $0x38;
	[tilespmem:$0xC100] =	vst v63  }
0x27: {  	_ =	swait.ge @!p0 [sflag:s19], $0x4000  }
0x28: {  	[sflag:s19] =	ssyncset.done @!p0 $0x0  }
0x29: {  	[sflag:s19] =	ssyncadd.s32 @!p0 $0xFFFFC000  }
0x2a: {  	_ =	swait.ge @!p0 [sflag:s19], $0x4000  }
0x2b: {  	[sflag:s19] =	ssyncset.done @!p0 $0x0  }
0x2c: {  	s15 =	sadd.s32 $0x200, s10;
	s16 =	simm.s32 $0x20000;
	[sflag:s19] =	ssyncadd.s32 @!p0 $0xFFFFC000  }
0x2d: {  	s13 =	simm.s32 $0x10000;
	s17 =	sadd.s32 $0x20, s6;
	_ =	swait.ge @!p0 [sflag:s19], $0x4000  }
0x2e: {  	s14 =	sadd.s32 $0x200, s8;
	p2 =	sgt.u32 s17, $0x9C3;
	[sflag:s19] =	ssyncset.done @!p0 $0x0  }
.LBB2_2:
0x2f: {  	s18 =	simm.s32 @!p2 $0x0;
	s20 =	simm.s32 @!p2 $0x3;
	[sflag:s19] =	ssyncadd.s32 @!p0 $0xFFFFC000  }
0x30: {  	[tilespmem:s18], [sflag:$0x3] =	stream.linear.gather @!p2 [hbm4b:s15+s18], $0x80, $0x38;
	[tilespmem:$0xC100] =	vst v63  }
0x31: {  	s21 =	smov.u32 s16;
	s16 =	sadd.s32 $0x10000, s16;
	_ =	swait.ge @!p2 [sflag:s20], $0x80  }
0x32: {  	p0 =	por p2, p2;
	p1 =	sne.s32 s16, $0x4F0000;
	[sflag:s20] =	ssyncset.done @!p2 $0x0  }
0x33: {  	s19 =	simm.s32 @!p0 $0x80;
	[sflag:s20] =	ssyncadd.s32 @!p0 $0xFFFFFF80  }
0x34: {  	[tilespmem:s19], [sflag:$0x3] =	stream.linear.gather @!p0 [hbm4b:s14+s18], $0x80, $0x38;
	[tilespmem:$0xC100] =	vst v63  }
0x35: {  	_ =	swait.ge @!p0 [sflag:s20], $0x80  }
0x36: {  	[sflag:s20] =	ssyncset.done @!p0 $0x0  }
0x37: {  	[sflag:s20] =	ssyncadd.s32 @!p0 $0xFFFFFF80;
	s20 =	simm.s32 @!p0 $0x100  }
0x38: {  	[tilespmem:s20], [sflag:$0x1] =	stream.indirect.gather @!p0 [hbm4b:s3+s19], $0x80, s18, s19, $0xb8;
	[tilespmem:$0xC100] =	vst v63  }
0x39: {  	s22 =	simm.s32 @!p0 $0x4100  }
0x3a: {  	[tilespmem:s22], [sflag:$0x1] =	stream.indirect.gather @!p0 [hbm4b:s4+s19], $0x80, s18, s19, $0xb8;
	[tilespmem:$0xC100] =	vst v63  }
0x3b: {  	s23 =	simm.s32 @!p0 $0x8100;
	s24 =	simm.s32 @!p0 $0x1  }
0x3c: {  	[tilespmem:s23], [sflag:$0x1] =	stream.indirect.gather @!p0 [hbm4b:s5+s19], $0x80, s19, s19, $0xb8;
	[tilespmem:$0xC100] =	vst v63  }
0x3d: {  	_ =	swait.ge @!p0 [sflag:s24], $0x4000  }
0x3e: {  	[sflag:s24] =	ssyncset.done @!p0 $0x0  }
0x3f: {  	s19 =	sadd.s32 @!p0 s13, s12;
	[sflag:s24] =	ssyncadd.s32 @!p0 $0xFFFFC000  }
0x40: {  	[hbm4b:s19+s18] =	stream.linear.scatter @!p0 [tilespmem:s20], [sflag:$0x2], $0x4000, $0x38;
	[tilespmem:$0xC100] =	vst v63  }
0x41: {  	_ =	swait.ge @!p0 [sflag:s24], $0x4000  }
0x42: {  	[sflag:s24] =	ssyncset.done @!p0 $0x0  }
0x43: {  	s19 =	sadd.s32 @!p0 s13, s11;
	[sflag:s24] =	ssyncadd.s32 @!p0 $0xFFFFC000  }
0x44: {  	[hbm4b:s19+s18] =	stream.linear.scatter @!p0 [tilespmem:s22], [sflag:$0x2], $0x4000, $0x38;
	[tilespmem:$0xC100] =	vst v63  }
0x45: {  	_ =	swait.ge @!p0 [sflag:s24], $0x4000  }
0x46: {  	[sflag:s24] =	ssyncset.done @!p0 $0x0  }
0x47: {  	s13 =	sadd.s32 @!p0 s13, s9;
	s19 =	simm.s32 @!p0 $0x2;
	[sflag:s24] =	ssyncadd.s32 @!p0 $0xFFFFC000  }
0x48: {  	[hbm4b:s13+s18] =	stream.linear.scatter @!p0 [tilespmem:s23], [sflag:$0x2], $0x4000, $0x38;
	[tilespmem:$0xC100] =	vst v63  }
0x49: {  	s13 =	smov.u32 s21;
	_ =	swait.ge @!p0 [sflag:s19], $0x4000  }
0x4a: {  	[sflag:s19] =	ssyncset.done @!p0 $0x0  }
0x4b: {  	[sflag:s19] =	ssyncadd.s32 @!p0 $0xFFFFC000  }
.Ltmp0:
0x4c: {  	_ =	swait.ge @!p0 [sflag:s19], $0x4000;
	(pc) =	sbr.rel @p1 .LBB2_2-.Ltmp0, $4  }
0x4d: {  	[sflag:s19] =	ssyncset.done @!p0 $0x0  }
0x4e: {  	[sflag:s19] =	ssyncadd.s32 @!p0 $0xFFFFC000  }
0x4f: {  	s17 =	sadd.s32 $0x20, s17;
	s15 =	sadd.s32 $0x200, s15;
	_ =	swait.ge @!p0 [sflag:s19], $0x4000  }
0x50: {  	p2 =	sgt.u32 s17, $0x9C3;
	s14 =	sadd.s32 $0x200, s14;
	[sflag:s19] =	ssyncset.done @!p0 $0x0  }
0x51: {  	s16 =	simm.s32 @!p2 $0x0;
	s17 =	simm.s32 @!p2 $0x3;
	[sflag:s19] =	ssyncadd.s32 @!p0 $0xFFFFC000  }
0x52: {  	[tilespmem:s16], [sflag:$0x3] =	stream.linear.gather @!p2 [hbm4b:s15+s16], $0x80, $0x38;
	[tilespmem:$0xC100] =	vst v63  }
0x53: {  	_ =	swait.ge @!p2 [sflag:s17], $0x80  }
0x54: {  	p0 =	por p2, p2;
	[sflag:s17] =	ssyncset.done @!p2 $0x0  }
0x55: {  	s15 =	simm.s32 @!p0 $0x80;
	[sflag:s17] =	ssyncadd.s32 @!p0 $0xFFFFFF80  }
0x56: {  	[tilespmem:s15], [sflag:$0x3] =	stream.linear.gather @!p0 [hbm4b:s14+s16], $0x80, $0x38;
	[tilespmem:$0xC100] =	vst v63  }
0x57: {  	_ =	swait.ge @!p0 [sflag:s17], $0x80  }
0x58: {  	[sflag:s17] =	ssyncset.done @!p0 $0x0  }
0x59: {  	s14 =	simm.s32 @!p0 $0x100;
	[sflag:s17] =	ssyncadd.s32 @!p0 $0xFFFFFF80  }
0x5a: {  	[tilespmem:s14], [sflag:$0x1] =	stream.indirect.gather @!p0 [hbm4b:s3+s15], $0x80, s16, s15, $0xb8;
	[tilespmem:$0xC100] =	vst v63  }
0x5b: {  	s17 =	simm.s32 @!p0 $0x4100  }
0x5c: {  	[tilespmem:s17], [sflag:$0x1] =	stream.indirect.gather @!p0 [hbm4b:s4+s15], $0x80, s16, s15, $0xb8;
	[tilespmem:$0xC100] =	vst v63  }
0x5d: {  	s18 =	simm.s32 @!p0 $0x8100;
	s19 =	simm.s32 @!p0 $0x1  }
0x5e: {  	[tilespmem:s18], [sflag:$0x1] =	stream.indirect.gather @!p0 [hbm4b:s5+s15], $0x80, s15, s15, $0xb8;
	[tilespmem:$0xC100] =	vst v63  }
0x5f: {  	_ =	swait.ge @!p0 [sflag:s19], $0x4000  }
0x60: {  	[sflag:s19] =	ssyncset.done @!p0 $0x0  }
0x61: {  	s15 =	sadd.s32 @!p0 s13, s12;
	[sflag:s19] =	ssyncadd.s32 @!p0 $0xFFFFC000  }
0x62: {  	[hbm4b:s15+s16] =	stream.linear.scatter @!p0 [tilespmem:s14], [sflag:$0x2], $0x4000, $0x38;
	[tilespmem:$0xC100] =	vst v63  }
0x63: {  	_ =	swait.ge @!p0 [sflag:s19], $0x4000  }
0x64: {  	[sflag:s19] =	ssyncset.done @!p0 $0x0  }
0x65: {  	s14 =	sadd.s32 @!p0 s13, s11;
	[sflag:s19] =	ssyncadd.s32 @!p0 $0xFFFFC000  }
0x66: {  	[hbm4b:s14+s16] =	stream.linear.scatter @!p0 [tilespmem:s17], [sflag:$0x2], $0x4000, $0x38;
	[tilespmem:$0xC100] =	vst v63  }
0x67: {  	_ =	swait.ge @!p0 [sflag:s19], $0x4000  }
0x68: {  	[sflag:s19] =	ssyncset.done @!p0 $0x0  }
0x69: {  	s13 =	sadd.s32 @!p0 s13, s9;
	s14 =	simm.s32 @!p0 $0x2;
	[sflag:s19] =	ssyncadd.s32 @!p0 $0xFFFFC000  }
0x6a: {  	[hbm4b:s13+s16] =	stream.linear.scatter @!p0 [tilespmem:s18], [sflag:$0x2], $0x4000, $0x38;
	[tilespmem:$0xC100] =	vst v63  }
0x6b: {  	_ =	swait.ge @!p0 [sflag:s14], $0x4000  }
0x6c: {  	[sflag:s14] =	ssyncset.done @!p0 $0x0  }
0x6d: {  	s1 =	sadd.s32 $0x1, s1;
	[sflag:s14] =	ssyncadd.s32 @!p0 $0xFFFFC000  }
0x6e: {  	p1 =	sne.s32 s1, s7;
	_ =	swait.ge @!p0 [sflag:s14], $0x4000  }
.Ltmp1:
0x6f: {  	[sflag:s14] =	ssyncset.done @!p0 $0x0;
	(pc) =	sbr.rel @p1 .LBB2_1-.Ltmp1, $4  }
0x70: {  	[sflag:s14] =	ssyncadd.s32 @!p0 $0xFFFFC000  }
0x71: {  	_ =	swait.ge @!p0 [sflag:s14], $0x4000  }
0x72: {  	[sflag:s14] =	ssyncset.done @!p0 $0x0  }
0x73: {  	[sflag:s14] =	ssyncadd.s32 @!p0 $0xFFFFC000  }
0x74: {  	_ =	sfence.sel $0x180000  }
0x75: {  	[bflag:$0x0] =	sbarrier.arrive $0xFFFF  }
0x76: {  	p0 =	sne.s32 s2, $0x0;
	_ =	strace $0x90000047  }
0x77: {  	s0 =	sadd.s32 @!p0 $0x100000, s0;
	[bflag:$0x2] =	sbarrier.arrive $0xFFFF  }
0x78: {  	[sflag:s0] =	ssyncadd.tile.s32 @!p0 $0x1;
	_ =	shalt  }
.Lfunc_end2:
_tile_overlayer_lowered:
.L_overlay_start_2:
0x79: {  	(tag) =	ssettag $0x2  }
0x7a: {  	s0 =	rddreg [dreg:$0x0];
	s2 =	stileid.u32  }
0x7b: {  	s1 =	rddreg [dreg:$0x1];
	p0 =	sne.s32 s2, $0x0  }
0x7c: {  	s3 =	rddreg [dreg:$0x2];
	[bflag:$0x3] =	sbarrier.arrive $0xFFFF;
	s2 =	simm.s32 @!p0 $0x1C03  }
0x7d: {  	[timem:s3], [sflag:s2] =	dma.local @!p0 [hbm:s0], s1  }
0x7e: {  	s0 =	simm.s32 @!p0 $0x3  }
0x7f: {  	_ =	swait.ge @!p0 [sflag:s0], s1  }
0x80: {  	s1 =	ssub.s32 @!p0 $0x0, s1;
	[sflag:s0] =	ssyncset.done @!p0 $0x0  }
0x81: {  	[sflag:s0] =	ssyncadd.s32 @!p0 s1  }
0x82: {  	[bflag:$0x3] =	sbarrier.arrive $0xFFFF  }
0x83: {  	_ =	shalt  }

// kernel: _run.23.cloned.1.call-start
scs
__scs_entry_jumppad:
0x0: {  	(pc) =	sbr.rel $0x88, $3  }
0x1: {  	(tag) =	ssettag $0x0;
	lr =	simm.s32 $0x1  }
0x2: {  	[smem:$0x3F7E] =	sst lr;
	_ =	strace $0xD0000000  }
0x3: {  	_ = 	snop  }
0x4: {  	_ = 	snop  }
0x5: {  	_ = 	snop  }
0x6: {  	_ = 	snop  }
0x7: {  	_ = 	snop  }
__scs_overlays_trampoline_lowered:
0x8: {  	[smem:$0x3F8D] =	sst s0  }
0x9: {  	[smem:$0x3F8E] =	sst s1  }
0xa: {  	[smem:$0x3F8F] =	sst s2  }
0xb: {  	[smem:$0x3F90] =	sst s3  }
0xc: {  	[smem:$0x3F91] =	sst s4  }
0xd: {  	[smem:$0x3F92] =	sst s5  }
0xe: {  	[smem:$0x3F93] =	sst s6  }
0xf: {  	[smem:$0x3F94] =	sst s7  }
0x10: {  	[smem:$0x3F95] =	sst s8  }
0x11: {  	[smem:$0x3F96] =	sst s9;
	s0 =	simm.s32 @!p0 $0x0  }
0x12: {  	s1 =	sld [smem:$0x3F7C];
	s0 =	simm.s32 @p0 $0x1  }
0x13: {  	[smem:$0x3F97] =	sst s0;
	s0 =	simm.s32 @!p1 $0x0  }
0x14: {  	s2 =	sld [smem:$0x3F7B];
	s0 =	simm.s32 @p1 $0x1  }
0x15: {  	[smem:$0x3F98] =	sst s0;
	s0 =	simm.s32 @!p2 $0x0  }
0x16: {  	s3 =	sld [smem:$0x3FDB];
	s0 =	simm.s32 @p2 $0x1  }
0x17: {  	s4 =	simm.s32 $0x1BF5;
	[smem:$0x3F9A] =	sst s0  }
0x18: {  	s0 =	sld [smem:$0x3F7D];
	_ =	swait.ge [sflag:s4], $0x0  }
0x19: {  	s7 =	sld [smem:$0x3F7E]  }
0x1a: {  	s8 =	sadd.s32 $0xFFFFE003, lr  }
0x1b: {  	s9 =	sadd.s32 $0xFFFFFEF7, lr;
	s5 =	simm.s32 $0xFFFFFFFF;
	p2 =	slt.u32 s8, $0xFFFFF086  }
0x1c: {  	p1 =	slt.u32 s9, $0xF7A;
	s5 =	simm.s32 @!p2 $0x0  }
0x1d: {  	s5 =	simm.s32 @p1 $0x1;
	p0 =	seq.s32 s7, s2  }
0x1e: {  	s7 =	smul.u32 @!p0 $0xF7A, s2;
	p2 =	seq.s32 @!p0 s5, $0x0  }
0x1f: {  	s9 =	smul.u32 $0xF7A, s1;
	s8 =	simm.s32 @!p0 $0x1BF5;
	p2 =	por !p2, p0  }
0x20: {  	[sflag:s8] =	ssyncset.s32 @!p0 $0xFFFFF086;
	s6 =	sadd.s32 @!p0 s3, s7;
	s7 =	simm.s32 @!p0 $0x108  }
0x21: {  	s3 =	sadd.s32 s3, s9;
	s6 =	sadd.s32 @!p0 $0x88, s6;
	s7 =	simm.s32 @p2 $0x1082  }
0x22: {  	[simem:s7], [sflag:s8] =	dma.local @!p0 [hbm:s6], $0xF7A  }
0x23: {  	s9 =	sor.u32 $0xD0000000, s2;
	s6 =	simm.s32 $0x108;
	_ =	swait.ge @!p0 [sflag:s8], $0x0  }
0x24: {  	s3 =	sadd.s32 $0x88, s3;
	s6 =	simm.s32 @!p1 $0x1082;
	[sflag:s4] =	ssyncset.s32 $0xFFFFF086  }
0x25: {  	[simem:s6], [sflag:s4] =	dma.local [hbm:s3], $0xF7A  }
0x26: {  	[smem:$0x3F7E] =	sst s1;
	(tag) =	ssettag s2;
	_ =	strace s9  }
0x27: {  	s1 =	sld [smem:$0x3F8E]  }
0x28: {  	s2 =	sld [smem:$0x3F8F]  }
0x29: {  	s4 =	sld [smem:$0x3F91]  }
0x2a: {  	p0 =	seq.s32 s5, $0x0;
	s5 =	sld [smem:$0x3F92]  }
0x2b: {  	s6 =	sld [smem:$0x3F93]  }
0x2c: {  	s7 =	sld [smem:$0x3F94]  }
0x2d: {  	s3 =	simm.s32 $0x108;
	s8 =	sld [smem:$0x3F95]  }
0x2e: {  	s3 =	simm.s32 @!p0 $0x1082;
	s9 =	sld [smem:$0x3F96]  }
0x2f: {  	lr =	sadd.s32 s0, s3;
	s0 =	sld [smem:$0x3F8D]  }
0x30: {  	s3 =	sld [smem:$0x3F90]  }
0x31: {  	[smem:$0x3F99] =	sst s10  }
0x32: {  	s10 =	sld [smem:$0x3F97];
	_ =	sdelay $0x3  }
0x33: {  	p0 =	seq.s32 s10, $0x1;
	s10 =	sld [smem:$0x3F99];
	_ =	sdelay $0x3  }
0x34: {  	[smem:$0x3F99] =	sst s10  }
0x35: {  	s10 =	sld [smem:$0x3F98];
	_ =	sdelay $0x3  }
0x36: {  	p1 =	seq.s32 s10, $0x1;
	s10 =	sld [smem:$0x3F99];
	_ =	sdelay $0x3  }
0x37: {  	[smem:$0x3F99] =	sst s10  }
0x38: {  	s10 =	sld [smem:$0x3F9A]  }
0x39: {  	_ = 	snop;
	(pc) =	sbr.ind lr, $3  }
0x3a: {  	_ = 	snop  }
0x3b: {  	_ = 	snop  }
0x3c: {  	p2 =	seq.s32 s10, $0x1;
	s10 =	sld [smem:$0x3F99]  }
0x3d: {  	_ =	shalt  }
0x3e: {  	_ =	shalt  }
0x3f: {  	_ =	shalt  }
0x40: {  	_ =	shalt  }
0x41: {  	_ =	shalt  }
0x42: {  	_ =	shalt  }
0x43: {  	_ =	shalt  }
0x44: {  	_ =	shalt  }
0x45: {  	_ =	shalt  }
0x46: {  	_ =	shalt  }
0x47: {  	_ =	shalt  }
0x48: {  	_ =	shalt  }
0x49: {  	_ =	shalt  }
0x4a: {  	_ =	shalt  }
0x4b: {  	_ =	shalt  }
0x4c: {  	_ =	shalt  }
0x4d: {  	_ =	shalt  }
0x4e: {  	_ =	shalt  }
0x4f: {  	_ =	shalt  }
0x50: {  	_ =	shalt  }
0x51: {  	_ =	shalt  }
0x52: {  	_ =	shalt  }
0x53: {  	_ =	shalt  }
0x54: {  	_ =	shalt  }
0x55: {  	_ =	shalt  }
0x56: {  	_ =	shalt  }
0x57: {  	_ =	shalt  }
0x58: {  	_ =	shalt  }
0x59: {  	_ =	shalt  }
0x5a: {  	_ =	shalt  }
0x5b: {  	_ =	shalt  }
0x5c: {  	_ =	shalt  }
0x5d: {  	_ =	shalt  }
0x5e: {  	_ =	shalt  }
0x5f: {  	_ =	shalt  }
0x60: {  	_ =	shalt  }
0x61: {  	_ =	shalt  }
0x62: {  	_ =	shalt  }
0x63: {  	_ =	shalt  }
0x64: {  	_ =	shalt  }
0x65: {  	_ =	shalt  }
0x66: {  	_ =	shalt  }
0x67: {  	_ =	shalt  }
0x68: {  	_ =	shalt  }
0x69: {  	_ =	shalt  }
0x6a: {  	_ =	shalt  }
0x6b: {  	_ =	shalt  }
0x6c: {  	_ =	shalt  }
0x6d: {  	_ =	shalt  }
0x6e: {  	_ =	shalt  }
0x6f: {  	_ =	shalt  }
0x70: {  	_ =	shalt  }
0x71: {  	_ =	shalt  }
0x72: {  	_ =	shalt  }
0x73: {  	_ =	shalt  }
0x74: {  	_ =	shalt  }
0x75: {  	_ =	shalt  }
0x76: {  	_ =	shalt  }
0x77: {  	_ =	shalt  }
0x78: {  	_ =	shalt  }
0x79: {  	_ =	shalt  }
0x7a: {  	_ =	shalt  }
0x7b: {  	_ =	shalt  }
0x7c: {  	_ =	shalt  }
0x7d: {  	_ =	shalt  }
0x7e: {  	_ =	shalt  }
0x7f: {  	_ =	shalt  }
0x80: {  	_ =	shalt  }
0x81: {  	_ =	shalt  }
0x82: {  	_ =	shalt  }
0x83: {  	_ =	shalt  }
0x84: {  	_ =	shalt  }
0x85: {  	_ =	shalt  }
0x86: {  	_ =	shalt  }
0x87: {  	_ =	shalt  }
.Lfunc_end0:
.L_simem_size_0:
called_computation.1_lowered:
.L_overlay_start_0:
0x88: {  	s2 =	sld [smem:$0x3FD9]  }
0x89: {  	s3 =	sld [smem:$0x3FFE];
	_ =	sdelay $0x1  }
0x8a: {  	s1 =	srdreg.scid  }
0x8b: {  	s0 =	sand.u32 $0x1, s1  }
0x8c: {  	s16 =	sshll.u32 s0, $0xA;
	s2 =	sadd.s32 s3, s2  }
0x8d: {  	s2 =	sadd.s32 s2, s16  }
0x8e: {  	[smem:$0x3FA5] =	sst s2  }
0x8f: {  	_ = 	snop  }
0x90: {  	(tm) =	ssettm $0x1  }
0x91: {  	s17 =	sld [smem:$0x3FFB];
	_ =	sdelay $0x3  }
0x92: {  	_ =	strace s17  }
0x93: {  	s2 =	sld [smem:$0x3FFC];
	_ =	sdelay $0x3  }
0x94: {  	_ =	strace s2  }
0x95: {  	s2 =	sld [smem:$0x3FFD];
	_ =	sdelay $0x3  }
0x96: {  	_ =	strace s2  }
0x97: {  	_ =	strace $0x8FFFFFFF  }
0x98: {  	s18 =	sld [smem:$0x3FDB];
	_ =	sdelay $0x1  }
0x99: {  	s19 =	simm.s32 $_scs_section_size  }
0x9a: {  	s4 =	simm.s32 $_size__tile_overlayer_lowered;
	s5 =	simm.s32 $_tile_overlayer_lowered  }
0x9b: {  	s22 =	simm.s32 $0x1BFF;
	s21 =	sshll.u32 s5, $0x1;
	s2 =	sadd.s32 s19, s18  }
0x9c: {  	s6 =	simm.s32 $0x0;
	s20 =	sshll.u32 s4, $0x1;
	s4 =	sadd.s32 s21, s2  }
0x9d: {  	[timem:s6], [sflag:s22] =	dma.local [hbm:s4], s20  }
0x9e: {  	_ =	swait.ge [sflag:s22], s20  }
0x9f: {  	s3 =	ssub.s32 $0x0, s20;
	[sflag:s22] =	ssyncset.done $0x0  }
0xa0: {  	[sflag:s22] =	ssyncadd.s32 s3;
	_ =	sdelay $0x1  }
0xa1: {  	s23 =	simm.s32 $0x1B8B  }
0xa2: {  	_ =	swait.ge [sflag:s23], $0x1  }
0xa3: {  	[sflag:s23] =	ssyncset.done $0x0  }
0xa4: {  	s25 =	simm.s32 $0x1B8E;
	s24 =	sld [smem:$0x3FFE];
	[sflag:s23] =	ssyncadd.s32 $0xFFFFFFFF  }
0xa5: {  	s26 =	simm.s32 $execute0_lowered;
	[smem:$0x3FD2] =	sst s25  }
0xa6: {  	s4 =	sshll.u32 s26, $0x1;
	_ =	strace $0x80000049;
	[dreg:$0x1] =	wrdreg $0xFFFFFFFF  }
0xa7: {  	s28 =	simm.s32 $_size_execute0_lowered;
	s2 =	sadd.s32 s2, s4;
	[dreg:$0x0] =	wrdreg $0x0  }
0xa8: {  	s4 =	sshll.u32 s28, $0x1;
	[dreg:$0x2] =	wrdreg s2  }
0xa9: {  	[dreg:$0x3] =	wrdreg s4  }
0xaa: {  	[dreg:$0x4] =	wrdreg $0xC0  }
0xab: {  	_ =	task [dreg:s6], $0x5FFFF  }
0xac: {  	[dreg:$0x1] =	wrdreg $0xFFFFFFFF  }
0xad: {  	[dreg:$0x0] =	wrdreg $0x60  }
0xae: {  	[dreg:$0x2] =	wrdreg s24  }
0xaf: {  	[dreg:$0x3] =	wrdreg $0x40800  }
0xb0: {  	[dreg:$0x4] =	wrdreg $0x9  }
0xb1: {  	_ =	task.clear_ibuf [dreg:s6], $0x5FFFF;
	_ =	strace $0x90000049  }
0xb2: {  	s29 =	simm.s32 $0x9;
	_ =	strace $0x8000004B  }
0xb3: {  	_ =	swait.ge [sflag:s29], $0x1  }
0xb4: {  	[sflag:s29] =	ssyncadd.s32 $0xFFFFFFFF  }
0xb5: {  	_ =	strace $0x9000004B  }
0xb6: {  	_ =	sfence  }
0xb7: {  	s30 =	sld [smem:$0x0];
	_ =	sdelay $0x2  }
0xb8: {  	s31 =	sshll.u32 s1, $0xD;
	s1 =	sshrl.u32 s1, $0x2  }
0xb9: {  	s3 =	sand.u32 $0x4000, s31;
	s1 =	sadd.s32 s1, s30  }
0xba: {  	s0 =	sor.u32 s3, s0;
	s1 =	sshll.u32 s1, $0x11  }
0xbb: {  	s0 =	sor.u32 s1, s0  }
0xbc: {  	s0 =	sadd.s32 $0x8F2B, s0  }
0xbd: {  	[sflag:s0] =	ssyncadd.remote.s32 $0x1  }
0xbe: {  	_ =	sfence.sel $0xFFFF  }
0xbf: {  	[dreg:$0x0] =	wrdreg $0xFFFFFFFF;
	(pc) =	sbr.abs _section_cstart, $3  }
0xc0: {  	[dreg:$0x1] =	wrdreg $0xFFFFFFFF  }
0xc1: {  	_ =	task.clear_ibuf [dreg:s6], $0x2FFFF;
	_ =	strace $0x9FFFFFFF  }
0xc2: {  	(tm) =	ssettm $0x7FFFFFFF  }
0xc3: {  	_ =	shalt  }
tec
execute0_lowered:
.L_overlay_start_1:
0x0: {  	(tag) =	ssettag $0x1  }
0x1: {  	s10 =	rddreg [dreg:$0x0]  }
0x2: {  	s2 =	rddreg [dreg:$0x1]  }
0x3: {  	s0 =	rddreg [dreg:$0x2]  }
0x4: {  	s3 =	simm.s32 $0x0;
	s1 =	stileid.u32;
	s5 =	srdreg.scid  }
0x5: {  	s15 =	simm.s32 $0x1924800;
	[smem:$0x7FF] =	sst s3;
	s6 =	smul.u32 $0x13800, s1  }
0x6: {  	s4 =	sshll.u32 s1, $0x4;
	s7 =	sand.u32 $0x1, s5;
	s8 =	smul.u32 $0x4E000, s1  }
0x7: {  	s9 =	sadd.s32 $0x44E00, s10;
	s28 =	sshll.u32 s1, $0x6;
	s14 =	sadd.s32 $0x138000, s2  }
0x8: {  	s31 =	sshll.u32 s1, $0xB;
	_ =	strace $0x8000004A;
	s11 =	sadd.s32 s4, s10  }
0x9: {  	s5 =	ssub.s32 $0x2, s7;
	s26 =	smul.u32 $0x138800, s7;
	p0 =	seq.s32 s7, $0x1  }
0xa: {  	s7 =	sadd.s32 $0x44C00, s10;
	s24 =	sshrl.u32 s6, $0x3;
	s12 =	sshrl.u32 s5, $0x1  }
0xb: {  	s25 =	sshrl.u32 s8, $0x2;
	s15 =	simm.s32 @!p0 $0x1442800;
	p0 =	sne.s32 s1, $0xF  }
0xc: {  	s4 =	sadd.s32 s24, s10;
	s12 =	ssub.s32 s5, s12;
	s13 =	sadd.s32 s25, s2  }
0xd: {  	s5 =	sor.u32 $0x1C01, s28;
	s6 =	sadd.s32 s6, s26;
	s29 =	sshrl.u32 s26, $0x3  }
0xe: {  	s30 =	sadd.s32 s15, s10;
	s10 =	sadd.s32 $0x13E00, s11;
	s14 =	sshrl.u32 @!p0 s14, $0x3  }
0xf: {  	s4 =	sadd.s32 $0x1DC00, s4;
	s6 =	sshrl.u32 s6, $0x3;
	s8 =	sadd.s32 s9, s29  }
0x10: {  	s11 =	sadd.s32 s31, s30;
	s6 =	sadd.s32 s9, s6;
	s8 =	sadd.s32 $0x27000, s8  }
0x11: {  	s9 =	smax.u32 s12, $0x1;
	s12 =	sshrl.u32 s13, $0x3;
	s13 =	simm.s32 $0x1  }
.LBB2_1:
0x12: {  	[spmem:s12], [sflag:s5] =	dma.local [hbm:s4], $0x2700  }
0x13: {  	_ =	swait.ge [sflag:s13], $0x2700  }
0x14: {  	[sflag:s13] =	ssyncset.done $0x0  }
0x15: {  	s15 =	simm.s32 @!p0 $0x1;
	[sflag:s13] =	ssyncadd.s32 $0xFFFFD900  }
0x16: {  	[spmem:s14], [sflag:s5] =	dma.local @!p0 [hbm:s7], $0x100  }
0x17: {  	_ =	swait.ge @!p0 [sflag:s15], $0x100  }
0x18: {  	s16 =	sadd.s32 $0x0, s1;
	[sflag:s15] =	ssyncset.done @!p0 $0x0  }
0x19: {  	p1 =	sgt.u32 s16, $0x9C3;
	[sflag:s15] =	ssyncadd.s32 @!p0 $0xFFFFFF00  }
0x1a: {  	s17 =	simm.s32 @!p1 $0x2;
	s15 =	simm.s32 @!p1 $0x0;
	[bflag:$0x0] =	sbarrier.arrive $0xFFFF  }
0x1b: {  	[tilespmem:s15], [sflag:$0x2] =	stream.linear.gather @!p1 [hbm4b:s10+s15], $0x80, $0x38;
	[tilespmem:$0x17900] =	vst v63  }
0x1c: {  	_ =	swait.ge @!p1 [sflag:s17], $0x80  }
0x1d: {  	[sflag:s17] =	ssyncset.done @!p1 $0x0;
	p1 =	por p1, p1  }
0x1e: {  	[sflag:s17] =	ssyncadd.s32 @!p1 $0xFFFFFF80;
	s19 =	simm.s32 @!p1 $0x80  }
0x1f: {  	[tilespmem:s19], [sflag:$0x2] =	stream.linear.gather @!p1 [hbm4b:s11+s15], $0x4000, $0x38;
	[tilespmem:$0x17900] =	vst v63  }
0x20: {  	_ =	swait.ge @!p1 [sflag:s17], $0x4000  }
0x21: {  	[sflag:s17] =	ssyncset.done @!p1 $0x0  }
0x22: {  	s31 =	sadd.s32 $0x10, s1;
	s18 =	simm.s32 @!p1 $0x1;
	[sflag:s17] =	ssyncadd.s32 @!p1 $0xFFFFC000  }
0x23: {  	[spmem:s2] =	stream.indirect.scatter.add.f32 @!p1 [tilespmem:s19], [sflag:$0x1], $0x80, s15, s19, $0xb8;
	[tilespmem:$0x17900] =	vst v63  }
0x24: {  	s16 =	simm.s32 $0x20;
	p2 =	sgt.u32 s31, $0x9C3;
	_ =	swait.ge @!p1 [sflag:s18], $0x4000  }
0x25: {  	s17 =	sadd.s32 $0x100, s10;
	s15 =	sadd.s32 $0x8000, s11;
	[sflag:s18] =	ssyncset.done @!p1 $0x0  }
.LBB2_2:
0x26: {  	s19 =	simm.s32 @!p2 $0x0;
	s20 =	simm.s32 @!p2 $0x2;
	[sflag:s18] =	ssyncadd.s32 @!p1 $0xFFFFC000  }
0x27: {  	[tilespmem:s19], [sflag:$0x2] =	stream.linear.gather @!p2 [hbm4b:s17+s19], $0x80, $0x38;
	[tilespmem:$0x17900] =	vst v63  }
0x28: {  	s21 =	smov.u32 s16;
	s16 =	sadd.s32 $0x10, s16;
	_ =	swait.ge @!p2 [sflag:s20], $0x80  }
0x29: {  	p1 =	por p2, p2;
	p3 =	sne.s32 s16, $0x9D0;
	[sflag:s20] =	ssyncset.done @!p2 $0x0  }
0x2a: {  	s22 =	simm.s32 @!p1 $0x80;
	[sflag:s20] =	ssyncadd.s32 @!p1 $0xFFFFFF80  }
0x2b: {  	[tilespmem:s22], [sflag:$0x2] =	stream.linear.gather @!p1 [hbm4b:s15+s19], $0x4000, $0x38;
	[tilespmem:$0x17900] =	vst v63  }
0x2c: {  	_ =	swait.ge @!p1 [sflag:s20], $0x4000  }
.Ltmp0:
0x2d: {  	[sflag:s20] =	ssyncset.done @!p1 $0x0;
	(pc) =	sbr.rel @p3 .LBB2_2-.Ltmp0, $4  }
0x2e: {  	s18 =	simm.s32 @!p1 $0x1;
	[sflag:s20] =	ssyncadd.s32 @!p1 $0xFFFFC000  }
0x2f: {  	[spmem:s2] =	stream.indirect.scatter.add.f32 @!p1 [tilespmem:s22], [sflag:$0x1], $0x80, s19, s22, $0xb8;
	[tilespmem:$0x17900] =	vst v63  }
0x30: {  	s15 =	sadd.s32 $0x8000, s15;
	s19 =	sadd.s32 s21, s1;
	_ =	swait.ge @!p1 [sflag:s18], $0x4000  }
0x31: {  	s17 =	sadd.s32 $0x100, s17;
	p2 =	sgt.u32 s19, $0x9C3;
	[sflag:s18] =	ssyncset.done @!p1 $0x0  }
0x32: {  	s16 =	simm.s32 @!p2 $0x0;
	s19 =	simm.s32 @!p2 $0x2;
	[sflag:s18] =	ssyncadd.s32 @!p1 $0xFFFFC000  }
0x33: {  	[tilespmem:s16], [sflag:$0x2] =	stream.linear.gather @!p2 [hbm4b:s17+s16], $0x80, $0x38;
	[tilespmem:$0x17900] =	vst v63  }
0x34: {  	_ =	swait.ge @!p2 [sflag:s19], $0x80  }
0x35: {  	p1 =	por p2, p2;
	[sflag:s19] =	ssyncset.done @!p2 $0x0  }
0x36: {  	s17 =	simm.s32 @!p1 $0x80;
	[sflag:s19] =	ssyncadd.s32 @!p1 $0xFFFFFF80  }
0x37: {  	[tilespmem:s17], [sflag:$0x2] =	stream.linear.gather @!p1 [hbm4b:s15+s16], $0x4000, $0x38;
	[tilespmem:$0x17900] =	vst v63  }
0x38: {  	_ =	swait.ge @!p1 [sflag:s19], $0x4000  }
0x39: {  	[sflag:s19] =	ssyncset.done @!p1 $0x0  }
0x3a: {  	s15 =	simm.s32 @!p1 $0x1;
	[sflag:s19] =	ssyncadd.s32 @!p1 $0xFFFFC000  }
0x3b: {  	[spmem:s2] =	stream.indirect.scatter.add.f32 @!p1 [tilespmem:s17], [sflag:$0x1], $0x80, s16, s17, $0xb8;
	[tilespmem:$0x17900] =	vst v63  }
0x3c: {  	_ =	swait.ge @!p1 [sflag:s15], $0x4000  }
0x3d: {  	[sflag:s15] =	ssyncset.done @!p1 $0x0  }
0x3e: {  	[sflag:s15] =	ssyncadd.s32 @!p1 $0xFFFFC000  }
0x3f: {  	[bflag:$0x0] =	sbarrier.arrive $0xFFFF  }
0x40: {  	[hbm:s6], [sflag:s5] =	dma.local [spmem:s12], $0x2700  }
0x41: {  	s3 =	sadd.s32 $0x1, s3;
	_ =	swait.ge [sflag:s13], $0x2700  }
0x42: {  	p1 =	sne.s32 s3, s9;
	[sflag:s13] =	ssyncset.done $0x0  }
.Ltmp1:
0x43: {  	s15 =	simm.s32 @!p0 $0x1;
	[sflag:s13] =	ssyncadd.s32 $0xFFFFD900;
	(pc) =	sbr.rel @p1 .LBB2_1-.Ltmp1, $4  }
0x44: {  	[hbm:s8], [sflag:s5] =	dma.local @!p0 [spmem:s14], $0x100  }
0x45: {  	_ =	swait.ge @!p0 [sflag:s15], $0x100  }
0x46: {  	[sflag:s15] =	ssyncset.done @!p0 $0x0  }
0x47: {  	[sflag:s15] =	ssyncadd.s32 @!p0 $0xFFFFFF00  }
0x48: {  	_ =	sfence.sel $0x180000  }
0x49: {  	[bflag:$0x0] =	sbarrier.arrive $0xFFFF  }
0x4a: {  	p0 =	sne.s32 s1, $0x0;
	_ =	strace $0x9000004A  }
0x4b: {  	s0 =	sadd.s32 @!p0 $0x100000, s0;
	[bflag:$0x2] =	sbarrier.arrive $0xFFFF  }
0x4c: {  	[sflag:s0] =	ssyncadd.tile.s32 @!p0 $0x1;
	_ =	shalt  }
.Lfunc_end2:
_tile_overlayer_lowered:
.L_overlay_start_2:
0x4d: {  	(tag) =	ssettag $0x2  }
0x4e: {  	s0 =	rddreg [dreg:$0x0];
	s2 =	stileid.u32  }
0x4f: {  	s1 =	rddreg [dreg:$0x1];
	p0 =	sne.s32 s2, $0x0  }
0x50: {  	s3 =	rddreg [dreg:$0x2];
	[bflag:$0x3] =	sbarrier.arrive $0xFFFF;
	s2 =	simm.s32 @!p0 $0x1C01  }
0x51: {  	[timem:s3], [sflag:s2] =	dma.local @!p0 [hbm:s0], s1  }
0x52: {  	s0 =	simm.s32 @!p0 $0x1  }
0x53: {  	_ =	swait.ge @!p0 [sflag:s0], s1  }
0x54: {  	s1 =	ssub.s32 @!p0 $0x0, s1;
	[sflag:s0] =	ssyncset.done @!p0 $0x0  }
0x55: {  	[sflag:s0] =	ssyncadd.s32 @!p0 s1  }
0x56: {  	[bflag:$0x3] =	sbarrier.arrive $0xFFFF  }
0x57: {  	_ =	shalt  }

// kernel: _run.26.cloned.1.call-start
scs
__scs_entry_jumppad:
0x0: {  	(pc) =	sbr.rel $0x88, $3  }
0x1: {  	(tag) =	ssettag $0x0;
	lr =	simm.s32 $0x1  }
0x2: {  	[smem:$0x3F7E] =	sst lr;
	_ =	strace $0xD0000000  }
0x3: {  	_ = 	snop  }
0x4: {  	_ = 	snop  }
0x5: {  	_ = 	snop  }
0x6: {  	_ = 	snop  }
0x7: {  	_ = 	snop  }
__scs_overlays_trampoline_lowered:
0x8: {  	[smem:$0x3F8D] =	sst s0  }
0x9: {  	[smem:$0x3F8E] =	sst s1  }
0xa: {  	[smem:$0x3F8F] =	sst s2  }
0xb: {  	[smem:$0x3F90] =	sst s3  }
0xc: {  	[smem:$0x3F91] =	sst s4  }
0xd: {  	[smem:$0x3F92] =	sst s5  }
0xe: {  	[smem:$0x3F93] =	sst s6  }
0xf: {  	[smem:$0x3F94] =	sst s7  }
0x10: {  	[smem:$0x3F95] =	sst s8  }
0x11: {  	[smem:$0x3F96] =	sst s9;
	s0 =	simm.s32 @!p0 $0x0  }
0x12: {  	s1 =	sld [smem:$0x3F7C];
	s0 =	simm.s32 @p0 $0x1  }
0x13: {  	[smem:$0x3F97] =	sst s0;
	s0 =	simm.s32 @!p1 $0x0  }
0x14: {  	s2 =	sld [smem:$0x3F7B];
	s0 =	simm.s32 @p1 $0x1  }
0x15: {  	[smem:$0x3F98] =	sst s0;
	s0 =	simm.s32 @!p2 $0x0  }
0x16: {  	s3 =	sld [smem:$0x3FDB];
	s0 =	simm.s32 @p2 $0x1  }
0x17: {  	s4 =	simm.s32 $0x1BF5;
	[smem:$0x3F9A] =	sst s0  }
0x18: {  	s0 =	sld [smem:$0x3F7D];
	_ =	swait.ge [sflag:s4], $0x0  }
0x19: {  	s7 =	sld [smem:$0x3F7E]  }
0x1a: {  	s8 =	sadd.s32 $0xFFFFE003, lr  }
0x1b: {  	s9 =	sadd.s32 $0xFFFFFEF7, lr;
	s5 =	simm.s32 $0xFFFFFFFF;
	p2 =	slt.u32 s8, $0xFFFFF086  }
0x1c: {  	p1 =	slt.u32 s9, $0xF7A;
	s5 =	simm.s32 @!p2 $0x0  }
0x1d: {  	s5 =	simm.s32 @p1 $0x1;
	p0 =	seq.s32 s7, s2  }
0x1e: {  	s7 =	smul.u32 @!p0 $0xF7A, s2;
	p2 =	seq.s32 @!p0 s5, $0x0  }
0x1f: {  	s9 =	smul.u32 $0xF7A, s1;
	s8 =	simm.s32 @!p0 $0x1BF5;
	p2 =	por !p2, p0  }
0x20: {  	[sflag:s8] =	ssyncset.s32 @!p0 $0xFFFFF086;
	s6 =	sadd.s32 @!p0 s3, s7;
	s7 =	simm.s32 @!p0 $0x108  }
0x21: {  	s3 =	sadd.s32 s3, s9;
	s6 =	sadd.s32 @!p0 $0x88, s6;
	s7 =	simm.s32 @p2 $0x1082  }
0x22: {  	[simem:s7], [sflag:s8] =	dma.local @!p0 [hbm:s6], $0xF7A  }
0x23: {  	s9 =	sor.u32 $0xD0000000, s2;
	s6 =	simm.s32 $0x108;
	_ =	swait.ge @!p0 [sflag:s8], $0x0  }
0x24: {  	s3 =	sadd.s32 $0x88, s3;
	s6 =	simm.s32 @!p1 $0x1082;
	[sflag:s4] =	ssyncset.s32 $0xFFFFF086  }
0x25: {  	[simem:s6], [sflag:s4] =	dma.local [hbm:s3], $0xF7A  }
0x26: {  	[smem:$0x3F7E] =	sst s1;
	(tag) =	ssettag s2;
	_ =	strace s9  }
0x27: {  	s1 =	sld [smem:$0x3F8E]  }
0x28: {  	s2 =	sld [smem:$0x3F8F]  }
0x29: {  	s4 =	sld [smem:$0x3F91]  }
0x2a: {  	p0 =	seq.s32 s5, $0x0;
	s5 =	sld [smem:$0x3F92]  }
0x2b: {  	s6 =	sld [smem:$0x3F93]  }
0x2c: {  	s7 =	sld [smem:$0x3F94]  }
0x2d: {  	s3 =	simm.s32 $0x108;
	s8 =	sld [smem:$0x3F95]  }
0x2e: {  	s3 =	simm.s32 @!p0 $0x1082;
	s9 =	sld [smem:$0x3F96]  }
0x2f: {  	lr =	sadd.s32 s0, s3;
	s0 =	sld [smem:$0x3F8D]  }
0x30: {  	s3 =	sld [smem:$0x3F90]  }
0x31: {  	[smem:$0x3F99] =	sst s10  }
0x32: {  	s10 =	sld [smem:$0x3F97];
	_ =	sdelay $0x3  }
0x33: {  	p0 =	seq.s32 s10, $0x1;
	s10 =	sld [smem:$0x3F99];
	_ =	sdelay $0x3  }
0x34: {  	[smem:$0x3F99] =	sst s10  }
0x35: {  	s10 =	sld [smem:$0x3F98];
	_ =	sdelay $0x3  }
0x36: {  	p1 =	seq.s32 s10, $0x1;
	s10 =	sld [smem:$0x3F99];
	_ =	sdelay $0x3  }
0x37: {  	[smem:$0x3F99] =	sst s10  }
0x38: {  	s10 =	sld [smem:$0x3F9A]  }
0x39: {  	_ = 	snop;
	(pc) =	sbr.ind lr, $3  }
0x3a: {  	_ = 	snop  }
0x3b: {  	_ = 	snop  }
0x3c: {  	p2 =	seq.s32 s10, $0x1;
	s10 =	sld [smem:$0x3F99]  }
0x3d: {  	_ =	shalt  }
0x3e: {  	_ =	shalt  }
0x3f: {  	_ =	shalt  }
0x40: {  	_ =	shalt  }
0x41: {  	_ =	shalt  }
0x42: {  	_ =	shalt  }
0x43: {  	_ =	shalt  }
0x44: {  	_ =	shalt  }
0x45: {  	_ =	shalt  }
0x46: {  	_ =	shalt  }
0x47: {  	_ =	shalt  }
0x48: {  	_ =	shalt  }
0x49: {  	_ =	shalt  }
0x4a: {  	_ =	shalt  }
0x4b: {  	_ =	shalt  }
0x4c: {  	_ =	shalt  }
0x4d: {  	_ =	shalt  }
0x4e: {  	_ =	shalt  }
0x4f: {  	_ =	shalt  }
0x50: {  	_ =	shalt  }
0x51: {  	_ =	shalt  }
0x52: {  	_ =	shalt  }
0x53: {  	_ =	shalt  }
0x54: {  	_ =	shalt  }
0x55: {  	_ =	shalt  }
0x56: {  	_ =	shalt  }
0x57: {  	_ =	shalt  }
0x58: {  	_ =	shalt  }
0x59: {  	_ =	shalt  }
0x5a: {  	_ =	shalt  }
0x5b: {  	_ =	shalt  }
0x5c: {  	_ =	shalt  }
0x5d: {  	_ =	shalt  }
0x5e: {  	_ =	shalt  }
0x5f: {  	_ =	shalt  }
0x60: {  	_ =	shalt  }
0x61: {  	_ =	shalt  }
0x62: {  	_ =	shalt  }
0x63: {  	_ =	shalt  }
0x64: {  	_ =	shalt  }
0x65: {  	_ =	shalt  }
0x66: {  	_ =	shalt  }
0x67: {  	_ =	shalt  }
0x68: {  	_ =	shalt  }
0x69: {  	_ =	shalt  }
0x6a: {  	_ =	shalt  }
0x6b: {  	_ =	shalt  }
0x6c: {  	_ =	shalt  }
0x6d: {  	_ =	shalt  }
0x6e: {  	_ =	shalt  }
0x6f: {  	_ =	shalt  }
0x70: {  	_ =	shalt  }
0x71: {  	_ =	shalt  }
0x72: {  	_ =	shalt  }
0x73: {  	_ =	shalt  }
0x74: {  	_ =	shalt  }
0x75: {  	_ =	shalt  }
0x76: {  	_ =	shalt  }
0x77: {  	_ =	shalt  }
0x78: {  	_ =	shalt  }
0x79: {  	_ =	shalt  }
0x7a: {  	_ =	shalt  }
0x7b: {  	_ =	shalt  }
0x7c: {  	_ =	shalt  }
0x7d: {  	_ =	shalt  }
0x7e: {  	_ =	shalt  }
0x7f: {  	_ =	shalt  }
0x80: {  	_ =	shalt  }
0x81: {  	_ =	shalt  }
0x82: {  	_ =	shalt  }
0x83: {  	_ =	shalt  }
0x84: {  	_ =	shalt  }
0x85: {  	_ =	shalt  }
0x86: {  	_ =	shalt  }
0x87: {  	_ =	shalt  }
.Lfunc_end0:
.L_simem_size_0:
called_computation.2_lowered:
.L_overlay_start_0:
0x88: {  	s2 =	sld [smem:$0x3FD9]  }
0x89: {  	s3 =	sld [smem:$0x3FFE];
	_ =	sdelay $0x1  }
0x8a: {  	s1 =	srdreg.scid  }
0x8b: {  	s0 =	sand.u32 $0x1, s1  }
0x8c: {  	s16 =	sshll.u32 s0, $0xA;
	s2 =	sadd.s32 s3, s2  }
0x8d: {  	s2 =	sadd.s32 s2, s16  }
0x8e: {  	[smem:$0x3FA5] =	sst s2  }
0x8f: {  	_ = 	snop  }
0x90: {  	(tm) =	ssettm $0x1  }
0x91: {  	s17 =	sld [smem:$0x3FFB];
	_ =	sdelay $0x3  }
0x92: {  	_ =	strace s17  }
0x93: {  	s2 =	sld [smem:$0x3FFC];
	_ =	sdelay $0x3  }
0x94: {  	_ =	strace s2  }
0x95: {  	s2 =	sld [smem:$0x3FFD];
	_ =	sdelay $0x3  }
0x96: {  	_ =	strace s2  }
0x97: {  	_ =	strace $0x8FFFFFFF  }
0x98: {  	s18 =	sld [smem:$0x3FDB];
	_ =	sdelay $0x1  }
0x99: {  	s19 =	simm.s32 $_scs_section_size  }
0x9a: {  	s4 =	simm.s32 $_size__tile_overlayer_lowered;
	s5 =	simm.s32 $_tile_overlayer_lowered  }
0x9b: {  	s22 =	simm.s32 $0x1BFF;
	s21 =	sshll.u32 s5, $0x1;
	s2 =	sadd.s32 s19, s18  }
0x9c: {  	s6 =	simm.s32 $0x0;
	s20 =	sshll.u32 s4, $0x1;
	s4 =	sadd.s32 s21, s2  }
0x9d: {  	[timem:s6], [sflag:s22] =	dma.local [hbm:s4], s20  }
0x9e: {  	_ =	swait.ge [sflag:s22], s20  }
0x9f: {  	s3 =	ssub.s32 $0x0, s20;
	[sflag:s22] =	ssyncset.done $0x0  }
0xa0: {  	[sflag:s22] =	ssyncadd.s32 s3;
	_ =	sdelay $0x1  }
0xa1: {  	s23 =	simm.s32 $0x1B8B  }
0xa2: {  	_ =	swait.ge [sflag:s23], $0x1  }
0xa3: {  	[sflag:s23] =	ssyncset.done $0x0  }
0xa4: {  	s25 =	simm.s32 $0x1B8E;
	s24 =	sld [smem:$0x3FFE];
	[sflag:s23] =	ssyncadd.s32 $0xFFFFFFFF  }
0xa5: {  	s26 =	simm.s32 $execute0_lowered;
	[smem:$0x3FD2] =	sst s25  }
0xa6: {  	s4 =	sshll.u32 s26, $0x1;
	_ =	strace $0x8000004C;
	[dreg:$0x1] =	wrdreg $0xFFFFFFFF  }
0xa7: {  	s28 =	simm.s32 $_size_execute0_lowered;
	s2 =	sadd.s32 s2, s4;
	[dreg:$0x0] =	wrdreg $0x0  }
0xa8: {  	s4 =	sshll.u32 s28, $0x1;
	[dreg:$0x2] =	wrdreg s2  }
0xa9: {  	[dreg:$0x3] =	wrdreg s4  }
0xaa: {  	[dreg:$0x4] =	wrdreg $0xC0  }
0xab: {  	_ =	task [dreg:s6], $0x5FFFF  }
0xac: {  	[dreg:$0x1] =	wrdreg $0xFFFFFFFF  }
0xad: {  	[dreg:$0x0] =	wrdreg $0x60  }
0xae: {  	[dreg:$0x2] =	wrdreg s24  }
0xaf: {  	[dreg:$0x3] =	wrdreg $0x9  }
0xb0: {  	_ =	task.clear_ibuf [dreg:s6], $0x4FFFF;
	_ =	strace $0x9000004C  }
0xb1: {  	s29 =	simm.s32 $0x9;
	_ =	strace $0x8000004E  }
0xb2: {  	_ =	swait.ge [sflag:s29], $0x1  }
0xb3: {  	[sflag:s29] =	ssyncadd.s32 $0xFFFFFFFF  }
0xb4: {  	_ =	strace $0x9000004E  }
0xb5: {  	_ =	sfence  }
0xb6: {  	s30 =	sld [smem:$0x0];
	_ =	sdelay $0x2  }
0xb7: {  	s31 =	sshll.u32 s1, $0xD;
	s1 =	sshrl.u32 s1, $0x2  }
0xb8: {  	s3 =	sand.u32 $0x4000, s31;
	s1 =	sadd.s32 s1, s30  }
0xb9: {  	s0 =	sor.u32 s3, s0;
	s1 =	sshll.u32 s1, $0x11  }
0xba: {  	s0 =	sor.u32 s1, s0  }
0xbb: {  	s0 =	sadd.s32 $0x8F2B, s0  }
0xbc: {  	[sflag:s0] =	ssyncadd.remote.s32 $0x1  }
0xbd: {  	_ =	sfence.sel $0xFFFF  }
0xbe: {  	[dreg:$0x0] =	wrdreg $0xFFFFFFFF;
	(pc) =	sbr.abs _section_cstart, $3  }
0xbf: {  	[dreg:$0x1] =	wrdreg $0xFFFFFFFF  }
0xc0: {  	_ =	task.clear_ibuf [dreg:s6], $0x2FFFF;
	_ =	strace $0x9FFFFFFF  }
0xc1: {  	(tm) =	ssettm $0x7FFFFFFF  }
tec
execute0_lowered:
.L_overlay_start_1:
0x0: {  	(tag) =	ssettag $0x1  }
0x1: {  	s6 =	rddreg [dreg:$0x0]  }
0x2: {  	s0 =	rddreg [dreg:$0x1]  }
0x3: {  	s1 =	simm.s32 $0x0;
	s7 =	srdreg.scid;
	s2 =	stileid.u32  }
0x4: {  	[smem:$0x7FF] =	sst s1;
	s3 =	sadd.s32 $0x44E00, s6;
	s4 =	sadd.s32 $0x93200, s6  }
0x5: {  	s5 =	sadd.s32 $0x6C000, s6;
	s7 =	sand.u32 $0x1, s7;
	s8 =	sshll.u32 s2, $0x5  }
0x6: {  	s9 =	sshll.u32 s2, $0xC;
	_ =	strace $0x8000004D;
	s10 =	ssub.s32 $0x2, s7  }
0x7: {  	s8 =	sadd.s32 s8, s6;
	s9 =	sadd.s32 s9, s6;
	s11 =	sshll.u32 s7, $0x4  }
0x8: {  	s7 =	sshll.u32 s7, $0xB;
	s6 =	sshll.u32 s2, $0x1;
	s31 =	sshrl.u32 s10, $0x1  }
0x9: {  	s11 =	sadd.s32 s11, s8;
	s12 =	sadd.s32 s7, s9;
	s10 =	ssub.s32 s10, s31  }
0xa: {  	s8 =	sadd.s32 $0x13E00, s11;
	s9 =	sadd.s32 $0x1442800, s12;
	s7 =	smax.u32 s10, $0x1  }
0xb: {  	s10 =	sadd.s32 $0xA000, s11;
	s11 =	sadd.s32 $0x5C3600, s12;
	s12 =	sadd.s32 $0xE1600, s12  }
.LBB2_1:
0xc: {  	p0 =	sgt.u32 s6, $0x9C3  }
0xd: {  	s13 =	simm.s32 @!p0 $0x0;
	s14 =	simm.s32 @!p0 $0x3  }
0xe: {  	[tilespmem:s13], [sflag:$0x3] =	stream.linear.gather @!p0 [hbm4b:s10+s13], $0x80, $0x38;
	[tilespmem:$0xC100] =	vst v63  }
0xf: {  	_ =	swait.ge @!p0 [sflag:s14], $0x80  }
0x10: {  	[sflag:s14] =	ssyncset.done @!p0 $0x0;
	p0 =	por p0, p0  }
0x11: {  	[sflag:s14] =	ssyncadd.s32 @!p0 $0xFFFFFF80;
	s15 =	simm.s32 @!p0 $0x80  }
0x12: {  	[tilespmem:s15], [sflag:$0x3] =	stream.linear.gather @!p0 [hbm4b:s8+s13], $0x80, $0x38;
	[tilespmem:$0xC100] =	vst v63  }
0x13: {  	_ =	swait.ge @!p0 [sflag:s14], $0x80  }
0x14: {  	[sflag:s14] =	ssyncset.done @!p0 $0x0  }
0x15: {  	[sflag:s14] =	ssyncadd.s32 @!p0 $0xFFFFFF80;
	s14 =	simm.s32 @!p0 $0x100  }
0x16: {  	[tilespmem:s14], [sflag:$0x1] =	stream.indirect.gather @!p0 [hbm4b:s3+s15], $0x80, s13, s15, $0xb8;
	[tilespmem:$0xC100] =	vst v63  }
0x17: {  	s16 =	simm.s32 @!p0 $0x4100  }
0x18: {  	[tilespmem:s16], [sflag:$0x1] =	stream.indirect.gather @!p0 [hbm4b:s4+s15], $0x80, s13, s15, $0xb8;
	[tilespmem:$0xC100] =	vst v63  }
0x19: {  	s17 =	simm.s32 @!p0 $0x8100;
	s18 =	simm.s32 @!p0 $0x1  }
0x1a: {  	[tilespmem:s17], [sflag:$0x1] =	stream.indirect.gather @!p0 [hbm4b:s5+s15], $0x80, s15, s15, $0xb8;
	[tilespmem:$0xC100] =	vst v63  }
0x1b: {  	_ =	swait.ge @!p0 [sflag:s18], $0x4000  }
0x1c: {  	[sflag:s18] =	ssyncset.done @!p0 $0x0  }
0x1d: {  	s15 =	sadd.s32 @!p0 $0x0, s12;
	[sflag:s18] =	ssyncadd.s32 @!p0 $0xFFFFC000  }
0x1e: {  	[hbm4b:s15+s13] =	stream.linear.scatter @!p0 [tilespmem:s14], [sflag:$0x2], $0x4000, $0x38;
	[tilespmem:$0xC100] =	vst v63  }
0x1f: {  	_ =	swait.ge @!p0 [sflag:s18], $0x4000  }
0x20: {  	[sflag:s18] =	ssyncset.done @!p0 $0x0  }
0x21: {  	s14 =	sadd.s32 @!p0 $0x0, s11;
	[sflag:s18] =	ssyncadd.s32 @!p0 $0xFFFFC000  }
0x22: {  	[hbm4b:s14+s13] =	stream.linear.scatter @!p0 [tilespmem:s16], [sflag:$0x2], $0x4000, $0x38;
	[tilespmem:$0xC100] =	vst v63  }
0x23: {  	_ =	swait.ge @!p0 [sflag:s18], $0x4000  }
0x24: {  	[sflag:s18] =	ssyncset.done @!p0 $0x0  }
0x25: {  	s19 =	simm.s32 @!p0 $0x2;
	s14 =	sadd.s32 @!p0 $0x0, s9;
	[sflag:s18] =	ssyncadd.s32 @!p0 $0xFFFFC000  }
0x26: {  	[hbm4b:s14+s13] =	stream.linear.scatter @!p0 [tilespmem:s17], [sflag:$0x2], $0x4000, $0x38;
	[tilespmem:$0xC100] =	vst v63  }
0x27: {  	_ =	swait.ge @!p0 [sflag:s19], $0x4000  }
0x28: {  	[sflag:s19] =	ssyncset.done @!p0 $0x0  }
0x29: {  	[sflag:s19] =	ssyncadd.s32 @!p0 $0xFFFFC000  }
0x2a: {  	_ =	swait.ge @!p0 [sflag:s19], $0x4000  }
0x2b: {  	[sflag:s19] =	ssyncset.done @!p0 $0x0  }
0x2c: {  	s15 =	sadd.s32 $0x200, s10;
	s16 =	simm.s32 $0x20000;
	[sflag:s19] =	ssyncadd.s32 @!p0 $0xFFFFC000  }
0x2d: {  	s13 =	simm.s32 $0x10000;
	s17 =	sadd.s32 $0x20, s6;
	_ =	swait.ge @!p0 [sflag:s19], $0x4000  }
0x2e: {  	s14 =	sadd.s32 $0x200, s8;
	p2 =	sgt.u32 s17, $0x9C3;
	[sflag:s19] =	ssyncset.done @!p0 $0x0  }
.LBB2_2:
0x2f: {  	s18 =	simm.s32 @!p2 $0x0;
	s20 =	simm.s32 @!p2 $0x3;
	[sflag:s19] =	ssyncadd.s32 @!p0 $0xFFFFC000  }
0x30: {  	[tilespmem:s18], [sflag:$0x3] =	stream.linear.gather @!p2 [hbm4b:s15+s18], $0x80, $0x38;
	[tilespmem:$0xC100] =	vst v63  }
0x31: {  	s21 =	smov.u32 s16;
	s16 =	sadd.s32 $0x10000, s16;
	_ =	swait.ge @!p2 [sflag:s20], $0x80  }
0x32: {  	p0 =	por p2, p2;
	p1 =	sne.s32 s16, $0x4F0000;
	[sflag:s20] =	ssyncset.done @!p2 $0x0  }
0x33: {  	s19 =	simm.s32 @!p0 $0x80;
	[sflag:s20] =	ssyncadd.s32 @!p0 $0xFFFFFF80  }
0x34: {  	[tilespmem:s19], [sflag:$0x3] =	stream.linear.gather @!p0 [hbm4b:s14+s18], $0x80, $0x38;
	[tilespmem:$0xC100] =	vst v63  }
0x35: {  	_ =	swait.ge @!p0 [sflag:s20], $0x80  }
0x36: {  	[sflag:s20] =	ssyncset.done @!p0 $0x0  }
0x37: {  	[sflag:s20] =	ssyncadd.s32 @!p0 $0xFFFFFF80;
	s20 =	simm.s32 @!p0 $0x100  }
0x38: {  	[tilespmem:s20], [sflag:$0x1] =	stream.indirect.gather @!p0 [hbm4b:s3+s19], $0x80, s18, s19, $0xb8;
	[tilespmem:$0xC100] =	vst v63  }
0x39: {  	s22 =	simm.s32 @!p0 $0x4100  }
0x3a: {  	[tilespmem:s22], [sflag:$0x1] =	stream.indirect.gather @!p0 [hbm4b:s4+s19], $0x80, s18, s19, $0xb8;
	[tilespmem:$0xC100] =	vst v63  }
0x3b: {  	s23 =	simm.s32 @!p0 $0x8100;
	s24 =	simm.s32 @!p0 $0x1  }
0x3c: {  	[tilespmem:s23], [sflag:$0x1] =	stream.indirect.gather @!p0 [hbm4b:s5+s19], $0x80, s19, s19, $0xb8;
	[tilespmem:$0xC100] =	vst v63  }
0x3d: {  	_ =	swait.ge @!p0 [sflag:s24], $0x4000  }
0x3e: {  	[sflag:s24] =	ssyncset.done @!p0 $0x0  }
0x3f: {  	s19 =	sadd.s32 @!p0 s13, s12;
	[sflag:s24] =	ssyncadd.s32 @!p0 $0xFFFFC000  }
0x40: {  	[hbm4b:s19+s18] =	stream.linear.scatter @!p0 [tilespmem:s20], [sflag:$0x2], $0x4000, $0x38;
	[tilespmem:$0xC100] =	vst v63  }
0x41: {  	_ =	swait.ge @!p0 [sflag:s24], $0x4000  }
0x42: {  	[sflag:s24] =	ssyncset.done @!p0 $0x0  }
0x43: {  	s19 =	sadd.s32 @!p0 s13, s11;
	[sflag:s24] =	ssyncadd.s32 @!p0 $0xFFFFC000  }
0x44: {  	[hbm4b:s19+s18] =	stream.linear.scatter @!p0 [tilespmem:s22], [sflag:$0x2], $0x4000, $0x38;
	[tilespmem:$0xC100] =	vst v63  }
0x45: {  	_ =	swait.ge @!p0 [sflag:s24], $0x4000  }
0x46: {  	[sflag:s24] =	ssyncset.done @!p0 $0x0  }
0x47: {  	s13 =	sadd.s32 @!p0 s13, s9;
	s19 =	simm.s32 @!p0 $0x2;
	[sflag:s24] =	ssyncadd.s32 @!p0 $0xFFFFC000  }
0x48: {  	[hbm4b:s13+s18] =	stream.linear.scatter @!p0 [tilespmem:s23], [sflag:$0x2], $0x4000, $0x38;
	[tilespmem:$0xC100] =	vst v63  }
0x49: {  	s13 =	smov.u32 s21;
	_ =	swait.ge @!p0 [sflag:s19], $0x4000  }
0x4a: {  	[sflag:s19] =	ssyncset.done @!p0 $0x0  }
0x4b: {  	[sflag:s19] =	ssyncadd.s32 @!p0 $0xFFFFC000  }
.Ltmp0:
0x4c: {  	_ =	swait.ge @!p0 [sflag:s19], $0x4000;
	(pc) =	sbr.rel @p1 .LBB2_2-.Ltmp0, $4  }
0x4d: {  	[sflag:s19] =	ssyncset.done @!p0 $0x0  }
0x4e: {  	[sflag:s19] =	ssyncadd.s32 @!p0 $0xFFFFC000  }
0x4f: {  	s17 =	sadd.s32 $0x20, s17;
	s15 =	sadd.s32 $0x200, s15;
	_ =	swait.ge @!p0 [sflag:s19], $0x4000  }
0x50: {  	p2 =	sgt.u32 s17, $0x9C3;
	s14 =	sadd.s32 $0x200, s14;
	[sflag:s19] =	ssyncset.done @!p0 $0x0  }
0x51: {  	s16 =	simm.s32 @!p2 $0x0;
	s17 =	simm.s32 @!p2 $0x3;
	[sflag:s19] =	ssyncadd.s32 @!p0 $0xFFFFC000  }
0x52: {  	[tilespmem:s16], [sflag:$0x3] =	stream.linear.gather @!p2 [hbm4b:s15+s16], $0x80, $0x38;
	[tilespmem:$0xC100] =	vst v63  }
0x53: {  	_ =	swait.ge @!p2 [sflag:s17], $0x80  }
0x54: {  	p0 =	por p2, p2;
	[sflag:s17] =	ssyncset.done @!p2 $0x0  }
0x55: {  	s15 =	simm.s32 @!p0 $0x80;
	[sflag:s17] =	ssyncadd.s32 @!p0 $0xFFFFFF80  }
0x56: {  	[tilespmem:s15], [sflag:$0x3] =	stream.linear.gather @!p0 [hbm4b:s14+s16], $0x80, $0x38;
	[tilespmem:$0xC100] =	vst v63  }
0x57: {  	_ =	swait.ge @!p0 [sflag:s17], $0x80  }
0x58: {  	[sflag:s17] =	ssyncset.done @!p0 $0x0  }
0x59: {  	s14 =	simm.s32 @!p0 $0x100;
	[sflag:s17] =	ssyncadd.s32 @!p0 $0xFFFFFF80  }
0x5a: {  	[tilespmem:s14], [sflag:$0x1] =	stream.indirect.gather @!p0 [hbm4b:s3+s15], $0x80, s16, s15, $0xb8;
	[tilespmem:$0xC100] =	vst v63  }
0x5b: {  	s17 =	simm.s32 @!p0 $0x4100  }
0x5c: {  	[tilespmem:s17], [sflag:$0x1] =	stream.indirect.gather @!p0 [hbm4b:s4+s15], $0x80, s16, s15, $0xb8;
	[tilespmem:$0xC100] =	vst v63  }
0x5d: {  	s18 =	simm.s32 @!p0 $0x8100;
	s19 =	simm.s32 @!p0 $0x1  }
0x5e: {  	[tilespmem:s18], [sflag:$0x1] =	stream.indirect.gather @!p0 [hbm4b:s5+s15], $0x80, s15, s15, $0xb8;
	[tilespmem:$0xC100] =	vst v63  }
0x5f: {  	_ =	swait.ge @!p0 [sflag:s19], $0x4000  }
0x60: {  	[sflag:s19] =	ssyncset.done @!p0 $0x0  }
0x61: {  	s15 =	sadd.s32 @!p0 s13, s12;
	[sflag:s19] =	ssyncadd.s32 @!p0 $0xFFFFC000  }
0x62: {  	[hbm4b:s15+s16] =	stream.linear.scatter @!p0 [tilespmem:s14], [sflag:$0x2], $0x4000, $0x38;
	[tilespmem:$0xC100] =	vst v63  }
0x63: {  	_ =	swait.ge @!p0 [sflag:s19], $0x4000  }
0x64: {  	[sflag:s19] =	ssyncset.done @!p0 $0x0  }
0x65: {  	s14 =	sadd.s32 @!p0 s13, s11;
	[sflag:s19] =	ssyncadd.s32 @!p0 $0xFFFFC000  }
0x66: {  	[hbm4b:s14+s16] =	stream.linear.scatter @!p0 [tilespmem:s17], [sflag:$0x2], $0x4000, $0x38;
	[tilespmem:$0xC100] =	vst v63  }
0x67: {  	_ =	swait.ge @!p0 [sflag:s19], $0x4000  }
0x68: {  	[sflag:s19] =	ssyncset.done @!p0 $0x0  }
0x69: {  	s13 =	sadd.s32 @!p0 s13, s9;
	s14 =	simm.s32 @!p0 $0x2;
	[sflag:s19] =	ssyncadd.s32 @!p0 $0xFFFFC000  }
0x6a: {  	[hbm4b:s13+s16] =	stream.linear.scatter @!p0 [tilespmem:s18], [sflag:$0x2], $0x4000, $0x38;
	[tilespmem:$0xC100] =	vst v63  }
0x6b: {  	_ =	swait.ge @!p0 [sflag:s14], $0x4000  }
0x6c: {  	[sflag:s14] =	ssyncset.done @!p0 $0x0  }
0x6d: {  	s1 =	sadd.s32 $0x1, s1;
	[sflag:s14] =	ssyncadd.s32 @!p0 $0xFFFFC000  }
0x6e: {  	p1 =	sne.s32 s1, s7;
	_ =	swait.ge @!p0 [sflag:s14], $0x4000  }
.Ltmp1:
0x6f: {  	[sflag:s14] =	ssyncset.done @!p0 $0x0;
	(pc) =	sbr.rel @p1 .LBB2_1-.Ltmp1, $4  }
0x70: {  	[sflag:s14] =	ssyncadd.s32 @!p0 $0xFFFFC000  }
0x71: {  	_ =	swait.ge @!p0 [sflag:s14], $0x4000  }
0x72: {  	[sflag:s14] =	ssyncset.done @!p0 $0x0  }
0x73: {  	[sflag:s14] =	ssyncadd.s32 @!p0 $0xFFFFC000  }
0x74: {  	_ =	sfence.sel $0x180000  }
0x75: {  	[bflag:$0x0] =	sbarrier.arrive $0xFFFF  }
0x76: {  	p0 =	sne.s32 s2, $0x0;
	_ =	strace $0x9000004D  }
0x77: {  	s0 =	sadd.s32 @!p0 $0x100000, s0;
	[bflag:$0x2] =	sbarrier.arrive $0xFFFF  }
0x78: {  	[sflag:s0] =	ssyncadd.tile.s32 @!p0 $0x1;
	_ =	shalt  }
.Lfunc_end2:
_tile_overlayer_lowered:
.L_overlay_start_2:
0x79: {  	(tag) =	ssettag $0x2  }
0x7a: {  	s0 =	rddreg [dreg:$0x0];
	s2 =	stileid.u32  }
0x7b: {  	s1 =	rddreg [dreg:$0x1];
	p0 =	sne.s32 s2, $0x0  }
0x7c: {  	s3 =	rddreg [dreg:$0x2];
	[bflag:$0x3] =	sbarrier.arrive $0xFFFF;
	s2 =	simm.s32 @!p0 $0x1C03  }
0x7d: {  	[timem:s3], [sflag:s2] =	dma.local @!p0 [hbm:s0], s1  }
0x7e: {  	s0 =	simm.s32 @!p0 $0x3  }
0x7f: {  	_ =	swait.ge @!p0 [sflag:s0], s1  }
0x80: {  	s1 =	ssub.s32 @!p0 $0x0, s1;
	[sflag:s0] =	ssyncset.done @!p0 $0x0  }
0x81: {  	[sflag:s0] =	ssyncadd.s32 @!p0 s1  }
0x82: {  	[bflag:$0x3] =	sbarrier.arrive $0xFFFF  }
0x83: {  	_ =	shalt  }

// kernel: _run.29.cloned.1.call-start
scs
__scs_entry_jumppad:
0x0: {  	(pc) =	sbr.rel $0x88, $3  }
0x1: {  	(tag) =	ssettag $0x0;
	lr =	simm.s32 $0x1  }
0x2: {  	[smem:$0x3F7E] =	sst lr;
	_ =	strace $0xD0000000  }
0x3: {  	_ = 	snop  }
0x4: {  	_ = 	snop  }
0x5: {  	_ = 	snop  }
0x6: {  	_ = 	snop  }
0x7: {  	_ = 	snop  }
__scs_overlays_trampoline_lowered:
0x8: {  	[smem:$0x3F8D] =	sst s0  }
0x9: {  	[smem:$0x3F8E] =	sst s1  }
0xa: {  	[smem:$0x3F8F] =	sst s2  }
0xb: {  	[smem:$0x3F90] =	sst s3  }
0xc: {  	[smem:$0x3F91] =	sst s4  }
0xd: {  	[smem:$0x3F92] =	sst s5  }
0xe: {  	[smem:$0x3F93] =	sst s6  }
0xf: {  	[smem:$0x3F94] =	sst s7  }
0x10: {  	[smem:$0x3F95] =	sst s8  }
0x11: {  	[smem:$0x3F96] =	sst s9;
	s0 =	simm.s32 @!p0 $0x0  }
0x12: {  	s1 =	sld [smem:$0x3F7C];
	s0 =	simm.s32 @p0 $0x1  }
0x13: {  	[smem:$0x3F97] =	sst s0;
	s0 =	simm.s32 @!p1 $0x0  }
0x14: {  	s2 =	sld [smem:$0x3F7B];
	s0 =	simm.s32 @p1 $0x1  }
0x15: {  	[smem:$0x3F98] =	sst s0;
	s0 =	simm.s32 @!p2 $0x0  }
0x16: {  	s3 =	sld [smem:$0x3FDB];
	s0 =	simm.s32 @p2 $0x1  }
0x17: {  	s4 =	simm.s32 $0x1BF5;
	[smem:$0x3F9A] =	sst s0  }
0x18: {  	s0 =	sld [smem:$0x3F7D];
	_ =	swait.ge [sflag:s4], $0x0  }
0x19: {  	s7 =	sld [smem:$0x3F7E]  }
0x1a: {  	s8 =	sadd.s32 $0xFFFFE003, lr  }
0x1b: {  	s9 =	sadd.s32 $0xFFFFFEF7, lr;
	s5 =	simm.s32 $0xFFFFFFFF;
	p2 =	slt.u32 s8, $0xFFFFF086  }
0x1c: {  	p1 =	slt.u32 s9, $0xF7A;
	s5 =	simm.s32 @!p2 $0x0  }
0x1d: {  	s5 =	simm.s32 @p1 $0x1;
	p0 =	seq.s32 s7, s2  }
0x1e: {  	s7 =	smul.u32 @!p0 $0xF7A, s2;
	p2 =	seq.s32 @!p0 s5, $0x0  }
0x1f: {  	s9 =	smul.u32 $0xF7A, s1;
	s8 =	simm.s32 @!p0 $0x1BF5;
	p2 =	por !p2, p0  }
0x20: {  	[sflag:s8] =	ssyncset.s32 @!p0 $0xFFFFF086;
	s6 =	sadd.s32 @!p0 s3, s7;
	s7 =	simm.s32 @!p0 $0x108  }
0x21: {  	s3 =	sadd.s32 s3, s9;
	s6 =	sadd.s32 @!p0 $0x88, s6;
	s7 =	simm.s32 @p2 $0x1082  }
0x22: {  	[simem:s7], [sflag:s8] =	dma.local @!p0 [hbm:s6], $0xF7A  }
0x23: {  	s9 =	sor.u32 $0xD0000000, s2;
	s6 =	simm.s32 $0x108;
	_ =	swait.ge @!p0 [sflag:s8], $0x0  }
0x24: {  	s3 =	sadd.s32 $0x88, s3;
	s6 =	simm.s32 @!p1 $0x1082;
	[sflag:s4] =	ssyncset.s32 $0xFFFFF086  }
0x25: {  	[simem:s6], [sflag:s4] =	dma.local [hbm:s3], $0xF7A  }
0x26: {  	[smem:$0x3F7E] =	sst s1;
	(tag) =	ssettag s2;
	_ =	strace s9  }
0x27: {  	s1 =	sld [smem:$0x3F8E]  }
0x28: {  	s2 =	sld [smem:$0x3F8F]  }
0x29: {  	s4 =	sld [smem:$0x3F91]  }
0x2a: {  	p0 =	seq.s32 s5, $0x0;
	s5 =	sld [smem:$0x3F92]  }
0x2b: {  	s6 =	sld [smem:$0x3F93]  }
0x2c: {  	s7 =	sld [smem:$0x3F94]  }
0x2d: {  	s3 =	simm.s32 $0x108;
	s8 =	sld [smem:$0x3F95]  }
0x2e: {  	s3 =	simm.s32 @!p0 $0x1082;
	s9 =	sld [smem:$0x3F96]  }
0x2f: {  	lr =	sadd.s32 s0, s3;
	s0 =	sld [smem:$0x3F8D]  }
0x30: {  	s3 =	sld [smem:$0x3F90]  }
0x31: {  	[smem:$0x3F99] =	sst s10  }
0x32: {  	s10 =	sld [smem:$0x3F97];
	_ =	sdelay $0x3  }
0x33: {  	p0 =	seq.s32 s10, $0x1;
	s10 =	sld [smem:$0x3F99];
	_ =	sdelay $0x3  }
0x34: {  	[smem:$0x3F99] =	sst s10  }
0x35: {  	s10 =	sld [smem:$0x3F98];
	_ =	sdelay $0x3  }
0x36: {  	p1 =	seq.s32 s10, $0x1;
	s10 =	sld [smem:$0x3F99];
	_ =	sdelay $0x3  }
0x37: {  	[smem:$0x3F99] =	sst s10  }
0x38: {  	s10 =	sld [smem:$0x3F9A]  }
0x39: {  	_ = 	snop;
	(pc) =	sbr.ind lr, $3  }
0x3a: {  	_ = 	snop  }
0x3b: {  	_ = 	snop  }
0x3c: {  	p2 =	seq.s32 s10, $0x1;
	s10 =	sld [smem:$0x3F99]  }
0x3d: {  	_ =	shalt  }
0x3e: {  	_ =	shalt  }
0x3f: {  	_ =	shalt  }
0x40: {  	_ =	shalt  }
0x41: {  	_ =	shalt  }
0x42: {  	_ =	shalt  }
0x43: {  	_ =	shalt  }
0x44: {  	_ =	shalt  }
0x45: {  	_ =	shalt  }
0x46: {  	_ =	shalt  }
0x47: {  	_ =	shalt  }
0x48: {  	_ =	shalt  }
0x49: {  	_ =	shalt  }
0x4a: {  	_ =	shalt  }
0x4b: {  	_ =	shalt  }
0x4c: {  	_ =	shalt  }
0x4d: {  	_ =	shalt  }
0x4e: {  	_ =	shalt  }
0x4f: {  	_ =	shalt  }
0x50: {  	_ =	shalt  }
0x51: {  	_ =	shalt  }
0x52: {  	_ =	shalt  }
0x53: {  	_ =	shalt  }
0x54: {  	_ =	shalt  }
0x55: {  	_ =	shalt  }
0x56: {  	_ =	shalt  }
0x57: {  	_ =	shalt  }
0x58: {  	_ =	shalt  }
0x59: {  	_ =	shalt  }
0x5a: {  	_ =	shalt  }
0x5b: {  	_ =	shalt  }
0x5c: {  	_ =	shalt  }
0x5d: {  	_ =	shalt  }
0x5e: {  	_ =	shalt  }
0x5f: {  	_ =	shalt  }
0x60: {  	_ =	shalt  }
0x61: {  	_ =	shalt  }
0x62: {  	_ =	shalt  }
0x63: {  	_ =	shalt  }
0x64: {  	_ =	shalt  }
0x65: {  	_ =	shalt  }
0x66: {  	_ =	shalt  }
0x67: {  	_ =	shalt  }
0x68: {  	_ =	shalt  }
0x69: {  	_ =	shalt  }
0x6a: {  	_ =	shalt  }
0x6b: {  	_ =	shalt  }
0x6c: {  	_ =	shalt  }
0x6d: {  	_ =	shalt  }
0x6e: {  	_ =	shalt  }
0x6f: {  	_ =	shalt  }
0x70: {  	_ =	shalt  }
0x71: {  	_ =	shalt  }
0x72: {  	_ =	shalt  }
0x73: {  	_ =	shalt  }
0x74: {  	_ =	shalt  }
0x75: {  	_ =	shalt  }
0x76: {  	_ =	shalt  }
0x77: {  	_ =	shalt  }
0x78: {  	_ =	shalt  }
0x79: {  	_ =	shalt  }
0x7a: {  	_ =	shalt  }
0x7b: {  	_ =	shalt  }
0x7c: {  	_ =	shalt  }
0x7d: {  	_ =	shalt  }
0x7e: {  	_ =	shalt  }
0x7f: {  	_ =	shalt  }
0x80: {  	_ =	shalt  }
0x81: {  	_ =	shalt  }
0x82: {  	_ =	shalt  }
0x83: {  	_ =	shalt  }
0x84: {  	_ =	shalt  }
0x85: {  	_ =	shalt  }
0x86: {  	_ =	shalt  }
0x87: {  	_ =	shalt  }
.Lfunc_end0:
.L_simem_size_0:
called_computation.3_lowered:
.L_overlay_start_0:
0x88: {  	s2 =	sld [smem:$0x3FD9]  }
0x89: {  	s3 =	sld [smem:$0x3FFE];
	_ =	sdelay $0x1  }
0x8a: {  	s1 =	srdreg.scid  }
0x8b: {  	s0 =	sand.u32 $0x1, s1  }
0x8c: {  	s16 =	sshll.u32 s0, $0xA;
	s2 =	sadd.s32 s3, s2  }
0x8d: {  	s2 =	sadd.s32 s2, s16  }
0x8e: {  	[smem:$0x3FA5] =	sst s2  }
0x8f: {  	_ = 	snop  }
0x90: {  	(tm) =	ssettm $0x1  }
0x91: {  	s17 =	sld [smem:$0x3FFB];
	_ =	sdelay $0x3  }
0x92: {  	_ =	strace s17  }
0x93: {  	s2 =	sld [smem:$0x3FFC];
	_ =	sdelay $0x3  }
0x94: {  	_ =	strace s2  }
0x95: {  	s2 =	sld [smem:$0x3FFD];
	_ =	sdelay $0x3  }
0x96: {  	_ =	strace s2  }
0x97: {  	_ =	strace $0x8FFFFFFF  }
0x98: {  	s18 =	sld [smem:$0x3FDB];
	_ =	sdelay $0x1  }
0x99: {  	s19 =	simm.s32 $_scs_section_size  }
0x9a: {  	s4 =	simm.s32 $_size__tile_overlayer_lowered;
	s5 =	simm.s32 $_tile_overlayer_lowered  }
0x9b: {  	s22 =	simm.s32 $0x1BFF;
	s21 =	sshll.u32 s5, $0x1;
	s2 =	sadd.s32 s19, s18  }
0x9c: {  	s6 =	simm.s32 $0x0;
	s20 =	sshll.u32 s4, $0x1;
	s4 =	sadd.s32 s21, s2  }
0x9d: {  	[timem:s6], [sflag:s22] =	dma.local [hbm:s4], s20  }
0x9e: {  	_ =	swait.ge [sflag:s22], s20  }
0x9f: {  	s3 =	ssub.s32 $0x0, s20;
	[sflag:s22] =	ssyncset.done $0x0  }
0xa0: {  	[sflag:s22] =	ssyncadd.s32 s3;
	_ =	sdelay $0x1  }
0xa1: {  	s23 =	simm.s32 $0x1B8B  }
0xa2: {  	_ =	swait.ge [sflag:s23], $0x1  }
0xa3: {  	[sflag:s23] =	ssyncset.done $0x0  }
0xa4: {  	s25 =	simm.s32 $0x1B8E;
	s24 =	sld [smem:$0x3FFE];
	[sflag:s23] =	ssyncadd.s32 $0xFFFFFFFF  }
0xa5: {  	s26 =	simm.s32 $execute0_lowered;
	[smem:$0x3FD2] =	sst s25  }
0xa6: {  	s4 =	sshll.u32 s26, $0x1;
	_ =	strace $0x8000004F;
	[dreg:$0x1] =	wrdreg $0xFFFFFFFF  }
0xa7: {  	s28 =	simm.s32 $_size_execute0_lowered;
	s2 =	sadd.s32 s2, s4;
	[dreg:$0x0] =	wrdreg $0x0  }
0xa8: {  	s4 =	sshll.u32 s28, $0x1;
	[dreg:$0x2] =	wrdreg s2  }
0xa9: {  	[dreg:$0x3] =	wrdreg s4  }
0xaa: {  	[dreg:$0x4] =	wrdreg $0xC0  }
0xab: {  	_ =	task [dreg:s6], $0x5FFFF  }
0xac: {  	[dreg:$0x1] =	wrdreg $0xFFFFFFFF  }
0xad: {  	[dreg:$0x0] =	wrdreg $0x60  }
0xae: {  	[dreg:$0x2] =	wrdreg s24  }
0xaf: {  	[dreg:$0x3] =	wrdreg $0x40800  }
0xb0: {  	[dreg:$0x4] =	wrdreg $0x9  }
0xb1: {  	_ =	task.clear_ibuf [dreg:s6], $0x5FFFF;
	_ =	strace $0x9000004F  }
0xb2: {  	s29 =	simm.s32 $0x9;
	_ =	strace $0x80000051  }
0xb3: {  	_ =	swait.ge [sflag:s29], $0x1  }
0xb4: {  	[sflag:s29] =	ssyncadd.s32 $0xFFFFFFFF  }
0xb5: {  	_ =	strace $0x90000051  }
0xb6: {  	_ =	sfence  }
0xb7: {  	s30 =	sld [smem:$0x0];
	_ =	sdelay $0x2  }
0xb8: {  	s31 =	sshll.u32 s1, $0xD;
	s1 =	sshrl.u32 s1, $0x2  }
0xb9: {  	s3 =	sand.u32 $0x4000, s31;
	s1 =	sadd.s32 s1, s30  }
0xba: {  	s0 =	sor.u32 s3, s0;
	s1 =	sshll.u32 s1, $0x11  }
0xbb: {  	s0 =	sor.u32 s1, s0  }
0xbc: {  	s0 =	sadd.s32 $0x8F2B, s0  }
0xbd: {  	[sflag:s0] =	ssyncadd.remote.s32 $0x1  }
0xbe: {  	_ =	sfence.sel $0xFFFF  }
0xbf: {  	[dreg:$0x0] =	wrdreg $0xFFFFFFFF;
	(pc) =	sbr.abs _section_cstart, $3  }
0xc0: {  	[dreg:$0x1] =	wrdreg $0xFFFFFFFF  }
0xc1: {  	_ =	task.clear_ibuf [dreg:s6], $0x2FFFF;
	_ =	strace $0x9FFFFFFF  }
0xc2: {  	(tm) =	ssettm $0x7FFFFFFF  }
0xc3: {  	_ =	shalt  }
tec
execute0_lowered:
.L_overlay_start_1:
0x0: {  	(tag) =	ssettag $0x1  }
0x1: {  	s10 =	rddreg [dreg:$0x0]  }
0x2: {  	s2 =	rddreg [dreg:$0x1]  }
0x3: {  	s0 =	rddreg [dreg:$0x2]  }
0x4: {  	s3 =	simm.s32 $0x0;
	s1 =	stileid.u32;
	s5 =	srdreg.scid  }
0x5: {  	s15 =	simm.s32 $0x1E06800;
	[smem:$0x7FF] =	sst s3;
	s6 =	smul.u32 $0x13800, s1  }
0x6: {  	s4 =	sshll.u32 s1, $0x4;
	s7 =	sand.u32 $0x1, s5;
	s8 =	smul.u32 $0x4E000, s1  }
0x7: {  	s9 =	sadd.s32 $0x44E00, s10;
	s28 =	sshll.u32 s1, $0x6;
	s14 =	sadd.s32 $0x138000, s2  }
0x8: {  	s31 =	sshll.u32 s1, $0xB;
	_ =	strace $0x80000050;
	s11 =	sadd.s32 s4, s10  }
0x9: {  	s5 =	ssub.s32 $0x2, s7;
	s26 =	smul.u32 $0x138800, s7;
	p0 =	seq.s32 s7, $0x1  }
0xa: {  	s7 =	sadd.s32 $0x44C00, s10;
	s24 =	sshrl.u32 s6, $0x3;
	s12 =	sshrl.u32 s5, $0x1  }
0xb: {  	s25 =	sshrl.u32 s8, $0x2;
	s15 =	simm.s32 @!p0 $0x1924800;
	p0 =	sne.s32 s1, $0xF  }
0xc: {  	s4 =	sadd.s32 s24, s10;
	s12 =	ssub.s32 s5, s12;
	s13 =	sadd.s32 s25, s2  }
0xd: {  	s5 =	sor.u32 $0x1C01, s28;
	s6 =	sadd.s32 s6, s26;
	s29 =	sshrl.u32 s26, $0x3  }
0xe: {  	s30 =	sadd.s32 s15, s10;
	s10 =	sadd.s32 $0x13E00, s11;
	s14 =	sshrl.u32 @!p0 s14, $0x3  }
0xf: {  	s4 =	sadd.s32 $0x1DC00, s4;
	s6 =	sshrl.u32 s6, $0x3;
	s8 =	sadd.s32 s9, s29  }
0x10: {  	s11 =	sadd.s32 s31, s30;
	s6 =	sadd.s32 s9, s6;
	s8 =	sadd.s32 $0x27000, s8  }
0x11: {  	s9 =	smax.u32 s12, $0x1;
	s12 =	sshrl.u32 s13, $0x3;
	s13 =	simm.s32 $0x1  }
.LBB2_1:
0x12: {  	[spmem:s12], [sflag:s5] =	dma.local [hbm:s4], $0x2700  }
0x13: {  	_ =	swait.ge [sflag:s13], $0x2700  }
0x14: {  	[sflag:s13] =	ssyncset.done $0x0  }
0x15: {  	s15 =	simm.s32 @!p0 $0x1;
	[sflag:s13] =	ssyncadd.s32 $0xFFFFD900  }
0x16: {  	[spmem:s14], [sflag:s5] =	dma.local @!p0 [hbm:s7], $0x100  }
0x17: {  	_ =	swait.ge @!p0 [sflag:s15], $0x100  }
0x18: {  	s16 =	sadd.s32 $0x0, s1;
	[sflag:s15] =	ssyncset.done @!p0 $0x0  }
0x19: {  	p1 =	sgt.u32 s16, $0x9C3;
	[sflag:s15] =	ssyncadd.s32 @!p0 $0xFFFFFF00  }
0x1a: {  	s17 =	simm.s32 @!p1 $0x2;
	s15 =	simm.s32 @!p1 $0x0;
	[bflag:$0x0] =	sbarrier.arrive $0xFFFF  }
0x1b: {  	[tilespmem:s15], [sflag:$0x2] =	stream.linear.gather @!p1 [hbm4b:s10+s15], $0x80, $0x38;
	[tilespmem:$0x17900] =	vst v63  }
0x1c: {  	_ =	swait.ge @!p1 [sflag:s17], $0x80  }
0x1d: {  	[sflag:s17] =	ssyncset.done @!p1 $0x0;
	p1 =	por p1, p1  }
0x1e: {  	[sflag:s17] =	ssyncadd.s32 @!p1 $0xFFFFFF80;
	s19 =	simm.s32 @!p1 $0x80  }
0x1f: {  	[tilespmem:s19], [sflag:$0x2] =	stream.linear.gather @!p1 [hbm4b:s11+s15], $0x4000, $0x38;
	[tilespmem:$0x17900] =	vst v63  }
0x20: {  	_ =	swait.ge @!p1 [sflag:s17], $0x4000  }
0x21: {  	[sflag:s17] =	ssyncset.done @!p1 $0x0  }
0x22: {  	s31 =	sadd.s32 $0x10, s1;
	s18 =	simm.s32 @!p1 $0x1;
	[sflag:s17] =	ssyncadd.s32 @!p1 $0xFFFFC000  }
0x23: {  	[spmem:s2] =	stream.indirect.scatter.add.f32 @!p1 [tilespmem:s19], [sflag:$0x1], $0x80, s15, s19, $0xb8;
	[tilespmem:$0x17900] =	vst v63  }
0x24: {  	s16 =	simm.s32 $0x20;
	p2 =	sgt.u32 s31, $0x9C3;
	_ =	swait.ge @!p1 [sflag:s18], $0x4000  }
0x25: {  	s17 =	sadd.s32 $0x100, s10;
	s15 =	sadd.s32 $0x8000, s11;
	[sflag:s18] =	ssyncset.done @!p1 $0x0  }
.LBB2_2:
0x26: {  	s19 =	simm.s32 @!p2 $0x0;
	s20 =	simm.s32 @!p2 $0x2;
	[sflag:s18] =	ssyncadd.s32 @!p1 $0xFFFFC000  }
0x27: {  	[tilespmem:s19], [sflag:$0x2] =	stream.linear.gather @!p2 [hbm4b:s17+s19], $0x80, $0x38;
	[tilespmem:$0x17900] =	vst v63  }
0x28: {  	s21 =	smov.u32 s16;
	s16 =	sadd.s32 $0x10, s16;
	_ =	swait.ge @!p2 [sflag:s20], $0x80  }
0x29: {  	p1 =	por p2, p2;
	p3 =	sne.s32 s16, $0x9D0;
	[sflag:s20] =	ssyncset.done @!p2 $0x0  }
0x2a: {  	s22 =	simm.s32 @!p1 $0x80;
	[sflag:s20] =	ssyncadd.s32 @!p1 $0xFFFFFF80  }
0x2b: {  	[tilespmem:s22], [sflag:$0x2] =	stream.linear.gather @!p1 [hbm4b:s15+s19], $0x4000, $0x38;
	[tilespmem:$0x17900] =	vst v63  }
0x2c: {  	_ =	swait.ge @!p1 [sflag:s20], $0x4000  }
.Ltmp0:
0x2d: {  	[sflag:s20] =	ssyncset.done @!p1 $0x0;
	(pc) =	sbr.rel @p3 .LBB2_2-.Ltmp0, $4  }
0x2e: {  	s18 =	simm.s32 @!p1 $0x1;
	[sflag:s20] =	ssyncadd.s32 @!p1 $0xFFFFC000  }
0x2f: {  	[spmem:s2] =	stream.indirect.scatter.add.f32 @!p1 [tilespmem:s22], [sflag:$0x1], $0x80, s19, s22, $0xb8;
	[tilespmem:$0x17900] =	vst v63  }
0x30: {  	s15 =	sadd.s32 $0x8000, s15;
	s19 =	sadd.s32 s21, s1;
	_ =	swait.ge @!p1 [sflag:s18], $0x4000  }
0x31: {  	s17 =	sadd.s32 $0x100, s17;
	p2 =	sgt.u32 s19, $0x9C3;
	[sflag:s18] =	ssyncset.done @!p1 $0x0  }
0x32: {  	s16 =	simm.s32 @!p2 $0x0;
	s19 =	simm.s32 @!p2 $0x2;
	[sflag:s18] =	ssyncadd.s32 @!p1 $0xFFFFC000  }
0x33: {  	[tilespmem:s16], [sflag:$0x2] =	stream.linear.gather @!p2 [hbm4b:s17+s16], $0x80, $0x38;
	[tilespmem:$0x17900] =	vst v63  }
0x34: {  	_ =	swait.ge @!p2 [sflag:s19], $0x80  }
0x35: {  	p1 =	por p2, p2;
	[sflag:s19] =	ssyncset.done @!p2 $0x0  }
0x36: {  	s17 =	simm.s32 @!p1 $0x80;
	[sflag:s19] =	ssyncadd.s32 @!p1 $0xFFFFFF80  }
0x37: {  	[tilespmem:s17], [sflag:$0x2] =	stream.linear.gather @!p1 [hbm4b:s15+s16], $0x4000, $0x38;
	[tilespmem:$0x17900] =	vst v63  }
0x38: {  	_ =	swait.ge @!p1 [sflag:s19], $0x4000  }
0x39: {  	[sflag:s19] =	ssyncset.done @!p1 $0x0  }
0x3a: {  	s15 =	simm.s32 @!p1 $0x1;
	[sflag:s19] =	ssyncadd.s32 @!p1 $0xFFFFC000  }
0x3b: {  	[spmem:s2] =	stream.indirect.scatter.add.f32 @!p1 [tilespmem:s17], [sflag:$0x1], $0x80, s16, s17, $0xb8;
	[tilespmem:$0x17900] =	vst v63  }
0x3c: {  	_ =	swait.ge @!p1 [sflag:s15], $0x4000  }
0x3d: {  	[sflag:s15] =	ssyncset.done @!p1 $0x0  }
0x3e: {  	[sflag:s15] =	ssyncadd.s32 @!p1 $0xFFFFC000  }
0x3f: {  	[bflag:$0x0] =	sbarrier.arrive $0xFFFF  }
0x40: {  	[hbm:s6], [sflag:s5] =	dma.local [spmem:s12], $0x2700  }
0x41: {  	s3 =	sadd.s32 $0x1, s3;
	_ =	swait.ge [sflag:s13], $0x2700  }
0x42: {  	p1 =	sne.s32 s3, s9;
	[sflag:s13] =	ssyncset.done $0x0  }
.Ltmp1:
0x43: {  	s15 =	simm.s32 @!p0 $0x1;
	[sflag:s13] =	ssyncadd.s32 $0xFFFFD900;
	(pc) =	sbr.rel @p1 .LBB2_1-.Ltmp1, $4  }
0x44: {  	[hbm:s8], [sflag:s5] =	dma.local @!p0 [spmem:s14], $0x100  }
0x45: {  	_ =	swait.ge @!p0 [sflag:s15], $0x100  }
0x46: {  	[sflag:s15] =	ssyncset.done @!p0 $0x0  }
0x47: {  	[sflag:s15] =	ssyncadd.s32 @!p0 $0xFFFFFF00  }
0x48: {  	_ =	sfence.sel $0x180000  }
0x49: {  	[bflag:$0x0] =	sbarrier.arrive $0xFFFF  }
0x4a: {  	p0 =	sne.s32 s1, $0x0;
	_ =	strace $0x90000050  }
0x4b: {  	s0 =	sadd.s32 @!p0 $0x100000, s0;
	[bflag:$0x2] =	sbarrier.arrive $0xFFFF  }
0x4c: {  	[sflag:s0] =	ssyncadd.tile.s32 @!p0 $0x1;
	_ =	shalt  }
.Lfunc_end2:
_tile_overlayer_lowered:
.L_overlay_start_2:
0x4d: {  	(tag) =	ssettag $0x2  }
0x4e: {  	s0 =	rddreg [dreg:$0x0];
	s2 =	stileid.u32  }
0x4f: {  	s1 =	rddreg [dreg:$0x1];
	p0 =	sne.s32 s2, $0x0  }
0x50: {  	s3 =	rddreg [dreg:$0x2];
	[bflag:$0x3] =	sbarrier.arrive $0xFFFF;
	s2 =	simm.s32 @!p0 $0x1C01  }
0x51: {  	[timem:s3], [sflag:s2] =	dma.local @!p0 [hbm:s0], s1  }
0x52: {  	s0 =	simm.s32 @!p0 $0x1  }
0x53: {  	_ =	swait.ge @!p0 [sflag:s0], s1  }
0x54: {  	s1 =	ssub.s32 @!p0 $0x0, s1;
	[sflag:s0] =	ssyncset.done @!p0 $0x0  }
0x55: {  	[sflag:s0] =	ssyncadd.s32 @!p0 s1  }
0x56: {  	[bflag:$0x3] =	sbarrier.arrive $0xFFFF  }
0x57: {  	_ =	shalt  }

// kernel: _run.32.cloned.1.call-start
scs
__scs_entry_jumppad:
0x0: {  	(pc) =	sbr.rel $0x88, $3  }
0x1: {  	(tag) =	ssettag $0x0;
	lr =	simm.s32 $0x1  }
0x2: {  	[smem:$0x3F7E] =	sst lr;
	_ =	strace $0xD0000000  }
0x3: {  	_ = 	snop  }
0x4: {  	_ = 	snop  }
0x5: {  	_ = 	snop  }
0x6: {  	_ = 	snop  }
0x7: {  	_ = 	snop  }
__scs_overlays_trampoline_lowered:
0x8: {  	[smem:$0x3F8D] =	sst s0  }
0x9: {  	[smem:$0x3F8E] =	sst s1  }
0xa: {  	[smem:$0x3F8F] =	sst s2  }
0xb: {  	[smem:$0x3F90] =	sst s3  }
0xc: {  	[smem:$0x3F91] =	sst s4  }
0xd: {  	[smem:$0x3F92] =	sst s5  }
0xe: {  	[smem:$0x3F93] =	sst s6  }
0xf: {  	[smem:$0x3F94] =	sst s7  }
0x10: {  	[smem:$0x3F95] =	sst s8  }
0x11: {  	[smem:$0x3F96] =	sst s9;
	s0 =	simm.s32 @!p0 $0x0  }
0x12: {  	s1 =	sld [smem:$0x3F7C];
	s0 =	simm.s32 @p0 $0x1  }
0x13: {  	[smem:$0x3F97] =	sst s0;
	s0 =	simm.s32 @!p1 $0x0  }
0x14: {  	s2 =	sld [smem:$0x3F7B];
	s0 =	simm.s32 @p1 $0x1  }
0x15: {  	[smem:$0x3F98] =	sst s0;
	s0 =	simm.s32 @!p2 $0x0  }
0x16: {  	s3 =	sld [smem:$0x3FDB];
	s0 =	simm.s32 @p2 $0x1  }
0x17: {  	s4 =	simm.s32 $0x1BF5;
	[smem:$0x3F9A] =	sst s0  }
0x18: {  	s0 =	sld [smem:$0x3F7D];
	_ =	swait.ge [sflag:s4], $0x0  }
0x19: {  	s7 =	sld [smem:$0x3F7E]  }
0x1a: {  	s8 =	sadd.s32 $0xFFFFE003, lr  }
0x1b: {  	s9 =	sadd.s32 $0xFFFFFEF7, lr;
	s5 =	simm.s32 $0xFFFFFFFF;
	p2 =	slt.u32 s8, $0xFFFFF086  }
0x1c: {  	p1 =	slt.u32 s9, $0xF7A;
	s5 =	simm.s32 @!p2 $0x0  }
0x1d: {  	s5 =	simm.s32 @p1 $0x1;
	p0 =	seq.s32 s7, s2  }
0x1e: {  	s7 =	smul.u32 @!p0 $0xF7A, s2;
	p2 =	seq.s32 @!p0 s5, $0x0  }
0x1f: {  	s9 =	smul.u32 $0xF7A, s1;
	s8 =	simm.s32 @!p0 $0x1BF5;
	p2 =	por !p2, p0  }
0x20: {  	[sflag:s8] =	ssyncset.s32 @!p0 $0xFFFFF086;
	s6 =	sadd.s32 @!p0 s3, s7;
	s7 =	simm.s32 @!p0 $0x108  }
0x21: {  	s3 =	sadd.s32 s3, s9;
	s6 =	sadd.s32 @!p0 $0x88, s6;
	s7 =	simm.s32 @p2 $0x1082  }
0x22: {  	[simem:s7], [sflag:s8] =	dma.local @!p0 [hbm:s6], $0xF7A  }
0x23: {  	s9 =	sor.u32 $0xD0000000, s2;
	s6 =	simm.s32 $0x108;
	_ =	swait.ge @!p0 [sflag:s8], $0x0  }
0x24: {  	s3 =	sadd.s32 $0x88, s3;
	s6 =	simm.s32 @!p1 $0x1082;
	[sflag:s4] =	ssyncset.s32 $0xFFFFF086  }
0x25: {  	[simem:s6], [sflag:s4] =	dma.local [hbm:s3], $0xF7A  }
0x26: {  	[smem:$0x3F7E] =	sst s1;
	(tag) =	ssettag s2;
	_ =	strace s9  }
0x27: {  	s1 =	sld [smem:$0x3F8E]  }
0x28: {  	s2 =	sld [smem:$0x3F8F]  }
0x29: {  	s4 =	sld [smem:$0x3F91]  }
0x2a: {  	p0 =	seq.s32 s5, $0x0;
	s5 =	sld [smem:$0x3F92]  }
0x2b: {  	s6 =	sld [smem:$0x3F93]  }
0x2c: {  	s7 =	sld [smem:$0x3F94]  }
0x2d: {  	s3 =	simm.s32 $0x108;
	s8 =	sld [smem:$0x3F95]  }
0x2e: {  	s3 =	simm.s32 @!p0 $0x1082;
	s9 =	sld [smem:$0x3F96]  }
0x2f: {  	lr =	sadd.s32 s0, s3;
	s0 =	sld [smem:$0x3F8D]  }
0x30: {  	s3 =	sld [smem:$0x3F90]  }
0x31: {  	[smem:$0x3F99] =	sst s10  }
0x32: {  	s10 =	sld [smem:$0x3F97];
	_ =	sdelay $0x3  }
0x33: {  	p0 =	seq.s32 s10, $0x1;
	s10 =	sld [smem:$0x3F99];
	_ =	sdelay $0x3  }
0x34: {  	[smem:$0x3F99] =	sst s10  }
0x35: {  	s10 =	sld [smem:$0x3F98];
	_ =	sdelay $0x3  }
0x36: {  	p1 =	seq.s32 s10, $0x1;
	s10 =	sld [smem:$0x3F99];
	_ =	sdelay $0x3  }
0x37: {  	[smem:$0x3F99] =	sst s10  }
0x38: {  	s10 =	sld [smem:$0x3F9A]  }
0x39: {  	_ = 	snop;
	(pc) =	sbr.ind lr, $3  }
0x3a: {  	_ = 	snop  }
0x3b: {  	_ = 	snop  }
0x3c: {  	p2 =	seq.s32 s10, $0x1;
	s10 =	sld [smem:$0x3F99]  }
0x3d: {  	_ =	shalt  }
0x3e: {  	_ =	shalt  }
0x3f: {  	_ =	shalt  }
0x40: {  	_ =	shalt  }
0x41: {  	_ =	shalt  }
0x42: {  	_ =	shalt  }
0x43: {  	_ =	shalt  }
0x44: {  	_ =	shalt  }
0x45: {  	_ =	shalt  }
0x46: {  	_ =	shalt  }
0x47: {  	_ =	shalt  }
0x48: {  	_ =	shalt  }
0x49: {  	_ =	shalt  }
0x4a: {  	_ =	shalt  }
0x4b: {  	_ =	shalt  }
0x4c: {  	_ =	shalt  }
0x4d: {  	_ =	shalt  }
0x4e: {  	_ =	shalt  }
0x4f: {  	_ =	shalt  }
0x50: {  	_ =	shalt  }
0x51: {  	_ =	shalt  }
0x52: {  	_ =	shalt  }
0x53: {  	_ =	shalt  }
0x54: {  	_ =	shalt  }
0x55: {  	_ =	shalt  }
0x56: {  	_ =	shalt  }
0x57: {  	_ =	shalt  }
0x58: {  	_ =	shalt  }
0x59: {  	_ =	shalt  }
0x5a: {  	_ =	shalt  }
0x5b: {  	_ =	shalt  }
0x5c: {  	_ =	shalt  }
0x5d: {  	_ =	shalt  }
0x5e: {  	_ =	shalt  }
0x5f: {  	_ =	shalt  }
0x60: {  	_ =	shalt  }
0x61: {  	_ =	shalt  }
0x62: {  	_ =	shalt  }
0x63: {  	_ =	shalt  }
0x64: {  	_ =	shalt  }
0x65: {  	_ =	shalt  }
0x66: {  	_ =	shalt  }
0x67: {  	_ =	shalt  }
0x68: {  	_ =	shalt  }
0x69: {  	_ =	shalt  }
0x6a: {  	_ =	shalt  }
0x6b: {  	_ =	shalt  }
0x6c: {  	_ =	shalt  }
0x6d: {  	_ =	shalt  }
0x6e: {  	_ =	shalt  }
0x6f: {  	_ =	shalt  }
0x70: {  	_ =	shalt  }
0x71: {  	_ =	shalt  }
0x72: {  	_ =	shalt  }
0x73: {  	_ =	shalt  }
0x74: {  	_ =	shalt  }
0x75: {  	_ =	shalt  }
0x76: {  	_ =	shalt  }
0x77: {  	_ =	shalt  }
0x78: {  	_ =	shalt  }
0x79: {  	_ =	shalt  }
0x7a: {  	_ =	shalt  }
0x7b: {  	_ =	shalt  }
0x7c: {  	_ =	shalt  }
0x7d: {  	_ =	shalt  }
0x7e: {  	_ =	shalt  }
0x7f: {  	_ =	shalt  }
0x80: {  	_ =	shalt  }
0x81: {  	_ =	shalt  }
0x82: {  	_ =	shalt  }
0x83: {  	_ =	shalt  }
0x84: {  	_ =	shalt  }
0x85: {  	_ =	shalt  }
0x86: {  	_ =	shalt  }
0x87: {  	_ =	shalt  }
.Lfunc_end0:
.L_simem_size_0:
called_computation.4_lowered:
.L_overlay_start_0:
0x88: {  	s2 =	sld [smem:$0x3FD9]  }
0x89: {  	s3 =	sld [smem:$0x3FFE];
	_ =	sdelay $0x1  }
0x8a: {  	s1 =	srdreg.scid  }
0x8b: {  	s0 =	sand.u32 $0x1, s1  }
0x8c: {  	s16 =	sshll.u32 s0, $0xA;
	s2 =	sadd.s32 s3, s2  }
0x8d: {  	s2 =	sadd.s32 s2, s16  }
0x8e: {  	[smem:$0x3FA5] =	sst s2  }
0x8f: {  	_ = 	snop  }
0x90: {  	(tm) =	ssettm $0x1  }
0x91: {  	s17 =	sld [smem:$0x3FFB];
	_ =	sdelay $0x3  }
0x92: {  	_ =	strace s17  }
0x93: {  	s2 =	sld [smem:$0x3FFC];
	_ =	sdelay $0x3  }
0x94: {  	_ =	strace s2  }
0x95: {  	s2 =	sld [smem:$0x3FFD];
	_ =	sdelay $0x3  }
0x96: {  	_ =	strace s2  }
0x97: {  	_ =	strace $0x8FFFFFFF  }
0x98: {  	s18 =	sld [smem:$0x3FDB];
	_ =	sdelay $0x1  }
0x99: {  	s19 =	simm.s32 $_scs_section_size  }
0x9a: {  	s4 =	simm.s32 $_size__tile_overlayer_lowered;
	s5 =	simm.s32 $_tile_overlayer_lowered  }
0x9b: {  	s22 =	simm.s32 $0x1BFF;
	s21 =	sshll.u32 s5, $0x1;
	s2 =	sadd.s32 s19, s18  }
0x9c: {  	s6 =	simm.s32 $0x0;
	s20 =	sshll.u32 s4, $0x1;
	s4 =	sadd.s32 s21, s2  }
0x9d: {  	[timem:s6], [sflag:s22] =	dma.local [hbm:s4], s20  }
0x9e: {  	_ =	swait.ge [sflag:s22], s20  }
0x9f: {  	s3 =	ssub.s32 $0x0, s20;
	[sflag:s22] =	ssyncset.done $0x0  }
0xa0: {  	[sflag:s22] =	ssyncadd.s32 s3;
	_ =	sdelay $0x1  }
0xa1: {  	s23 =	simm.s32 $0x1B8B  }
0xa2: {  	_ =	swait.ge [sflag:s23], $0x1  }
0xa3: {  	[sflag:s23] =	ssyncset.done $0x0  }
0xa4: {  	s25 =	simm.s32 $0x1B8E;
	s24 =	sld [smem:$0x3FFE];
	[sflag:s23] =	ssyncadd.s32 $0xFFFFFFFF  }
0xa5: {  	s26 =	simm.s32 $execute0_lowered;
	[smem:$0x3FD2] =	sst s25  }
0xa6: {  	s4 =	sshll.u32 s26, $0x1;
	_ =	strace $0x80000052;
	[dreg:$0x1] =	wrdreg $0xFFFFFFFF  }
0xa7: {  	s28 =	simm.s32 $_size_execute0_lowered;
	s2 =	sadd.s32 s2, s4;
	[dreg:$0x0] =	wrdreg $0x0  }
0xa8: {  	s4 =	sshll.u32 s28, $0x1;
	[dreg:$0x2] =	wrdreg s2  }
0xa9: {  	[dreg:$0x3] =	wrdreg s4  }
0xaa: {  	[dreg:$0x4] =	wrdreg $0xC0  }
0xab: {  	_ =	task [dreg:s6], $0x5FFFF  }
0xac: {  	[dreg:$0x1] =	wrdreg $0xFFFFFFFF  }
0xad: {  	[dreg:$0x0] =	wrdreg $0x60  }
0xae: {  	[dreg:$0x2] =	wrdreg s24  }
0xaf: {  	[dreg:$0x3] =	wrdreg $0x9  }
0xb0: {  	_ =	task.clear_ibuf [dreg:s6], $0x4FFFF;
	_ =	strace $0x90000052  }
0xb1: {  	s29 =	simm.s32 $0x9;
	_ =	strace $0x80000054  }
0xb2: {  	_ =	swait.ge [sflag:s29], $0x1  }
0xb3: {  	[sflag:s29] =	ssyncadd.s32 $0xFFFFFFFF  }
0xb4: {  	_ =	strace $0x90000054  }
0xb5: {  	_ =	sfence  }
0xb6: {  	s30 =	sld [smem:$0x0];
	_ =	sdelay $0x2  }
0xb7: {  	s31 =	sshll.u32 s1, $0xD;
	s1 =	sshrl.u32 s1, $0x2  }
0xb8: {  	s3 =	sand.u32 $0x4000, s31;
	s1 =	sadd.s32 s1, s30  }
0xb9: {  	s0 =	sor.u32 s3, s0;
	s1 =	sshll.u32 s1, $0x11  }
0xba: {  	s0 =	sor.u32 s1, s0  }
0xbb: {  	s0 =	sadd.s32 $0x8F2B, s0  }
0xbc: {  	[sflag:s0] =	ssyncadd.remote.s32 $0x1  }
0xbd: {  	_ =	sfence.sel $0xFFFF  }
0xbe: {  	[dreg:$0x0] =	wrdreg $0xFFFFFFFF;
	(pc) =	sbr.abs _section_cstart, $3  }
0xbf: {  	[dreg:$0x1] =	wrdreg $0xFFFFFFFF  }
0xc0: {  	_ =	task.clear_ibuf [dreg:s6], $0x2FFFF;
	_ =	strace $0x9FFFFFFF  }
0xc1: {  	(tm) =	ssettm $0x7FFFFFFF  }
tec
execute0_lowered:
.L_overlay_start_1:
0x0: {  	(tag) =	ssettag $0x1  }
0x1: {  	s6 =	rddreg [dreg:$0x0]  }
0x2: {  	s0 =	rddreg [dreg:$0x1]  }
0x3: {  	s1 =	simm.s32 $0x0;
	s7 =	srdreg.scid;
	s2 =	stileid.u32  }
0x4: {  	[smem:$0x7FF] =	sst s1;
	s3 =	sadd.s32 $0x44E00, s6;
	s4 =	sadd.s32 $0x93200, s6  }
0x5: {  	s5 =	sadd.s32 $0x6C000, s6;
	s7 =	sand.u32 $0x1, s7;
	s8 =	sshll.u32 s2, $0x5  }
0x6: {  	s9 =	sshll.u32 s2, $0xC;
	_ =	strace $0x80000053;
	s10 =	ssub.s32 $0x2, s7  }
0x7: {  	s8 =	sadd.s32 s8, s6;
	s9 =	sadd.s32 s9, s6;
	s11 =	sshll.u32 s7, $0x4  }
0x8: {  	s7 =	sshll.u32 s7, $0xB;
	s6 =	sshll.u32 s2, $0x1;
	s31 =	sshrl.u32 s10, $0x1  }
0x9: {  	s11 =	sadd.s32 s11, s8;
	s12 =	sadd.s32 s7, s9;
	s10 =	ssub.s32 s10, s31  }
0xa: {  	s8 =	sadd.s32 $0x13E00, s11;
	s9 =	sadd.s32 $0x1442800, s12;
	s7 =	smax.u32 s10, $0x1  }
0xb: {  	s10 =	sadd.s32 $0xA000, s11;
	s11 =	sadd.s32 $0x5C3600, s12;
	s12 =	sadd.s32 $0xE1600, s12  }
.LBB2_1:
0xc: {  	p0 =	sgt.u32 s6, $0x9C3  }
0xd: {  	s13 =	simm.s32 @!p0 $0x0;
	s14 =	simm.s32 @!p0 $0x3  }
0xe: {  	[tilespmem:s13], [sflag:$0x3] =	stream.linear.gather @!p0 [hbm4b:s10+s13], $0x80, $0x38;
	[tilespmem:$0xC100] =	vst v63  }
0xf: {  	_ =	swait.ge @!p0 [sflag:s14], $0x80  }
0x10: {  	[sflag:s14] =	ssyncset.done @!p0 $0x0;
	p0 =	por p0, p0  }
0x11: {  	[sflag:s14] =	ssyncadd.s32 @!p0 $0xFFFFFF80;
	s15 =	simm.s32 @!p0 $0x80  }
0x12: {  	[tilespmem:s15], [sflag:$0x3] =	stream.linear.gather @!p0 [hbm4b:s8+s13], $0x80, $0x38;
	[tilespmem:$0xC100] =	vst v63  }
0x13: {  	_ =	swait.ge @!p0 [sflag:s14], $0x80  }
0x14: {  	[sflag:s14] =	ssyncset.done @!p0 $0x0  }
0x15: {  	[sflag:s14] =	ssyncadd.s32 @!p0 $0xFFFFFF80;
	s14 =	simm.s32 @!p0 $0x100  }
0x16: {  	[tilespmem:s14], [sflag:$0x1] =	stream.indirect.gather @!p0 [hbm4b:s3+s15], $0x80, s13, s15, $0xb8;
	[tilespmem:$0xC100] =	vst v63  }
0x17: {  	s16 =	simm.s32 @!p0 $0x4100  }
0x18: {  	[tilespmem:s16], [sflag:$0x1] =	stream.indirect.gather @!p0 [hbm4b:s4+s15], $0x80, s13, s15, $0xb8;
	[tilespmem:$0xC100] =	vst v63  }
0x19: {  	s17 =	simm.s32 @!p0 $0x8100;
	s18 =	simm.s32 @!p0 $0x1  }
0x1a: {  	[tilespmem:s17], [sflag:$0x1] =	stream.indirect.gather @!p0 [hbm4b:s5+s15], $0x80, s15, s15, $0xb8;
	[tilespmem:$0xC100] =	vst v63  }
0x1b: {  	_ =	swait.ge @!p0 [sflag:s18], $0x4000  }
0x1c: {  	[sflag:s18] =	ssyncset.done @!p0 $0x0  }
0x1d: {  	s15 =	sadd.s32 @!p0 $0x0, s12;
	[sflag:s18] =	ssyncadd.s32 @!p0 $0xFFFFC000  }
0x1e: {  	[hbm4b:s15+s13] =	stream.linear.scatter @!p0 [tilespmem:s14], [sflag:$0x2], $0x4000, $0x38;
	[tilespmem:$0xC100] =	vst v63  }
0x1f: {  	_ =	swait.ge @!p0 [sflag:s18], $0x4000  }
0x20: {  	[sflag:s18] =	ssyncset.done @!p0 $0x0  }
0x21: {  	s14 =	sadd.s32 @!p0 $0x0, s11;
	[sflag:s18] =	ssyncadd.s32 @!p0 $0xFFFFC000  }
0x22: {  	[hbm4b:s14+s13] =	stream.linear.scatter @!p0 [tilespmem:s16], [sflag:$0x2], $0x4000, $0x38;
	[tilespmem:$0xC100] =	vst v63  }
0x23: {  	_ =	swait.ge @!p0 [sflag:s18], $0x4000  }
0x24: {  	[sflag:s18] =	ssyncset.done @!p0 $0x0  }
0x25: {  	s19 =	simm.s32 @!p0 $0x2;
	s14 =	sadd.s32 @!p0 $0x0, s9;
	[sflag:s18] =	ssyncadd.s32 @!p0 $0xFFFFC000  }
0x26: {  	[hbm4b:s14+s13] =	stream.linear.scatter @!p0 [tilespmem:s17], [sflag:$0x2], $0x4000, $0x38;
	[tilespmem:$0xC100] =	vst v63  }
0x27: {  	_ =	swait.ge @!p0 [sflag:s19], $0x4000  }
0x28: {  	[sflag:s19] =	ssyncset.done @!p0 $0x0  }
0x29: {  	[sflag:s19] =	ssyncadd.s32 @!p0 $0xFFFFC000  }
0x2a: {  	_ =	swait.ge @!p0 [sflag:s19], $0x4000  }
0x2b: {  	[sflag:s19] =	ssyncset.done @!p0 $0x0  }
0x2c: {  	s15 =	sadd.s32 $0x200, s10;
	s16 =	simm.s32 $0x20000;
	[sflag:s19] =	ssyncadd.s32 @!p0 $0xFFFFC000  }
0x2d: {  	s13 =	simm.s32 $0x10000;
	s17 =	sadd.s32 $0x20, s6;
	_ =	swait.ge @!p0 [sflag:s19], $0x4000  }
0x2e: {  	s14 =	sadd.s32 $0x200, s8;
	p2 =	sgt.u32 s17, $0x9C3;
	[sflag:s19] =	ssyncset.done @!p0 $0x0  }
.LBB2_2:
0x2f: {  	s18 =	simm.s32 @!p2 $0x0;
	s20 =	simm.s32 @!p2 $0x3;
	[sflag:s19] =	ssyncadd.s32 @!p0 $0xFFFFC000  }
0x30: {  	[tilespmem:s18], [sflag:$0x3] =	stream.linear.gather @!p2 [hbm4b:s15+s18], $0x80, $0x38;
	[tilespmem:$0xC100] =	vst v63  }
0x31: {  	s21 =	smov.u32 s16;
	s16 =	sadd.s32 $0x10000, s16;
	_ =	swait.ge @!p2 [sflag:s20], $0x80  }
0x32: {  	p0 =	por p2, p2;
	p1 =	sne.s32 s16, $0x4F0000;
	[sflag:s20] =	ssyncset.done @!p2 $0x0  }
0x33: {  	s19 =	simm.s32 @!p0 $0x80;
	[sflag:s20] =	ssyncadd.s32 @!p0 $0xFFFFFF80  }
0x34: {  	[tilespmem:s19], [sflag:$0x3] =	stream.linear.gather @!p0 [hbm4b:s14+s18], $0x80, $0x38;
	[tilespmem:$0xC100] =	vst v63  }
0x35: {  	_ =	swait.ge @!p0 [sflag:s20], $0x80  }
0x36: {  	[sflag:s20] =	ssyncset.done @!p0 $0x0  }
0x37: {  	[sflag:s20] =	ssyncadd.s32 @!p0 $0xFFFFFF80;
	s20 =	simm.s32 @!p0 $0x100  }
0x38: {  	[tilespmem:s20], [sflag:$0x1] =	stream.indirect.gather @!p0 [hbm4b:s3+s19], $0x80, s18, s19, $0xb8;
	[tilespmem:$0xC100] =	vst v63  }
0x39: {  	s22 =	simm.s32 @!p0 $0x4100  }
0x3a: {  	[tilespmem:s22], [sflag:$0x1] =	stream.indirect.gather @!p0 [hbm4b:s4+s19], $0x80, s18, s19, $0xb8;
	[tilespmem:$0xC100] =	vst v63  }
0x3b: {  	s23 =	simm.s32 @!p0 $0x8100;
	s24 =	simm.s32 @!p0 $0x1  }
0x3c: {  	[tilespmem:s23], [sflag:$0x1] =	stream.indirect.gather @!p0 [hbm4b:s5+s19], $0x80, s19, s19, $0xb8;
	[tilespmem:$0xC100] =	vst v63  }
0x3d: {  	_ =	swait.ge @!p0 [sflag:s24], $0x4000  }
0x3e: {  	[sflag:s24] =	ssyncset.done @!p0 $0x0  }
0x3f: {  	s19 =	sadd.s32 @!p0 s13, s12;
	[sflag:s24] =	ssyncadd.s32 @!p0 $0xFFFFC000  }
0x40: {  	[hbm4b:s19+s18] =	stream.linear.scatter @!p0 [tilespmem:s20], [sflag:$0x2], $0x4000, $0x38;
	[tilespmem:$0xC100] =	vst v63  }
0x41: {  	_ =	swait.ge @!p0 [sflag:s24], $0x4000  }
0x42: {  	[sflag:s24] =	ssyncset.done @!p0 $0x0  }
0x43: {  	s19 =	sadd.s32 @!p0 s13, s11;
	[sflag:s24] =	ssyncadd.s32 @!p0 $0xFFFFC000  }
0x44: {  	[hbm4b:s19+s18] =	stream.linear.scatter @!p0 [tilespmem:s22], [sflag:$0x2], $0x4000, $0x38;
	[tilespmem:$0xC100] =	vst v63  }
0x45: {  	_ =	swait.ge @!p0 [sflag:s24], $0x4000  }
0x46: {  	[sflag:s24] =	ssyncset.done @!p0 $0x0  }
0x47: {  	s13 =	sadd.s32 @!p0 s13, s9;
	s19 =	simm.s32 @!p0 $0x2;
	[sflag:s24] =	ssyncadd.s32 @!p0 $0xFFFFC000  }
0x48: {  	[hbm4b:s13+s18] =	stream.linear.scatter @!p0 [tilespmem:s23], [sflag:$0x2], $0x4000, $0x38;
	[tilespmem:$0xC100] =	vst v63  }
0x49: {  	s13 =	smov.u32 s21;
	_ =	swait.ge @!p0 [sflag:s19], $0x4000  }
0x4a: {  	[sflag:s19] =	ssyncset.done @!p0 $0x0  }
0x4b: {  	[sflag:s19] =	ssyncadd.s32 @!p0 $0xFFFFC000  }
.Ltmp0:
0x4c: {  	_ =	swait.ge @!p0 [sflag:s19], $0x4000;
	(pc) =	sbr.rel @p1 .LBB2_2-.Ltmp0, $4  }
0x4d: {  	[sflag:s19] =	ssyncset.done @!p0 $0x0  }
0x4e: {  	[sflag:s19] =	ssyncadd.s32 @!p0 $0xFFFFC000  }
0x4f: {  	s17 =	sadd.s32 $0x20, s17;
	s15 =	sadd.s32 $0x200, s15;
	_ =	swait.ge @!p0 [sflag:s19], $0x4000  }
0x50: {  	p2 =	sgt.u32 s17, $0x9C3;
	s14 =	sadd.s32 $0x200, s14;
	[sflag:s19] =	ssyncset.done @!p0 $0x0  }
0x51: {  	s16 =	simm.s32 @!p2 $0x0;
	s17 =	simm.s32 @!p2 $0x3;
	[sflag:s19] =	ssyncadd.s32 @!p0 $0xFFFFC000  }
0x52: {  	[tilespmem:s16], [sflag:$0x3] =	stream.linear.gather @!p2 [hbm4b:s15+s16], $0x80, $0x38;
	[tilespmem:$0xC100] =	vst v63  }
0x53: {  	_ =	swait.ge @!p2 [sflag:s17], $0x80  }
0x54: {  	p0 =	por p2, p2;
	[sflag:s17] =	ssyncset.done @!p2 $0x0  }
0x55: {  	s15 =	simm.s32 @!p0 $0x80;
	[sflag:s17] =	ssyncadd.s32 @!p0 $0xFFFFFF80  }
0x56: {  	[tilespmem:s15], [sflag:$0x3] =	stream.linear.gather @!p0 [hbm4b:s14+s16], $0x80, $0x38;
	[tilespmem:$0xC100] =	vst v63  }
0x57: {  	_ =	swait.ge @!p0 [sflag:s17], $0x80  }
0x58: {  	[sflag:s17] =	ssyncset.done @!p0 $0x0  }
0x59: {  	s14 =	simm.s32 @!p0 $0x100;
	[sflag:s17] =	ssyncadd.s32 @!p0 $0xFFFFFF80  }
0x5a: {  	[tilespmem:s14], [sflag:$0x1] =	stream.indirect.gather @!p0 [hbm4b:s3+s15], $0x80, s16, s15, $0xb8;
	[tilespmem:$0xC100] =	vst v63  }
0x5b: {  	s17 =	simm.s32 @!p0 $0x4100  }
0x5c: {  	[tilespmem:s17], [sflag:$0x1] =	stream.indirect.gather @!p0 [hbm4b:s4+s15], $0x80, s16, s15, $0xb8;
	[tilespmem:$0xC100] =	vst v63  }
0x5d: {  	s18 =	simm.s32 @!p0 $0x8100;
	s19 =	simm.s32 @!p0 $0x1  }
0x5e: {  	[tilespmem:s18], [sflag:$0x1] =	stream.indirect.gather @!p0 [hbm4b:s5+s15], $0x80, s15, s15, $0xb8;
	[tilespmem:$0xC100] =	vst v63  }
0x5f: {  	_ =	swait.ge @!p0 [sflag:s19], $0x4000  }
0x60: {  	[sflag:s19] =	ssyncset.done @!p0 $0x0  }
0x61: {  	s15 =	sadd.s32 @!p0 s13, s12;
	[sflag:s19] =	ssyncadd.s32 @!p0 $0xFFFFC000  }
0x62: {  	[hbm4b:s15+s16] =	stream.linear.scatter @!p0 [tilespmem:s14], [sflag:$0x2], $0x4000, $0x38;
	[tilespmem:$0xC100] =	vst v63  }
0x63: {  	_ =	swait.ge @!p0 [sflag:s19], $0x4000  }
0x64: {  	[sflag:s19] =	ssyncset.done @!p0 $0x0  }
0x65: {  	s14 =	sadd.s32 @!p0 s13, s11;
	[sflag:s19] =	ssyncadd.s32 @!p0 $0xFFFFC000  }
0x66: {  	[hbm4b:s14+s16] =	stream.linear.scatter @!p0 [tilespmem:s17], [sflag:$0x2], $0x4000, $0x38;
	[tilespmem:$0xC100] =	vst v63  }
0x67: {  	_ =	swait.ge @!p0 [sflag:s19], $0x4000  }
0x68: {  	[sflag:s19] =	ssyncset.done @!p0 $0x0  }
0x69: {  	s13 =	sadd.s32 @!p0 s13, s9;
	s14 =	simm.s32 @!p0 $0x2;
	[sflag:s19] =	ssyncadd.s32 @!p0 $0xFFFFC000  }
0x6a: {  	[hbm4b:s13+s16] =	stream.linear.scatter @!p0 [tilespmem:s18], [sflag:$0x2], $0x4000, $0x38;
	[tilespmem:$0xC100] =	vst v63  }
0x6b: {  	_ =	swait.ge @!p0 [sflag:s14], $0x4000  }
0x6c: {  	[sflag:s14] =	ssyncset.done @!p0 $0x0  }
0x6d: {  	s1 =	sadd.s32 $0x1, s1;
	[sflag:s14] =	ssyncadd.s32 @!p0 $0xFFFFC000  }
0x6e: {  	p1 =	sne.s32 s1, s7;
	_ =	swait.ge @!p0 [sflag:s14], $0x4000  }
.Ltmp1:
0x6f: {  	[sflag:s14] =	ssyncset.done @!p0 $0x0;
	(pc) =	sbr.rel @p1 .LBB2_1-.Ltmp1, $4  }
0x70: {  	[sflag:s14] =	ssyncadd.s32 @!p0 $0xFFFFC000  }
0x71: {  	_ =	swait.ge @!p0 [sflag:s14], $0x4000  }
0x72: {  	[sflag:s14] =	ssyncset.done @!p0 $0x0  }
0x73: {  	[sflag:s14] =	ssyncadd.s32 @!p0 $0xFFFFC000  }
0x74: {  	_ =	sfence.sel $0x180000  }
0x75: {  	[bflag:$0x0] =	sbarrier.arrive $0xFFFF  }
0x76: {  	p0 =	sne.s32 s2, $0x0;
	_ =	strace $0x90000053  }
0x77: {  	s0 =	sadd.s32 @!p0 $0x100000, s0;
	[bflag:$0x2] =	sbarrier.arrive $0xFFFF  }
0x78: {  	[sflag:s0] =	ssyncadd.tile.s32 @!p0 $0x1;
	_ =	shalt  }
.Lfunc_end2:
_tile_overlayer_lowered:
.L_overlay_start_2:
0x79: {  	(tag) =	ssettag $0x2  }
0x7a: {  	s0 =	rddreg [dreg:$0x0];
	s2 =	stileid.u32  }
0x7b: {  	s1 =	rddreg [dreg:$0x1];
	p0 =	sne.s32 s2, $0x0  }
0x7c: {  	s3 =	rddreg [dreg:$0x2];
	[bflag:$0x3] =	sbarrier.arrive $0xFFFF;
	s2 =	simm.s32 @!p0 $0x1C03  }
0x7d: {  	[timem:s3], [sflag:s2] =	dma.local @!p0 [hbm:s0], s1  }
0x7e: {  	s0 =	simm.s32 @!p0 $0x3  }
0x7f: {  	_ =	swait.ge @!p0 [sflag:s0], s1  }
0x80: {  	s1 =	ssub.s32 @!p0 $0x0, s1;
	[sflag:s0] =	ssyncset.done @!p0 $0x0  }
0x81: {  	[sflag:s0] =	ssyncadd.s32 @!p0 s1  }
0x82: {  	[bflag:$0x3] =	sbarrier.arrive $0xFFFF  }
0x83: {  	_ =	shalt  }

// kernel: _run.35.cloned.1.call-start
scs
__scs_entry_jumppad:
0x0: {  	(pc) =	sbr.rel $0x88, $3  }
0x1: {  	(tag) =	ssettag $0x0;
	lr =	simm.s32 $0x1  }
0x2: {  	[smem:$0x3F7E] =	sst lr;
	_ =	strace $0xD0000000  }
0x3: {  	_ = 	snop  }
0x4: {  	_ = 	snop  }
0x5: {  	_ = 	snop  }
0x6: {  	_ = 	snop  }
0x7: {  	_ = 	snop  }
__scs_overlays_trampoline_lowered:
0x8: {  	[smem:$0x3F8D] =	sst s0  }
0x9: {  	[smem:$0x3F8E] =	sst s1  }
0xa: {  	[smem:$0x3F8F] =	sst s2  }
0xb: {  	[smem:$0x3F90] =	sst s3  }
0xc: {  	[smem:$0x3F91] =	sst s4  }
0xd: {  	[smem:$0x3F92] =	sst s5  }
0xe: {  	[smem:$0x3F93] =	sst s6  }
0xf: {  	[smem:$0x3F94] =	sst s7  }
0x10: {  	[smem:$0x3F95] =	sst s8  }
0x11: {  	[smem:$0x3F96] =	sst s9;
	s0 =	simm.s32 @!p0 $0x0  }
0x12: {  	s1 =	sld [smem:$0x3F7C];
	s0 =	simm.s32 @p0 $0x1  }
0x13: {  	[smem:$0x3F97] =	sst s0;
	s0 =	simm.s32 @!p1 $0x0  }
0x14: {  	s2 =	sld [smem:$0x3F7B];
	s0 =	simm.s32 @p1 $0x1  }
0x15: {  	[smem:$0x3F98] =	sst s0;
	s0 =	simm.s32 @!p2 $0x0  }
0x16: {  	s3 =	sld [smem:$0x3FDB];
	s0 =	simm.s32 @p2 $0x1  }
0x17: {  	s4 =	simm.s32 $0x1BF5;
	[smem:$0x3F9A] =	sst s0  }
0x18: {  	s0 =	sld [smem:$0x3F7D];
	_ =	swait.ge [sflag:s4], $0x0  }
0x19: {  	s7 =	sld [smem:$0x3F7E]  }
0x1a: {  	s8 =	sadd.s32 $0xFFFFE003, lr  }
0x1b: {  	s9 =	sadd.s32 $0xFFFFFEF7, lr;
	s5 =	simm.s32 $0xFFFFFFFF;
	p2 =	slt.u32 s8, $0xFFFFF086  }
0x1c: {  	p1 =	slt.u32 s9, $0xF7A;
	s5 =	simm.s32 @!p2 $0x0  }
0x1d: {  	s5 =	simm.s32 @p1 $0x1;
	p0 =	seq.s32 s7, s2  }
0x1e: {  	s7 =	smul.u32 @!p0 $0xF7A, s2;
	p2 =	seq.s32 @!p0 s5, $0x0  }
0x1f: {  	s9 =	smul.u32 $0xF7A, s1;
	s8 =	simm.s32 @!p0 $0x1BF5;
	p2 =	por !p2, p0  }
0x20: {  	[sflag:s8] =	ssyncset.s32 @!p0 $0xFFFFF086;
	s6 =	sadd.s32 @!p0 s3, s7;
	s7 =	simm.s32 @!p0 $0x108  }
0x21: {  	s3 =	sadd.s32 s3, s9;
	s6 =	sadd.s32 @!p0 $0x88, s6;
	s7 =	simm.s32 @p2 $0x1082  }
0x22: {  	[simem:s7], [sflag:s8] =	dma.local @!p0 [hbm:s6], $0xF7A  }
0x23: {  	s9 =	sor.u32 $0xD0000000, s2;
	s6 =	simm.s32 $0x108;
	_ =	swait.ge @!p0 [sflag:s8], $0x0  }
0x24: {  	s3 =	sadd.s32 $0x88, s3;
	s6 =	simm.s32 @!p1 $0x1082;
	[sflag:s4] =	ssyncset.s32 $0xFFFFF086  }
0x25: {  	[simem:s6], [sflag:s4] =	dma.local [hbm:s3], $0xF7A  }
0x26: {  	[smem:$0x3F7E] =	sst s1;
	(tag) =	ssettag s2;
	_ =	strace s9  }
0x27: {  	s1 =	sld [smem:$0x3F8E]  }
0x28: {  	s2 =	sld [smem:$0x3F8F]  }
0x29: {  	s4 =	sld [smem:$0x3F91]  }
0x2a: {  	p0 =	seq.s32 s5, $0x0;
	s5 =	sld [smem:$0x3F92]  }
0x2b: {  	s6 =	sld [smem:$0x3F93]  }
0x2c: {  	s7 =	sld [smem:$0x3F94]  }
0x2d: {  	s3 =	simm.s32 $0x108;
	s8 =	sld [smem:$0x3F95]  }
0x2e: {  	s3 =	simm.s32 @!p0 $0x1082;
	s9 =	sld [smem:$0x3F96]  }
0x2f: {  	lr =	sadd.s32 s0, s3;
	s0 =	sld [smem:$0x3F8D]  }
0x30: {  	s3 =	sld [smem:$0x3F90]  }
0x31: {  	[smem:$0x3F99] =	sst s10  }
0x32: {  	s10 =	sld [smem:$0x3F97];
	_ =	sdelay $0x3  }
0x33: {  	p0 =	seq.s32 s10, $0x1;
	s10 =	sld [smem:$0x3F99];
	_ =	sdelay $0x3  }
0x34: {  	[smem:$0x3F99] =	sst s10  }
0x35: {  	s10 =	sld [smem:$0x3F98];
	_ =	sdelay $0x3  }
0x36: {  	p1 =	seq.s32 s10, $0x1;
	s10 =	sld [smem:$0x3F99];
	_ =	sdelay $0x3  }
0x37: {  	[smem:$0x3F99] =	sst s10  }
0x38: {  	s10 =	sld [smem:$0x3F9A]  }
0x39: {  	_ = 	snop;
	(pc) =	sbr.ind lr, $3  }
0x3a: {  	_ = 	snop  }
0x3b: {  	_ = 	snop  }
0x3c: {  	p2 =	seq.s32 s10, $0x1;
	s10 =	sld [smem:$0x3F99]  }
0x3d: {  	_ =	shalt  }
0x3e: {  	_ =	shalt  }
0x3f: {  	_ =	shalt  }
0x40: {  	_ =	shalt  }
0x41: {  	_ =	shalt  }
0x42: {  	_ =	shalt  }
0x43: {  	_ =	shalt  }
0x44: {  	_ =	shalt  }
0x45: {  	_ =	shalt  }
0x46: {  	_ =	shalt  }
0x47: {  	_ =	shalt  }
0x48: {  	_ =	shalt  }
0x49: {  	_ =	shalt  }
0x4a: {  	_ =	shalt  }
0x4b: {  	_ =	shalt  }
0x4c: {  	_ =	shalt  }
0x4d: {  	_ =	shalt  }
0x4e: {  	_ =	shalt  }
0x4f: {  	_ =	shalt  }
0x50: {  	_ =	shalt  }
0x51: {  	_ =	shalt  }
0x52: {  	_ =	shalt  }
0x53: {  	_ =	shalt  }
0x54: {  	_ =	shalt  }
0x55: {  	_ =	shalt  }
0x56: {  	_ =	shalt  }
0x57: {  	_ =	shalt  }
0x58: {  	_ =	shalt  }
0x59: {  	_ =	shalt  }
0x5a: {  	_ =	shalt  }
0x5b: {  	_ =	shalt  }
0x5c: {  	_ =	shalt  }
0x5d: {  	_ =	shalt  }
0x5e: {  	_ =	shalt  }
0x5f: {  	_ =	shalt  }
0x60: {  	_ =	shalt  }
0x61: {  	_ =	shalt  }
0x62: {  	_ =	shalt  }
0x63: {  	_ =	shalt  }
0x64: {  	_ =	shalt  }
0x65: {  	_ =	shalt  }
0x66: {  	_ =	shalt  }
0x67: {  	_ =	shalt  }
0x68: {  	_ =	shalt  }
0x69: {  	_ =	shalt  }
0x6a: {  	_ =	shalt  }
0x6b: {  	_ =	shalt  }
0x6c: {  	_ =	shalt  }
0x6d: {  	_ =	shalt  }
0x6e: {  	_ =	shalt  }
0x6f: {  	_ =	shalt  }
0x70: {  	_ =	shalt  }
0x71: {  	_ =	shalt  }
0x72: {  	_ =	shalt  }
0x73: {  	_ =	shalt  }
0x74: {  	_ =	shalt  }
0x75: {  	_ =	shalt  }
0x76: {  	_ =	shalt  }
0x77: {  	_ =	shalt  }
0x78: {  	_ =	shalt  }
0x79: {  	_ =	shalt  }
0x7a: {  	_ =	shalt  }
0x7b: {  	_ =	shalt  }
0x7c: {  	_ =	shalt  }
0x7d: {  	_ =	shalt  }
0x7e: {  	_ =	shalt  }
0x7f: {  	_ =	shalt  }
0x80: {  	_ =	shalt  }
0x81: {  	_ =	shalt  }
0x82: {  	_ =	shalt  }
0x83: {  	_ =	shalt  }
0x84: {  	_ =	shalt  }
0x85: {  	_ =	shalt  }
0x86: {  	_ =	shalt  }
0x87: {  	_ =	shalt  }
.Lfunc_end0:
.L_simem_size_0:
called_computation.5_lowered:
.L_overlay_start_0:
0x88: {  	s2 =	sld [smem:$0x3FD9]  }
0x89: {  	s3 =	sld [smem:$0x3FFE];
	_ =	sdelay $0x1  }
0x8a: {  	s1 =	srdreg.scid  }
0x8b: {  	s0 =	sand.u32 $0x1, s1  }
0x8c: {  	s16 =	sshll.u32 s0, $0xA;
	s2 =	sadd.s32 s3, s2  }
0x8d: {  	s2 =	sadd.s32 s2, s16  }
0x8e: {  	[smem:$0x3FA5] =	sst s2  }
0x8f: {  	_ = 	snop  }
0x90: {  	(tm) =	ssettm $0x1  }
0x91: {  	s17 =	sld [smem:$0x3FFB];
	_ =	sdelay $0x3  }
0x92: {  	_ =	strace s17  }
0x93: {  	s2 =	sld [smem:$0x3FFC];
	_ =	sdelay $0x3  }
0x94: {  	_ =	strace s2  }
0x95: {  	s2 =	sld [smem:$0x3FFD];
	_ =	sdelay $0x3  }
0x96: {  	_ =	strace s2  }
0x97: {  	_ =	strace $0x8FFFFFFF  }
0x98: {  	s18 =	sld [smem:$0x3FDB];
	_ =	sdelay $0x1  }
0x99: {  	s19 =	simm.s32 $_scs_section_size  }
0x9a: {  	s4 =	simm.s32 $_size__tile_overlayer_lowered;
	s5 =	simm.s32 $_tile_overlayer_lowered  }
0x9b: {  	s22 =	simm.s32 $0x1BFF;
	s21 =	sshll.u32 s5, $0x1;
	s2 =	sadd.s32 s19, s18  }
0x9c: {  	s6 =	simm.s32 $0x0;
	s20 =	sshll.u32 s4, $0x1;
	s4 =	sadd.s32 s21, s2  }
0x9d: {  	[timem:s6], [sflag:s22] =	dma.local [hbm:s4], s20  }
0x9e: {  	_ =	swait.ge [sflag:s22], s20  }
0x9f: {  	s3 =	ssub.s32 $0x0, s20;
	[sflag:s22] =	ssyncset.done $0x0  }
0xa0: {  	[sflag:s22] =	ssyncadd.s32 s3;
	_ =	sdelay $0x1  }
0xa1: {  	s23 =	simm.s32 $0x1B8B  }
0xa2: {  	_ =	swait.ge [sflag:s23], $0x1  }
0xa3: {  	[sflag:s23] =	ssyncset.done $0x0  }
0xa4: {  	s25 =	simm.s32 $0x1B8E;
	s24 =	sld [smem:$0x3FFE];
	[sflag:s23] =	ssyncadd.s32 $0xFFFFFFFF  }
0xa5: {  	s26 =	simm.s32 $execute0_lowered;
	[smem:$0x3FD2] =	sst s25  }
0xa6: {  	s4 =	sshll.u32 s26, $0x1;
	_ =	strace $0x80000055;
	[dreg:$0x1] =	wrdreg $0xFFFFFFFF  }
0xa7: {  	s28 =	simm.s32 $_size_execute0_lowered;
	s2 =	sadd.s32 s2, s4;
	[dreg:$0x0] =	wrdreg $0x0  }
0xa8: {  	s4 =	sshll.u32 s28, $0x1;
	[dreg:$0x2] =	wrdreg s2  }
0xa9: {  	[dreg:$0x3] =	wrdreg s4  }
0xaa: {  	[dreg:$0x4] =	wrdreg $0xC0  }
0xab: {  	_ =	task [dreg:s6], $0x5FFFF  }
0xac: {  	[dreg:$0x1] =	wrdreg $0xFFFFFFFF  }
0xad: {  	[dreg:$0x0] =	wrdreg $0x60  }
0xae: {  	[dreg:$0x2] =	wrdreg s24  }
0xaf: {  	[dreg:$0x3] =	wrdreg $0x40800  }
0xb0: {  	[dreg:$0x4] =	wrdreg $0x9  }
0xb1: {  	_ =	task.clear_ibuf [dreg:s6], $0x5FFFF;
	_ =	strace $0x90000055  }
0xb2: {  	s29 =	simm.s32 $0x9;
	_ =	strace $0x80000057  }
0xb3: {  	_ =	swait.ge [sflag:s29], $0x1  }
0xb4: {  	[sflag:s29] =	ssyncadd.s32 $0xFFFFFFFF  }
0xb5: {  	_ =	strace $0x90000057  }
0xb6: {  	_ =	sfence  }
0xb7: {  	s30 =	sld [smem:$0x0];
	_ =	sdelay $0x2  }
0xb8: {  	s31 =	sshll.u32 s1, $0xD;
	s1 =	sshrl.u32 s1, $0x2  }
0xb9: {  	s3 =	sand.u32 $0x4000, s31;
	s1 =	sadd.s32 s1, s30  }
0xba: {  	s0 =	sor.u32 s3, s0;
	s1 =	sshll.u32 s1, $0x11  }
0xbb: {  	s0 =	sor.u32 s1, s0  }
0xbc: {  	s0 =	sadd.s32 $0x8F2B, s0  }
0xbd: {  	[sflag:s0] =	ssyncadd.remote.s32 $0x1  }
0xbe: {  	_ =	sfence.sel $0xFFFF  }
0xbf: {  	[dreg:$0x0] =	wrdreg $0xFFFFFFFF;
	(pc) =	sbr.abs _section_cstart, $3  }
0xc0: {  	[dreg:$0x1] =	wrdreg $0xFFFFFFFF  }
0xc1: {  	_ =	task.clear_ibuf [dreg:s6], $0x2FFFF;
	_ =	strace $0x9FFFFFFF  }
0xc2: {  	(tm) =	ssettm $0x7FFFFFFF  }
0xc3: {  	_ =	shalt  }
tec
execute0_lowered:
.L_overlay_start_1:
0x0: {  	(tag) =	ssettag $0x1  }
0x1: {  	s10 =	rddreg [dreg:$0x0]  }
0x2: {  	s2 =	rddreg [dreg:$0x1]  }
0x3: {  	s0 =	rddreg [dreg:$0x2]  }
0x4: {  	s3 =	simm.s32 $0x0;
	s1 =	stileid.u32;
	s5 =	srdreg.scid  }
0x5: {  	s15 =	simm.s32 $0x1E06800;
	[smem:$0x7FF] =	sst s3;
	s6 =	smul.u32 $0x13800, s1  }
0x6: {  	s4 =	sshll.u32 s1, $0x4;
	s7 =	sand.u32 $0x1, s5;
	s8 =	smul.u32 $0x4E000, s1  }
0x7: {  	s9 =	sadd.s32 $0x44E00, s10;
	s28 =	sshll.u32 s1, $0x6;
	s14 =	sadd.s32 $0x138000, s2  }
0x8: {  	s31 =	sshll.u32 s1, $0xB;
	_ =	strace $0x80000056;
	s11 =	sadd.s32 s4, s10  }
0x9: {  	s5 =	ssub.s32 $0x2, s7;
	s26 =	smul.u32 $0x138800, s7;
	p0 =	seq.s32 s7, $0x1  }
0xa: {  	s7 =	sadd.s32 $0x44C00, s10;
	s24 =	sshrl.u32 s6, $0x3;
	s12 =	sshrl.u32 s5, $0x1  }
0xb: {  	s25 =	sshrl.u32 s8, $0x2;
	s15 =	simm.s32 @!p0 $0x1924800;
	p0 =	sne.s32 s1, $0xF  }
0xc: {  	s4 =	sadd.s32 s24, s10;
	s12 =	ssub.s32 s5, s12;
	s13 =	sadd.s32 s25, s2  }
0xd: {  	s5 =	sor.u32 $0x1C01, s28;
	s6 =	sadd.s32 s6, s26;
	s29 =	sshrl.u32 s26, $0x3  }
0xe: {  	s30 =	sadd.s32 s15, s10;
	s10 =	sadd.s32 $0x13E00, s11;
	s14 =	sshrl.u32 @!p0 s14, $0x3  }
0xf: {  	s4 =	sadd.s32 $0x1DC00, s4;
	s6 =	sshrl.u32 s6, $0x3;
	s8 =	sadd.s32 s9, s29  }
0x10: {  	s11 =	sadd.s32 s31, s30;
	s6 =	sadd.s32 s9, s6;
	s8 =	sadd.s32 $0x27000, s8  }
0x11: {  	s9 =	smax.u32 s12, $0x1;
	s12 =	sshrl.u32 s13, $0x3;
	s13 =	simm.s32 $0x1  }
.LBB2_1:
0x12: {  	[spmem:s12], [sflag:s5] =	dma.local [hbm:s4], $0x2700  }
0x13: {  	_ =	swait.ge [sflag:s13], $0x2700  }
0x14: {  	[sflag:s13] =	ssyncset.done $0x0  }
0x15: {  	s15 =	simm.s32 @!p0 $0x1;
	[sflag:s13] =	ssyncadd.s32 $0xFFFFD900  }
0x16: {  	[spmem:s14], [sflag:s5] =	dma.local @!p0 [hbm:s7], $0x100  }
0x17: {  	_ =	swait.ge @!p0 [sflag:s15], $0x100  }
0x18: {  	s16 =	sadd.s32 $0x0, s1;
	[sflag:s15] =	ssyncset.done @!p0 $0x0  }
0x19: {  	p1 =	sgt.u32 s16, $0x9C3;
	[sflag:s15] =	ssyncadd.s32 @!p0 $0xFFFFFF00  }
0x1a: {  	s17 =	simm.s32 @!p1 $0x2;
	s15 =	simm.s32 @!p1 $0x0;
	[bflag:$0x0] =	sbarrier.arrive $0xFFFF  }
0x1b: {  	[tilespmem:s15], [sflag:$0x2] =	stream.linear.gather @!p1 [hbm4b:s10+s15], $0x80, $0x38;
	[tilespmem:$0x17900] =	vst v63  }
0x1c: {  	_ =	swait.ge @!p1 [sflag:s17], $0x80  }
0x1d: {  	[sflag:s17] =	ssyncset.done @!p1 $0x0;
	p1 =	por p1, p1  }
0x1e: {  	[sflag:s17] =	ssyncadd.s32 @!p1 $0xFFFFFF80;
	s19 =	simm.s32 @!p1 $0x80  }
0x1f: {  	[tilespmem:s19], [sflag:$0x2] =	stream.linear.gather @!p1 [hbm4b:s11+s15], $0x4000, $0x38;
	[tilespmem:$0x17900] =	vst v63  }
0x20: {  	_ =	swait.ge @!p1 [sflag:s17], $0x4000  }
0x21: {  	[sflag:s17] =	ssyncset.done @!p1 $0x0  }
0x22: {  	s31 =	sadd.s32 $0x10, s1;
	s18 =	simm.s32 @!p1 $0x1;
	[sflag:s17] =	ssyncadd.s32 @!p1 $0xFFFFC000  }
0x23: {  	[spmem:s2] =	stream.indirect.scatter.add.f32 @!p1 [tilespmem:s19], [sflag:$0x1], $0x80, s15, s19, $0xb8;
	[tilespmem:$0x17900] =	vst v63  }
0x24: {  	s16 =	simm.s32 $0x20;
	p2 =	sgt.u32 s31, $0x9C3;
	_ =	swait.ge @!p1 [sflag:s18], $0x4000  }
0x25: {  	s17 =	sadd.s32 $0x100, s10;
	s15 =	sadd.s32 $0x8000, s11;
	[sflag:s18] =	ssyncset.done @!p1 $0x0  }
.LBB2_2:
0x26: {  	s19 =	simm.s32 @!p2 $0x0;
	s20 =	simm.s32 @!p2 $0x2;
	[sflag:s18] =	ssyncadd.s32 @!p1 $0xFFFFC000  }
0x27: {  	[tilespmem:s19], [sflag:$0x2] =	stream.linear.gather @!p2 [hbm4b:s17+s19], $0x80, $0x38;
	[tilespmem:$0x17900] =	vst v63  }
0x28: {  	s21 =	smov.u32 s16;
	s16 =	sadd.s32 $0x10, s16;
	_ =	swait.ge @!p2 [sflag:s20], $0x80  }
0x29: {  	p1 =	por p2, p2;
	p3 =	sne.s32 s16, $0x9D0;
	[sflag:s20] =	ssyncset.done @!p2 $0x0  }
0x2a: {  	s22 =	simm.s32 @!p1 $0x80;
	[sflag:s20] =	ssyncadd.s32 @!p1 $0xFFFFFF80  }
0x2b: {  	[tilespmem:s22], [sflag:$0x2] =	stream.linear.gather @!p1 [hbm4b:s15+s19], $0x4000, $0x38;
	[tilespmem:$0x17900] =	vst v63  }
0x2c: {  	_ =	swait.ge @!p1 [sflag:s20], $0x4000  }
.Ltmp0:
0x2d: {  	[sflag:s20] =	ssyncset.done @!p1 $0x0;
	(pc) =	sbr.rel @p3 .LBB2_2-.Ltmp0, $4  }
0x2e: {  	s18 =	simm.s32 @!p1 $0x1;
	[sflag:s20] =	ssyncadd.s32 @!p1 $0xFFFFC000  }
0x2f: {  	[spmem:s2] =	stream.indirect.scatter.add.f32 @!p1 [tilespmem:s22], [sflag:$0x1], $0x80, s19, s22, $0xb8;
	[tilespmem:$0x17900] =	vst v63  }
0x30: {  	s15 =	sadd.s32 $0x8000, s15;
	s19 =	sadd.s32 s21, s1;
	_ =	swait.ge @!p1 [sflag:s18], $0x4000  }
0x31: {  	s17 =	sadd.s32 $0x100, s17;
	p2 =	sgt.u32 s19, $0x9C3;
	[sflag:s18] =	ssyncset.done @!p1 $0x0  }
0x32: {  	s16 =	simm.s32 @!p2 $0x0;
	s19 =	simm.s32 @!p2 $0x2;
	[sflag:s18] =	ssyncadd.s32 @!p1 $0xFFFFC000  }
0x33: {  	[tilespmem:s16], [sflag:$0x2] =	stream.linear.gather @!p2 [hbm4b:s17+s16], $0x80, $0x38;
	[tilespmem:$0x17900] =	vst v63  }
0x34: {  	_ =	swait.ge @!p2 [sflag:s19], $0x80  }
0x35: {  	p1 =	por p2, p2;
	[sflag:s19] =	ssyncset.done @!p2 $0x0  }
0x36: {  	s17 =	simm.s32 @!p1 $0x80;
	[sflag:s19] =	ssyncadd.s32 @!p1 $0xFFFFFF80  }
0x37: {  	[tilespmem:s17], [sflag:$0x2] =	stream.linear.gather @!p1 [hbm4b:s15+s16], $0x4000, $0x38;
	[tilespmem:$0x17900] =	vst v63  }
0x38: {  	_ =	swait.ge @!p1 [sflag:s19], $0x4000  }
0x39: {  	[sflag:s19] =	ssyncset.done @!p1 $0x0  }
0x3a: {  	s15 =	simm.s32 @!p1 $0x1;
	[sflag:s19] =	ssyncadd.s32 @!p1 $0xFFFFC000  }
0x3b: {  	[spmem:s2] =	stream.indirect.scatter.add.f32 @!p1 [tilespmem:s17], [sflag:$0x1], $0x80, s16, s17, $0xb8;
	[tilespmem:$0x17900] =	vst v63  }
0x3c: {  	_ =	swait.ge @!p1 [sflag:s15], $0x4000  }
0x3d: {  	[sflag:s15] =	ssyncset.done @!p1 $0x0  }
0x3e: {  	[sflag:s15] =	ssyncadd.s32 @!p1 $0xFFFFC000  }
0x3f: {  	[bflag:$0x0] =	sbarrier.arrive $0xFFFF  }
0x40: {  	[hbm:s6], [sflag:s5] =	dma.local [spmem:s12], $0x2700  }
0x41: {  	s3 =	sadd.s32 $0x1, s3;
	_ =	swait.ge [sflag:s13], $0x2700  }
0x42: {  	p1 =	sne.s32 s3, s9;
	[sflag:s13] =	ssyncset.done $0x0  }
.Ltmp1:
0x43: {  	s15 =	simm.s32 @!p0 $0x1;
	[sflag:s13] =	ssyncadd.s32 $0xFFFFD900;
	(pc) =	sbr.rel @p1 .LBB2_1-.Ltmp1, $4  }
0x44: {  	[hbm:s8], [sflag:s5] =	dma.local @!p0 [spmem:s14], $0x100  }
0x45: {  	_ =	swait.ge @!p0 [sflag:s15], $0x100  }
0x46: {  	[sflag:s15] =	ssyncset.done @!p0 $0x0  }
0x47: {  	[sflag:s15] =	ssyncadd.s32 @!p0 $0xFFFFFF00  }
0x48: {  	_ =	sfence.sel $0x180000  }
0x49: {  	[bflag:$0x0] =	sbarrier.arrive $0xFFFF  }
0x4a: {  	p0 =	sne.s32 s1, $0x0;
	_ =	strace $0x90000056  }
0x4b: {  	s0 =	sadd.s32 @!p0 $0x100000, s0;
	[bflag:$0x2] =	sbarrier.arrive $0xFFFF  }
0x4c: {  	[sflag:s0] =	ssyncadd.tile.s32 @!p0 $0x1;
	_ =	shalt  }
.Lfunc_end2:
_tile_overlayer_lowered:
.L_overlay_start_2:
0x4d: {  	(tag) =	ssettag $0x2  }
0x4e: {  	s0 =	rddreg [dreg:$0x0];
	s2 =	stileid.u32  }
0x4f: {  	s1 =	rddreg [dreg:$0x1];
	p0 =	sne.s32 s2, $0x0  }
0x50: {  	s3 =	rddreg [dreg:$0x2];
	[bflag:$0x3] =	sbarrier.arrive $0xFFFF;
	s2 =	simm.s32 @!p0 $0x1C01  }
0x51: {  	[timem:s3], [sflag:s2] =	dma.local @!p0 [hbm:s0], s1  }
0x52: {  	s0 =	simm.s32 @!p0 $0x1  }
0x53: {  	_ =	swait.ge @!p0 [sflag:s0], s1  }
0x54: {  	s1 =	ssub.s32 @!p0 $0x0, s1;
	[sflag:s0] =	ssyncset.done @!p0 $0x0  }
0x55: {  	[sflag:s0] =	ssyncadd.s32 @!p0 s1  }
0x56: {  	[bflag:$0x3] =	sbarrier.arrive $0xFFFF  }
0x57: {  	_ =	shalt  }

</sc_bundles>
